<compile_context>
chip_gen: v7x
topology: tpu7x:2x2x1
jax: 0.10.2.dev20260603
libtpu: 0.0.44.dev20260713+nightly
codegen_flags: <defaults>
</compile_context>

<pallas_src>
import functools

import jax
import jax.numpy as jnp
from jax import lax
from jax.experimental import pallas as pl
from jax.experimental.pallas import tpu as pltpu
from jax.experimental.pallas import tpu_sc as plsc

N = 10000
E = 320000
D = 128
NC = 2
NS = 16
NW = NC * NS
K = 128
GCH = E // K
NCH = GCH // NW
NCH_MAX = NCH + 2
DCH = GCH // NS
DCH_MAX = DCH + 4
SEG = 640
N_PAD = NS * SEG
HSEG = SEG // 2

_MESH = plsc.VectorSubcoreMesh(core_axis_name="c", subcore_axis_name="s")


BK = 10
DCH_B = 160
DCH_T = GCH - (NS - 1) * DCH_B


def _dinv_body(edge_hbm, out_hbm, didx, ones, ssem, dv, bc, acc):
    c = lax.axis_index("c")
    s = lax.axis_index("s")

    @pl.loop(0, SEG // 16)
    def _(i):
        ones[pl.ds(i * 16, 16)] = jnp.zeros((16,), jnp.float32)

    pltpu.sync_copy(ones, acc.at[pl.ds(s * SEG, SEG)])

    @pl.loop(0, K // 16)
    def _(i):
        ones[pl.ds(i * 16, 16)] = jnp.ones((16,), jnp.float32)

    nch = jnp.where(s < NS - 1, DCH_B, GCH - (NS - 1) * DCH_B)

    @pl.when(s < NS - 1)
    def _():
        pltpu.sync_copy(edge_hbm.at[1].at[pl.ds(s * DCH_B, DCH_B)], didx)

    @pl.when(s == NS - 1)
    def _():
        pltpu.sync_copy(edge_hbm.at[1].at[pl.ds((NS - 1) * DCH_B, DCH_T)],
                        didx.at[pl.ds(0, DCH_T)])

    plsc.subcore_barrier()

    ones_k = ones.at[pl.ds(0, K)]

    @pl.loop(0, nch, step=BK)
    def _(j):
        for t in range(BK):
            pltpu.async_copy(ones_k, acc.at[didx.at[j + t]], ssem, add=True)
        for t in range(BK):
            pltpu.make_async_copy(ones_k, acc.at[didx.at[j + t]], ssem).wait()

    plsc.subcore_barrier()

    base = c * (N_PAD // 2) + s * HSEG
    pltpu.sync_copy(acc.at[pl.ds(base, HSEG)], dv)

    @pl.loop(0, HSEG // 16)
    def _(i):
        v = dv[pl.ds(i * 16, 16)]
        bits = plsc.bitcast(v, jnp.int32)
        bits = jnp.int32(0x5F3759DF) - (bits >> 1)
        y = plsc.bitcast(bits, jnp.float32)
        for _ in range(3):
            y = y * (1.5 - 0.5 * v * y * y)
        dv[pl.ds(i * 16, 16)] = jnp.where(v > 0.5, y, 0.0)

    @pl.loop(0, HSEG)
    def _(r):
        idxv = jnp.full((16,), r, dtype=jnp.int32)
        row = plsc.load_gather(dv, [idxv])
        for jj in range(D // 16):
            bc[r, pl.ds(jj * 16, 16)] = row

    pltpu.sync_copy(bc, out_hbm.at[pl.ds(base, HSEG)])


_dinv_call = functools.partial(
    pl.kernel,
    out_type=jax.ShapeDtypeStruct((N_PAD, D), jnp.float32),
    mesh=_MESH,
    scratch_types=[
        pltpu.VMEM((DCH_B, K), jnp.int32),
        pltpu.VMEM((SEG,), jnp.float32),
        pltpu.SemaphoreType.DMA,
        pltpu.VMEM((HSEG,), jnp.float32),
        pltpu.VMEM((HSEG, D), jnp.float32),
        pltpu.VMEM_SHARED((N_PAD,), jnp.float32),
    ],
    compiler_params=pltpu.CompilerParams(needs_layout_passes=False),
)(_dinv_body)


H = K // 2


def _main_body(xs_hbm, edge_hbm, out_hbm,
               sibuf, sisem, dibuf, disem, rbuf, rsem, ssem, acc):
    c = lax.axis_index("c")
    s = lax.axis_index("s")
    wid = s * NC + c
    nch = NCH + jnp.where(wid < GCH - NCH * NW, 1, 0)

    def chunk(jj):
        return jnp.where(jj < NCH, wid * NCH + jj, NCH * NW + wid)

    @pl.loop(0, K)
    def _(i):
        for jj in range(D // 16):
            rbuf[0][i, pl.ds(jj * 16, 16)] = jnp.zeros((16,), jnp.float32)

    for k in range(SEG // K):
        pltpu.sync_copy(rbuf[0], acc.at[pl.ds(s * SEG + k * K, K)])

    plsc.subcore_barrier()

    def start_idx(jj, slot):
        g = chunk(jj)
        pltpu.async_copy(edge_hbm.at[0, pl.ds(g * K, K)], sibuf[slot],
                         sisem[slot])
        pltpu.async_copy(edge_hbm.at[1, pl.ds(g * K, H)], dibuf[slot].at[0],
                         disem[slot])
        pltpu.async_copy(edge_hbm.at[1, pl.ds(g * K + H, H)],
                         dibuf[slot].at[1], disem[slot])

    def wait_sidx(slot):
        pltpu.make_async_copy(edge_hbm.at[0, pl.ds(0, K)], sibuf[slot],
                              sisem[slot]).wait()

    def wait_didx(slot):
        for h in range(2):
            pltpu.make_async_copy(edge_hbm.at[1, pl.ds(0, H)],
                                  dibuf[slot].at[h], disem[slot]).wait()

    def start_rows(slot, rb):
        pltpu.async_copy(xs_hbm.at[sibuf[slot]], rbuf[rb], rsem[rb])

    def wait_rows(slot, rb):
        pltpu.make_async_copy(xs_hbm.at[sibuf[slot]], rbuf[rb],
                              rsem[rb]).wait()

    for t in range(4):
        start_idx(t, t)
    for t in range(2):
        wait_sidx(t)
        start_rows(t, t)

    @pl.loop(0, NCH_MAX, step=4)
    def _(j):
        for b in range(4):
            jj = j + b
            rb = b % 2

            @pl.when(jj < nch)
            def _():
                wait_rows(b, rb)
                wait_didx(b)
                for h in range(2):
                    pltpu.async_copy(rbuf[rb].at[pl.ds(h * H, H)],
                                     acc.at[dibuf[b].at[h]], ssem[h],
                                     add=True)
                for h in range(2):
                    pltpu.make_async_copy(rbuf[rb].at[pl.ds(h * H, H)],
                                          acc.at[dibuf[b].at[h]],
                                          ssem[h]).wait()

            @pl.when(jj + 4 < nch)
            def _():
                start_idx(jj + 4, b)

            @pl.when(jj + 2 < nch)
            def _():
                wait_sidx((b + 2) % 4)
                start_rows((b + 2) % 4, rb)

    plsc.subcore_barrier()
    pltpu.sync_copy(acc.at[pl.ds(s * SEG, SEG)],
                    out_hbm.at[c].at[pl.ds(s * SEG, SEG)])


_main_call = functools.partial(
    pl.kernel,
    out_type=jax.ShapeDtypeStruct((NC, N_PAD, D), jnp.float32),
    mesh=_MESH,
    scratch_types=[
        [pltpu.VMEM((K,), jnp.int32)] * 4,
        [pltpu.SemaphoreType.DMA] * 4,
        [pltpu.VMEM((2, H), jnp.int32)] * 4,
        [pltpu.SemaphoreType.DMA] * 4,
        [pltpu.VMEM((K, D), jnp.float32)] * 2,
        [pltpu.SemaphoreType.DMA] * 2,
        [pltpu.SemaphoreType.DMA] * 2,
        pltpu.VMEM_SHARED((N_PAD, D), jnp.float32),
    ],
)(_main_body)


def _prescale_body(x_ref, dinv_ref, xs_ref):
    xs_ref[...] = x_ref[...] * dinv_ref[...]


def _postscale_body(q_ref, dinv_ref, o_ref):
    o_ref[...] = (q_ref[0] + q_ref[1]) * dinv_ref[...]


_RB = 1000
_G = N // _RB

_prescale = pl.pallas_call(
    _prescale_body,
    grid=(_G,),
    in_specs=[
        pl.BlockSpec((_RB, D), lambda i: (i, 0)),
        pl.BlockSpec((_RB, D), lambda i: (i, 0)),
    ],
    out_specs=pl.BlockSpec((_RB, D), lambda i: (i, 0)),
    out_shape=jax.ShapeDtypeStruct((N, D), jnp.float32),
)

_postscale = pl.pallas_call(
    _postscale_body,
    grid=(_G,),
    in_specs=[
        pl.BlockSpec((NC, _RB, D), lambda i: (0, i, 0)),
        pl.BlockSpec((_RB, D), lambda i: (i, 0)),
    ],
    out_specs=pl.BlockSpec((_RB, D), lambda i: (i, 0)),
    out_shape=jax.ShapeDtypeStruct((N, D), jnp.float32),
)


@jax.jit
def kernel(x, edge_index):
    edge3 = edge_index.reshape(2, GCH, K)
    dinv = _dinv_call(edge3)
    xs = _prescale(x, dinv)
    q = _main_call(xs, edge_index)
    return _postscale(q, dinv)

# --- scband reference (transcript-rebuilt; emitter-appended) ---
"""Pipeline reference for scband-en-gcn-72086731096702 (READ-ONLY COPY).

The authoritative reference and input builder live on the scoring server;
editing this copy changes nothing except your own understanding.
"""

import jax, jax.numpy as jnp
import numpy as np

N_NODES = 10000
N_EDGES = 320000
D_FEAT = 128


def setup_inputs(seed: int = 0) -> dict:
    key = jax.random.key(seed)
    k1, k2 = jax.random.split(key)
    x = jax.random.normal(k1, (N_NODES, D_FEAT), dtype=jnp.float32)
    edge_index = jax.random.randint(k2, (2, N_EDGES), 0, N_NODES, dtype=jnp.int32)
    return {"x": x, "edge_index": edge_index}


def reference(x, edge_index):
    # EnGCN.propagate: out = D^{-1/2} * adj_t * D^{-1/2} @ x
    # adj_t[dst, src] = 1 for each edge (src -> dst); deg = adj_t.sum(dim=1) = in-degree of dst
    src = edge_index[0]
    dst = edge_index[1]
    n = x.shape[0]
    deg = jnp.zeros((n,), dtype=jnp.float32).at[dst].add(1.0)
    deg_inv_sqrt = jnp.power(deg, -0.5)
    deg_inv_sqrt = jnp.where(jnp.isinf(deg_inv_sqrt), 0.0, deg_inv_sqrt)
    # message: gather x at src, scale by dinv[src], scatter-add into dst, scale by dinv[dst]
    msg = jnp.take(x, src, axis=0) * deg_inv_sqrt[src][:, None]
    out = jnp.zeros_like(x).at[dst].add(msg)
    out = out * deg_inv_sqrt[:, None]
    return out

if __name__ == "__main__":
    import jax
    _d = setup_inputs()
    print(jax.jit(kernel)(*tuple(_d.values())))

</pallas_src>

<mosaic_0001>
#map = affine_map<(d0, d1) -> (0, 0, 0)>
#map1 = affine_map<(d0, d1) -> (0, 0)>
module attributes {stable_mosaic.version = 14 : i64} {
  func.func @_dinv_body(%arg0: i32, %arg1: i32, %arg2: memref<2x2500x128xi32, #tpu.memory_space<hbm>>, %arg3: memref<10240x128xf32, #tpu.memory_space<hbm>>, %arg4: memref<160x128xi32, #tpu.memory_space<vmem>>, %arg5: memref<640xf32, #tpu.memory_space<vmem>>, %arg6: memref<!tpu.dma_semaphore, #tpu.memory_space<semaphore_mem>>, %arg7: memref<320xf32, #tpu.memory_space<vmem>>, %arg8: memref<320x128xf32, #tpu.memory_space<vmem>>, %arg9: memref<10240xf32, #tpu.memory_space<vmem_shared>>) attributes {dimension_semantics = [#tpu.dimension_semantics<core_parallel>, #tpu.dimension_semantics<subcore_parallel>], iteration_bounds = array<i64: 2, 16>, scalar_prefetch = 0 : i64, scratch_operands = 6 : i64, tpu.core_type = #tpu.core_type<sc_vector_subcore>, window_params = [{transform_indices = #map}, {transform_indices = #map1}]} {
    %scan3A = arith.constant 0 : i32
    %scan3A_0 = arith.constant 40 : i32
    %scan3A_1 = arith.addi %scan3A, %scan3A_0 : i32
    %scan3A_2 = arith.constant 1 : i32
    scf.for %scan3A_50 = %scan3A to %scan3A_1 step %scan3A_2  : i32 {
      %mul3A_51 = arith.constant 1 : i32
      %mul3A_52 = arith.muli %scan3A_50, %mul3A_51 : i32
      %add3A_53 = arith.constant 0 : i32
      %add3A_54 = arith.addi %add3A_53, %mul3A_52 : i32
      %broadcast_in_dim3A = arith.constant 0.000000e+00 : f32
      %broadcast_in_dim3A_55 = vector.broadcast %broadcast_in_dim3A : f32 to vector<16xf32>
      %mul3A_56 = arith.constant 16 : i32
      %mul3A_57 = arith.muli %add3A_54, %mul3A_56 : i32
      %swap3A = arith.index_cast %mul3A_57 : i32 to index
      %swap3A_58 = tpu.vector_load %arg5[%swap3A] {strides = array<i32>} : memref<640xf32, #tpu.memory_space<vmem>>, vector<16xf32>,
      tpu.vector_store %arg5[%swap3A], %broadcast_in_dim3A_55 {strides = array<i32>} : memref<640xf32, #tpu.memory_space<vmem>>, vector<16xf32>,
    }
    %scan3A_3 = arith.constant 40 : i32
    %mul3A = arith.constant 640 : i32
    %mul3A_4 = arith.muli %arg1, %mul3A : i32
    "tpu.region"() ({
      %run_scoped3A = tpu.sem_alloc : memref<!tpu.dma_semaphore, #tpu.memory_space<semaphore_mem>>
      %dma_start3A = tpu.memref_slice %arg9[%mul3A_4] : memref<10240xf32, #tpu.memory_space<vmem_shared>> -> memref<640xf32, #tpu.memory_space<vmem_shared>>
      %dma_start3A_50 = tpu.memref_slice %arg9[%mul3A_4] : memref<10240xf32, #tpu.memory_space<vmem_shared>> -> memref<640xf32, #tpu.memory_space<vmem_shared>>
      tpu.enqueue_dma source(%arg5 : memref<640xf32, #tpu.memory_space<vmem>>) target(%dma_start3A_50 : memref<640xf32, #tpu.memory_space<vmem_shared>>) target_semaphore(%run_scoped3A : memref<!tpu.dma_semaphore, #tpu.memory_space<semaphore_mem>>)
      %dma_wait3A = tpu.memref_slice %arg9[%mul3A_4] : memref<10240xf32, #tpu.memory_space<vmem_shared>> -> memref<640xf32, #tpu.memory_space<vmem_shared>>
      %dma_wait3A_51 = tpu.memref_slice %arg9[%mul3A_4] : memref<10240xf32, #tpu.memory_space<vmem_shared>> -> memref<640xf32, #tpu.memory_space<vmem_shared>>
      tpu.wait_dma2 semaphore(%run_scoped3A : memref<!tpu.dma_semaphore, #tpu.memory_space<semaphore_mem>>) src(%arg5 : memref<640xf32, #tpu.memory_space<vmem>>) dst(%dma_wait3A_51 : memref<640xf32, #tpu.memory_space<vmem_shared>>)
      tpu.yield
    }) : () -> ()
    %scan3A_5 = arith.constant 0 : i32
    %scan3A_6 = arith.constant 8 : i32
    %scan3A_7 = arith.addi %scan3A_5, %scan3A_6 : i32
    %scan3A_8 = arith.constant 1 : i32
    scf.for %scan3A_50 = %scan3A_5 to %scan3A_7 step %scan3A_8  : i32 {
      %mul3A_51 = arith.constant 1 : i32
      %mul3A_52 = arith.muli %scan3A_50, %mul3A_51 : i32
      %add3A_53 = arith.constant 0 : i32
      %add3A_54 = arith.addi %add3A_53, %mul3A_52 : i32
      %broadcast_in_dim3A = arith.constant 1.000000e+00 : f32
      %broadcast_in_dim3A_55 = vector.broadcast %broadcast_in_dim3A : f32 to vector<16xf32>
      %mul3A_56 = arith.constant 16 : i32
      %mul3A_57 = arith.muli %add3A_54, %mul3A_56 : i32
      %swap3A = arith.index_cast %mul3A_57 : i32 to index
      %swap3A_58 = tpu.vector_load %arg5[%swap3A] {strides = array<i32>} : memref<640xf32, #tpu.memory_space<vmem>>, vector<16xf32>,
      tpu.vector_store %arg5[%swap3A], %broadcast_in_dim3A_55 {strides = array<i32>} : memref<640xf32, #tpu.memory_space<vmem>>, vector<16xf32>,
    }
    %scan3A_9 = arith.constant 8 : i32
    %lt3A = arith.constant 15 : i32
    %lt3A_10 = arith.cmpi slt, %arg1, %lt3A : i32
    %jit3A = arith.constant 160 : i32
    %jit3A_11 = arith.constant 100 : i32
    %select_n3A = arith.select %lt3A_10, %jit3A, %jit3A_11 : i32
    %lt3A_12 = arith.constant 15 : i32
    %lt3A_13 = arith.cmpi slt, %arg1, %lt3A_12 : i32
    %convert_element_type3A = arith.extui %lt3A_13 : i1 to i32
    %cond3A = arith.constant 0 : i32
    %cond3A_14 = arith.cmpi ne, %convert_element_type3A, %cond3A : i32
    scf.if %cond3A_14 {
      %mul3A_50 = arith.constant 160 : i32
      %mul3A_51 = arith.muli %arg1, %mul3A_50 : i32
      %run_scoped3A = arith.constant 1 : i32
      "tpu.region"() ({
        %run_scoped3A_52 = tpu.sem_alloc : memref<!tpu.dma_semaphore, #tpu.memory_space<semaphore_mem>>
        %dma_start3A = arith.constant 0 : i32
        %dma_start3A_53 = arith.constant 0 : i32
        %dma_start3A_54 = tpu.memref_slice %arg2[%run_scoped3A, %dma_start3A, %dma_start3A_53] : memref<2x2500x128xi32, #tpu.memory_space<hbm>> -> memref<1x2500x128xi32, #tpu.memory_space<hbm>>
        %dma_start3A_55 = tpu.memref_squeeze %dma_start3A_54 : memref<1x2500x128xi32, #tpu.memory_space<hbm>> -> memref<2500x128xi32, #tpu.memory_space<hbm>>
        %dma_start3A_56 = arith.constant 0 : i32
        %dma_start3A_57 = tpu.memref_slice %dma_start3A_55[%mul3A_51, %dma_start3A_56] : memref<2500x128xi32, #tpu.memory_space<hbm>> -> memref<160x128xi32, #tpu.memory_space<hbm>>
        %dma_start3A_58 = arith.constant 0 : i32
        %dma_start3A_59 = arith.constant 0 : i32
        %dma_start3A_60 = tpu.memref_slice %arg2[%run_scoped3A, %dma_start3A_58, %dma_start3A_59] : memref<2x2500x128xi32, #tpu.memory_space<hbm>> -> memref<1x2500x128xi32, #tpu.memory_space<hbm>>
        %dma_start3A_61 = tpu.memref_squeeze %dma_start3A_60 : memref<1x2500x128xi32, #tpu.memory_space<hbm>> -> memref<2500x128xi32, #tpu.memory_space<hbm>>
        %dma_start3A_62 = arith.constant 0 : i32
        %dma_start3A_63 = tpu.memref_slice %dma_start3A_61[%mul3A_51, %dma_start3A_62] : memref<2500x128xi32, #tpu.memory_space<hbm>> -> memref<160x128xi32, #tpu.memory_space<hbm>>
        tpu.enqueue_dma source(%dma_start3A_63 : memref<160x128xi32, #tpu.memory_space<hbm>>) target(%arg4 : memref<160x128xi32, #tpu.memory_space<vmem>>) target_semaphore(%run_scoped3A_52 : memref<!tpu.dma_semaphore, #tpu.memory_space<semaphore_mem>>)
        %dma_wait3A = arith.constant 0 : i32
        %dma_wait3A_64 = arith.constant 0 : i32
        %dma_wait3A_65 = tpu.memref_slice %arg2[%run_scoped3A, %dma_wait3A, %dma_wait3A_64] : memref<2x2500x128xi32, #tpu.memory_space<hbm>> -> memref<1x2500x128xi32, #tpu.memory_space<hbm>>
        %dma_wait3A_66 = tpu.memref_squeeze %dma_wait3A_65 : memref<1x2500x128xi32, #tpu.memory_space<hbm>> -> memref<2500x128xi32, #tpu.memory_space<hbm>>
        %dma_wait3A_67 = arith.constant 0 : i32
        %dma_wait3A_68 = tpu.memref_slice %dma_wait3A_66[%mul3A_51, %dma_wait3A_67] : memref<2500x128xi32, #tpu.memory_space<hbm>> -> memref<160x128xi32, #tpu.memory_space<hbm>>
        %dma_wait3A_69 = arith.constant 0 : i32
        %dma_wait3A_70 = arith.constant 0 : i32
        %dma_wait3A_71 = tpu.memref_slice %arg2[%run_scoped3A, %dma_wait3A_69, %dma_wait3A_70] : memref<2x2500x128xi32, #tpu.memory_space<hbm>> -> memref<1x2500x128xi32, #tpu.memory_space<hbm>>
        %dma_wait3A_72 = tpu.memref_squeeze %dma_wait3A_71 : memref<1x2500x128xi32, #tpu.memory_space<hbm>> -> memref<2500x128xi32, #tpu.memory_space<hbm>>
        %dma_wait3A_73 = arith.constant 0 : i32
        %dma_wait3A_74 = tpu.memref_slice %dma_wait3A_72[%mul3A_51, %dma_wait3A_73] : memref<2500x128xi32, #tpu.memory_space<hbm>> -> memref<160x128xi32, #tpu.memory_space<hbm>>
        tpu.wait_dma2 semaphore(%run_scoped3A_52 : memref<!tpu.dma_semaphore, #tpu.memory_space<semaphore_mem>>) src(%dma_wait3A_74 : memref<160x128xi32, #tpu.memory_space<hbm>>) dst(%arg4 : memref<160x128xi32, #tpu.memory_space<vmem>>)
        tpu.yield
      }) : () -> ()
    } else {
    }
    %eq3A = arith.constant 15 : i32
    %eq3A_15 = arith.cmpi eq, %arg1, %eq3A : i32
    %convert_element_type3A_16 = arith.extui %eq3A_15 : i1 to i32
    %cond3A_17 = arith.constant 0 : i32
    %cond3A_18 = arith.cmpi ne, %convert_element_type3A_16, %cond3A_17 : i32
    scf.if %cond3A_18 {
      %run_scoped3A = arith.constant 1 : i32
      "tpu.region"() ({
        %run_scoped3A_50 = tpu.sem_alloc : memref<!tpu.dma_semaphore, #tpu.memory_space<semaphore_mem>>
        %dma_start3A = arith.constant 0 : i32
        %dma_start3A_51 = arith.constant 0 : i32
        %dma_start3A_52 = tpu.memref_slice %arg4[%dma_start3A, %dma_start3A_51] : memref<160x128xi32, #tpu.memory_space<vmem>> -> memref<100x128xi32, #tpu.memory_space<vmem>>
        %dma_start3A_53 = arith.constant 0 : i32
        %dma_start3A_54 = arith.constant 0 : i32
        %dma_start3A_55 = tpu.memref_slice %arg2[%run_scoped3A, %dma_start3A_53, %dma_start3A_54] : memref<2x2500x128xi32, #tpu.memory_space<hbm>> -> memref<1x2500x128xi32, #tpu.memory_space<hbm>>
        %dma_start3A_56 = tpu.memref_squeeze %dma_start3A_55 : memref<1x2500x128xi32, #tpu.memory_space<hbm>> -> memref<2500x128xi32, #tpu.memory_space<hbm>>
        %dma_start3A_57 = arith.constant 2400 : i32
        %dma_start3A_58 = arith.constant 0 : i32
        %dma_start3A_59 = tpu.memref_slice %dma_start3A_56[%dma_start3A_57, %dma_start3A_58] : memref<2500x128xi32, #tpu.memory_space<hbm>> -> memref<100x128xi32, #tpu.memory_space<hbm>>
        %dma_start3A_60 = arith.constant 0 : i32
        %dma_start3A_61 = arith.constant 0 : i32
        %dma_start3A_62 = tpu.memref_slice %arg4[%dma_start3A_60, %dma_start3A_61] : memref<160x128xi32, #tpu.memory_space<vmem>> -> memref<100x128xi32, #tpu.memory_space<vmem>>
        %dma_start3A_63 = arith.constant 0 : i32
        %dma_start3A_64 = arith.constant 0 : i32
        %dma_start3A_65 = tpu.memref_slice %arg2[%run_scoped3A, %dma_start3A_63, %dma_start3A_64] : memref<2x2500x128xi32, #tpu.memory_space<hbm>> -> memref<1x2500x128xi32, #tpu.memory_space<hbm>>
        %dma_start3A_66 = tpu.memref_squeeze %dma_start3A_65 : memref<1x2500x128xi32, #tpu.memory_space<hbm>> -> memref<2500x128xi32, #tpu.memory_space<hbm>>
        %dma_start3A_67 = arith.constant 2400 : i32
        %dma_start3A_68 = arith.constant 0 : i32
        %dma_start3A_69 = tpu.memref_slice %dma_start3A_66[%dma_start3A_67, %dma_start3A_68] : memref<2500x128xi32, #tpu.memory_space<hbm>> -> memref<100x128xi32, #tpu.memory_space<hbm>>
        tpu.enqueue_dma source(%dma_start3A_69 : memref<100x128xi32, #tpu.memory_space<hbm>>) target(%dma_start3A_62 : memref<100x128xi32, #tpu.memory_space<vmem>>) target_semaphore(%run_scoped3A_50 : memref<!tpu.dma_semaphore, #tpu.memory_space<semaphore_mem>>)
        %dma_wait3A = arith.constant 0 : i32
        %dma_wait3A_70 = arith.constant 0 : i32
        %dma_wait3A_71 = tpu.memref_slice %arg4[%dma_wait3A, %dma_wait3A_70] : memref<160x128xi32, #tpu.memory_space<vmem>> -> memref<100x128xi32, #tpu.memory_space<vmem>>
        %dma_wait3A_72 = arith.constant 0 : i32
        %dma_wait3A_73 = arith.constant 0 : i32
        %dma_wait3A_74 = tpu.memref_slice %arg2[%run_scoped3A, %dma_wait3A_72, %dma_wait3A_73] : memref<2x2500x128xi32, #tpu.memory_space<hbm>> -> memref<1x2500x128xi32, #tpu.memory_space<hbm>>
        %dma_wait3A_75 = tpu.memref_squeeze %dma_wait3A_74 : memref<1x2500x128xi32, #tpu.memory_space<hbm>> -> memref<2500x128xi32, #tpu.memory_space<hbm>>
        %dma_wait3A_76 = arith.constant 2400 : i32
        %dma_wait3A_77 = arith.constant 0 : i32
        %dma_wait3A_78 = tpu.memref_slice %dma_wait3A_75[%dma_wait3A_76, %dma_wait3A_77] : memref<2500x128xi32, #tpu.memory_space<hbm>> -> memref<100x128xi32, #tpu.memory_space<hbm>>
        %dma_wait3A_79 = arith.constant 0 : i32
        %dma_wait3A_80 = arith.constant 0 : i32
        %dma_wait3A_81 = tpu.memref_slice %arg4[%dma_wait3A_79, %dma_wait3A_80] : memref<160x128xi32, #tpu.memory_space<vmem>> -> memref<100x128xi32, #tpu.memory_space<vmem>>
        %dma_wait3A_82 = arith.constant 0 : i32
        %dma_wait3A_83 = arith.constant 0 : i32
        %dma_wait3A_84 = tpu.memref_slice %arg2[%run_scoped3A, %dma_wait3A_82, %dma_wait3A_83] : memref<2x2500x128xi32, #tpu.memory_space<hbm>> -> memref<1x2500x128xi32, #tpu.memory_space<hbm>>
        %dma_wait3A_85 = tpu.memref_squeeze %dma_wait3A_84 : memref<1x2500x128xi32, #tpu.memory_space<hbm>> -> memref<2500x128xi32, #tpu.memory_space<hbm>>
        %dma_wait3A_86 = arith.constant 2400 : i32
        %dma_wait3A_87 = arith.constant 0 : i32
        %dma_wait3A_88 = tpu.memref_slice %dma_wait3A_85[%dma_wait3A_86, %dma_wait3A_87] : memref<2500x128xi32, #tpu.memory_space<hbm>> -> memref<100x128xi32, #tpu.memory_space<hbm>>
        tpu.wait_dma2 semaphore(%run_scoped3A_50 : memref<!tpu.dma_semaphore, #tpu.memory_space<semaphore_mem>>) src(%dma_wait3A_88 : memref<100x128xi32, #tpu.memory_space<hbm>>) dst(%dma_wait3A_81 : memref<100x128xi32, #tpu.memory_space<vmem>>)
        tpu.yield
      }) : () -> ()
    } else {
    }
    %barrier3A = arith.constant 0 : index
    tpu.barrier barrier_id(%barrier3A)
    %sub3A = arith.constant 0 : i32
    %sub3A_19 = arith.subi %select_n3A, %sub3A : i32
    %sub3A_20 = arith.constant 10 : i32
    %sub3A_21 = arith.constant 1 : i32
    %sub3A_22 = arith.subi %sub3A_20, %sub3A_21 : i32
    %add3A = arith.addi %sub3A_19, %sub3A_22 : i32
    %div3A = arith.constant 10 : i32
    %div3A_23 = arith.divsi %add3A, %div3A : i32
    %while3A = arith.constant 10 : i32
    %while3A_24 = arith.constant 0 : i32
    %while3A_25 = arith.constant 0 : i32
    %while3A_26 = arith.subi %div3A_23, %while3A_25 : i32
    %while3A_27 = arith.addi %while3A_25, %while3A_26 : i32
    %while3A_28 = arith.constant 1 : i32
    %while3A_29 = arith.divsi %while3A_26, %while3A_28 : i32
    %while3A_30 = arith.muli %while3A_29, %while3A_28 : i32
    %while3A_31 = arith.addi %while3A_25, %while3A_30 : i32
    %while3A_32 = arith.constant 1 : i32
    scf.for %while3A_50 = %while3A_25 to %while3A_31 step %while3A_32  : i32 {
      %mul3A_51 = arith.muli %while3A_50, %while3A : i32
      %add3A_52 = arith.addi %while3A_24, %mul3A_51 : i32
      %add3A_53 = arith.constant 0 : i32
      %add3A_54 = arith.addi %add3A_52, %add3A_53 : i32
      %dma_start3A = arith.constant 0 : i32
      %dma_start3A_55 = tpu.memref_slice %arg5[%dma_start3A] : memref<640xf32, #tpu.memory_space<vmem>> -> memref<128xf32, #tpu.memory_space<vmem>>
      %dma_start3A_56 = arith.constant 0 : i32
      %dma_start3A_57 = tpu.memref_slice %arg4[%add3A_54, %dma_start3A_56] : memref<160x128xi32, #tpu.memory_space<vmem>> -> memref<1x128xi32, #tpu.memory_space<vmem>>
      %dma_start3A_58 = tpu.memref_squeeze %dma_start3A_57 : memref<1x128xi32, #tpu.memory_space<vmem>> -> memref<128xi32, #tpu.memory_space<vmem>>
      %dma_start3A_59 = arith.constant 0 : i32
      %dma_start3A_60 = tpu.memref_slice %arg9[%dma_start3A_59] : memref<10240xf32, #tpu.memory_space<vmem_shared>> -> memref<10240xf32, #tpu.memory_space<vmem_shared>>
      tpu.enqueue_indirect_dma source(%dma_start3A_55 : memref<128xf32, #tpu.memory_space<vmem>>) target(%dma_start3A_60 : memref<10240xf32, #tpu.memory_space<vmem_shared>>) offsets(%dma_start3A_58 : memref<128xi32, #tpu.memory_space<vmem>>) semaphore(%arg6 : memref<!tpu.dma_semaphore, #tpu.memory_space<semaphore_mem>>) {add = true}
      %add3A_61 = arith.constant 1 : i32
      %add3A_62 = arith.addi %add3A_52, %add3A_61 : i32
      %dma_start3A_63 = arith.constant 0 : i32
      %dma_start3A_64 = tpu.memref_slice %arg5[%dma_start3A_63] : memref<640xf32, #tpu.memory_space<vmem>> -> memref<128xf32, #tpu.memory_space<vmem>>
      %dma_start3A_65 = arith.constant 0 : i32
      %dma_start3A_66 = tpu.memref_slice %arg4[%add3A_62, %dma_start3A_65] : memref<160x128xi32, #tpu.memory_space<vmem>> -> memref<1x128xi32, #tpu.memory_space<vmem>>
      %dma_start3A_67 = tpu.memref_squeeze %dma_start3A_66 : memref<1x128xi32, #tpu.memory_space<vmem>> -> memref<128xi32, #tpu.memory_space<vmem>>
      %dma_start3A_68 = arith.constant 0 : i32
      %dma_start3A_69 = tpu.memref_slice %arg9[%dma_start3A_68] : memref<10240xf32, #tpu.memory_space<vmem_shared>> -> memref<10240xf32, #tpu.memory_space<vmem_shared>>
      tpu.enqueue_indirect_dma source(%dma_start3A_64 : memref<128xf32, #tpu.memory_space<vmem>>) target(%dma_start3A_69 : memref<10240xf32, #tpu.memory_space<vmem_shared>>) offsets(%dma_start3A_67 : memref<128xi32, #tpu.memory_space<vmem>>) semaphore(%arg6 : memref<!tpu.dma_semaphore, #tpu.memory_space<semaphore_mem>>) {add = true}
      %add3A_70 = arith.constant 2 : i32
      %add3A_71 = arith.addi %add3A_52, %add3A_70 : i32
      %dma_start3A_72 = arith.constant 0 : i32
      %dma_start3A_73 = tpu.memref_slice %arg5[%dma_start3A_72] : memref<640xf32, #tpu.memory_space<vmem>> -> memref<128xf32, #tpu.memory_space<vmem>>
      %dma_start3A_74 = arith.constant 0 : i32
      %dma_start3A_75 = tpu.memref_slice %arg4[%add3A_71, %dma_start3A_74] : memref<160x128xi32, #tpu.memory_space<vmem>> -> memref<1x128xi32, #tpu.memory_space<vmem>>
      %dma_start3A_76 = tpu.memref_squeeze %dma_start3A_75 : memref<1x128xi32, #tpu.memory_space<vmem>> -> memref<128xi32, #tpu.memory_space<vmem>>
      %dma_start3A_77 = arith.constant 0 : i32
      %dma_start3A_78 = tpu.memref_slice %arg9[%dma_start3A_77] : memref<10240xf32, #tpu.memory_space<vmem_shared>> -> memref<10240xf32, #tpu.memory_space<vmem_shared>>
      tpu.enqueue_indirect_dma source(%dma_start3A_73 : memref<128xf32, #tpu.memory_space<vmem>>) target(%dma_start3A_78 : memref<10240xf32, #tpu.memory_space<vmem_shared>>) offsets(%dma_start3A_76 : memref<128xi32, #tpu.memory_space<vmem>>) semaphore(%arg6 : memref<!tpu.dma_semaphore, #tpu.memory_space<semaphore_mem>>) {add = true}
      %add3A_79 = arith.constant 3 : i32
      %add3A_80 = arith.addi %add3A_52, %add3A_79 : i32
      %dma_start3A_81 = arith.constant 0 : i32
      %dma_start3A_82 = tpu.memref_slice %arg5[%dma_start3A_81] : memref<640xf32, #tpu.memory_space<vmem>> -> memref<128xf32, #tpu.memory_space<vmem>>
      %dma_start3A_83 = arith.constant 0 : i32
      %dma_start3A_84 = tpu.memref_slice %arg4[%add3A_80, %dma_start3A_83] : memref<160x128xi32, #tpu.memory_space<vmem>> -> memref<1x128xi32, #tpu.memory_space<vmem>>
      %dma_start3A_85 = tpu.memref_squeeze %dma_start3A_84 : memref<1x128xi32, #tpu.memory_space<vmem>> -> memref<128xi32, #tpu.memory_space<vmem>>
      %dma_start3A_86 = arith.constant 0 : i32
      %dma_start3A_87 = tpu.memref_slice %arg9[%dma_start3A_86] : memref<10240xf32, #tpu.memory_space<vmem_shared>> -> memref<10240xf32, #tpu.memory_space<vmem_shared>>
      tpu.enqueue_indirect_dma source(%dma_start3A_82 : memref<128xf32, #tpu.memory_space<vmem>>) target(%dma_start3A_87 : memref<10240xf32, #tpu.memory_space<vmem_shared>>) offsets(%dma_start3A_85 : memref<128xi32, #tpu.memory_space<vmem>>) semaphore(%arg6 : memref<!tpu.dma_semaphore, #tpu.memory_space<semaphore_mem>>) {add = true}
      %add3A_88 = arith.constant 4 : i32
      %add3A_89 = arith.addi %add3A_52, %add3A_88 : i32
      %dma_start3A_90 = arith.constant 0 : i32
      %dma_start3A_91 = tpu.memref_slice %arg5[%dma_start3A_90] : memref<640xf32, #tpu.memory_space<vmem>> -> memref<128xf32, #tpu.memory_space<vmem>>
      %dma_start3A_92 = arith.constant 0 : i32
      %dma_start3A_93 = tpu.memref_slice %arg4[%add3A_89, %dma_start3A_92] : memref<160x128xi32, #tpu.memory_space<vmem>> -> memref<1x128xi32, #tpu.memory_space<vmem>>
      %dma_start3A_94 = tpu.memref_squeeze %dma_start3A_93 : memref<1x128xi32, #tpu.memory_space<vmem>> -> memref<128xi32, #tpu.memory_space<vmem>>
      %dma_start3A_95 = arith.constant 0 : i32
      %dma_start3A_96 = tpu.memref_slice %arg9[%dma_start3A_95] : memref<10240xf32, #tpu.memory_space<vmem_shared>> -> memref<10240xf32, #tpu.memory_space<vmem_shared>>
      tpu.enqueue_indirect_dma source(%dma_start3A_91 : memref<128xf32, #tpu.memory_space<vmem>>) target(%dma_start3A_96 : memref<10240xf32, #tpu.memory_space<vmem_shared>>) offsets(%dma_start3A_94 : memref<128xi32, #tpu.memory_space<vmem>>) semaphore(%arg6 : memref<!tpu.dma_semaphore, #tpu.memory_space<semaphore_mem>>) {add = true}
      %add3A_97 = arith.constant 5 : i32
      %add3A_98 = arith.addi %add3A_52, %add3A_97 : i32
      %dma_start3A_99 = arith.constant 0 : i32
      %dma_start3A_100 = tpu.memref_slice %arg5[%dma_start3A_99] : memref<640xf32, #tpu.memory_space<vmem>> -> memref<128xf32, #tpu.memory_space<vmem>>
      %dma_start3A_101 = arith.constant 0 : i32
      %dma_start3A_102 = tpu.memref_slice %arg4[%add3A_98, %dma_start3A_101] : memref<160x128xi32, #tpu.memory_space<vmem>> -> memref<1x128xi32, #tpu.memory_space<vmem>>
      %dma_start3A_103 = tpu.memref_squeeze %dma_start3A_102 : memref<1x128xi32, #tpu.memory_space<vmem>> -> memref<128xi32, #tpu.memory_space<vmem>>
      %dma_start3A_104 = arith.constant 0 : i32
      %dma_start3A_105 = tpu.memref_slice %arg9[%dma_start3A_104] : memref<10240xf32, #tpu.memory_space<vmem_shared>> -> memref<10240xf32, #tpu.memory_space<vmem_shared>>
      tpu.enqueue_indirect_dma source(%dma_start3A_100 : memref<128xf32, #tpu.memory_space<vmem>>) target(%dma_start3A_105 : memref<10240xf32, #tpu.memory_space<vmem_shared>>) offsets(%dma_start3A_103 : memref<128xi32, #tpu.memory_space<vmem>>) semaphore(%arg6 : memref<!tpu.dma_semaphore, #tpu.memory_space<semaphore_mem>>) {add = true}
      %add3A_106 = arith.constant 6 : i32
      %add3A_107 = arith.addi %add3A_52, %add3A_106 : i32
      %dma_start3A_108 = arith.constant 0 : i32
      %dma_start3A_109 = tpu.memref_slice %arg5[%dma_start3A_108] : memref<640xf32, #tpu.memory_space<vmem>> -> memref<128xf32, #tpu.memory_space<vmem>>
      %dma_start3A_110 = arith.constant 0 : i32
      %dma_start3A_111 = tpu.memref_slice %arg4[%add3A_107, %dma_start3A_110] : memref<160x128xi32, #tpu.memory_space<vmem>> -> memref<1x128xi32, #tpu.memory_space<vmem>>
      %dma_start3A_112 = tpu.memref_squeeze %dma_start3A_111 : memref<1x128xi32, #tpu.memory_space<vmem>> -> memref<128xi32, #tpu.memory_space<vmem>>
      %dma_start3A_113 = arith.constant 0 : i32
      %dma_start3A_114 = tpu.memref_slice %arg9[%dma_start3A_113] : memref<10240xf32, #tpu.memory_space<vmem_shared>> -> memref<10240xf32, #tpu.memory_space<vmem_shared>>
      tpu.enqueue_indirect_dma source(%dma_start3A_109 : memref<128xf32, #tpu.memory_space<vmem>>) target(%dma_start3A_114 : memref<10240xf32, #tpu.memory_space<vmem_shared>>) offsets(%dma_start3A_112 : memref<128xi32, #tpu.memory_space<vmem>>) semaphore(%arg6 : memref<!tpu.dma_semaphore, #tpu.memory_space<semaphore_mem>>) {add = true}
      %add3A_115 = arith.constant 7 : i32
      %add3A_116 = arith.addi %add3A_52, %add3A_115 : i32
      %dma_start3A_117 = arith.constant 0 : i32
      %dma_start3A_118 = tpu.memref_slice %arg5[%dma_start3A_117] : memref<640xf32, #tpu.memory_space<vmem>> -> memref<128xf32, #tpu.memory_space<vmem>>
      %dma_start3A_119 = arith.constant 0 : i32
      %dma_start3A_120 = tpu.memref_slice %arg4[%add3A_116, %dma_start3A_119] : memref<160x128xi32, #tpu.memory_space<vmem>> -> memref<1x128xi32, #tpu.memory_space<vmem>>
      %dma_start3A_121 = tpu.memref_squeeze %dma_start3A_120 : memref<1x128xi32, #tpu.memory_space<vmem>> -> memref<128xi32, #tpu.memory_space<vmem>>
      %dma_start3A_122 = arith.constant 0 : i32
      %dma_start3A_123 = tpu.memref_slice %arg9[%dma_start3A_122] : memref<10240xf32, #tpu.memory_space<vmem_shared>> -> memref<10240xf32, #tpu.memory_space<vmem_shared>>
      tpu.enqueue_indirect_dma source(%dma_start3A_118 : memref<128xf32, #tpu.memory_space<vmem>>) target(%dma_start3A_123 : memref<10240xf32, #tpu.memory_space<vmem_shared>>) offsets(%dma_start3A_121 : memref<128xi32, #tpu.memory_space<vmem>>) semaphore(%arg6 : memref<!tpu.dma_semaphore, #tpu.memory_space<semaphore_mem>>) {add = true}
      %add3A_124 = arith.constant 8 : i32
      %add3A_125 = arith.addi %add3A_52, %add3A_124 : i32
      %dma_start3A_126 = arith.constant 0 : i32
      %dma_start3A_127 = tpu.memref_slice %arg5[%dma_start3A_126] : memref<640xf32, #tpu.memory_space<vmem>> -> memref<128xf32, #tpu.memory_space<vmem>>
      %dma_start3A_128 = arith.constant 0 : i32
      %dma_start3A_129 = tpu.memref_slice %arg4[%add3A_125, %dma_start3A_128] : memref<160x128xi32, #tpu.memory_space<vmem>> -> memref<1x128xi32, #tpu.memory_space<vmem>>
      %dma_start3A_130 = tpu.memref_squeeze %dma_start3A_129 : memref<1x128xi32, #tpu.memory_space<vmem>> -> memref<128xi32, #tpu.memory_space<vmem>>
      %dma_start3A_131 = arith.constant 0 : i32
      %dma_start3A_132 = tpu.memref_slice %arg9[%dma_start3A_131] : memref<10240xf32, #tpu.memory_space<vmem_shared>> -> memref<10240xf32, #tpu.memory_space<vmem_shared>>
      tpu.enqueue_indirect_dma source(%dma_start3A_127 : memref<128xf32, #tpu.memory_space<vmem>>) target(%dma_start3A_132 : memref<10240xf32, #tpu.memory_space<vmem_shared>>) offsets(%dma_start3A_130 : memref<128xi32, #tpu.memory_space<vmem>>) semaphore(%arg6 : memref<!tpu.dma_semaphore, #tpu.memory_space<semaphore_mem>>) {add = true}
      %add3A_133 = arith.constant 9 : i32
      %add3A_134 = arith.addi %add3A_52, %add3A_133 : i32
      %dma_start3A_135 = arith.constant 0 : i32
      %dma_start3A_136 = tpu.memref_slice %arg5[%dma_start3A_135] : memref<640xf32, #tpu.memory_space<vmem>> -> memref<128xf32, #tpu.memory_space<vmem>>
      %dma_start3A_137 = arith.constant 0 : i32
      %dma_start3A_138 = tpu.memref_slice %arg4[%add3A_134, %dma_start3A_137] : memref<160x128xi32, #tpu.memory_space<vmem>> -> memref<1x128xi32, #tpu.memory_space<vmem>>
      %dma_start3A_139 = tpu.memref_squeeze %dma_start3A_138 : memref<1x128xi32, #tpu.memory_space<vmem>> -> memref<128xi32, #tpu.memory_space<vmem>>
      %dma_start3A_140 = arith.constant 0 : i32
      %dma_start3A_141 = tpu.memref_slice %arg9[%dma_start3A_140] : memref<10240xf32, #tpu.memory_space<vmem_shared>> -> memref<10240xf32, #tpu.memory_space<vmem_shared>>
      tpu.enqueue_indirect_dma source(%dma_start3A_136 : memref<128xf32, #tpu.memory_space<vmem>>) target(%dma_start3A_141 : memref<10240xf32, #tpu.memory_space<vmem_shared>>) offsets(%dma_start3A_139 : memref<128xi32, #tpu.memory_space<vmem>>) semaphore(%arg6 : memref<!tpu.dma_semaphore, #tpu.memory_space<semaphore_mem>>) {add = true}
      %add3A_142 = arith.constant 0 : i32
      %add3A_143 = arith.addi %add3A_52, %add3A_142 : i32
      %dma_wait3A = arith.constant 0 : i32
      %dma_wait3A_144 = tpu.memref_slice %arg5[%dma_wait3A] : memref<640xf32, #tpu.memory_space<vmem>> -> memref<128xf32, #tpu.memory_space<vmem>>
      %dma_wait3A_145 = arith.constant 0 : i32
      %dma_wait3A_146 = tpu.memref_slice %arg4[%add3A_143, %dma_wait3A_145] : memref<160x128xi32, #tpu.memory_space<vmem>> -> memref<1x128xi32, #tpu.memory_space<vmem>>
      %dma_wait3A_147 = tpu.memref_squeeze %dma_wait3A_146 : memref<1x128xi32, #tpu.memory_space<vmem>> -> memref<128xi32, #tpu.memory_space<vmem>>
      %dma_wait3A_148 = arith.constant 0 : i32
      %dma_wait3A_149 = tpu.memref_slice %arg9[%dma_wait3A_148] : memref<10240xf32, #tpu.memory_space<vmem_shared>> -> memref<10240xf32, #tpu.memory_space<vmem_shared>>
      tpu.wait_indirect_dma semaphore(%arg6 : memref<!tpu.dma_semaphore, #tpu.memory_space<semaphore_mem>>) src(%dma_wait3A_144 : memref<128xf32, #tpu.memory_space<vmem>>) dst(%dma_wait3A_149 : memref<10240xf32, #tpu.memory_space<vmem_shared>>)
      %add3A_150 = arith.constant 1 : i32
      %add3A_151 = arith.addi %add3A_52, %add3A_150 : i32
      %dma_wait3A_152 = arith.constant 0 : i32
      %dma_wait3A_153 = tpu.memref_slice %arg5[%dma_wait3A_152] : memref<640xf32, #tpu.memory_space<vmem>> -> memref<128xf32, #tpu.memory_space<vmem>>
      %dma_wait3A_154 = arith.constant 0 : i32
      %dma_wait3A_155 = tpu.memref_slice %arg4[%add3A_151, %dma_wait3A_154] : memref<160x128xi32, #tpu.memory_space<vmem>> -> memref<1x128xi32, #tpu.memory_space<vmem>>
      %dma_wait3A_156 = tpu.memref_squeeze %dma_wait3A_155 : memref<1x128xi32, #tpu.memory_space<vmem>> -> memref<128xi32, #tpu.memory_space<vmem>>
      %dma_wait3A_157 = arith.constant 0 : i32
      %dma_wait3A_158 = tpu.memref_slice %arg9[%dma_wait3A_157] : memref<10240xf32, #tpu.memory_space<vmem_shared>> -> memref<10240xf32, #tpu.memory_space<vmem_shared>>
      tpu.wait_indirect_dma semaphore(%arg6 : memref<!tpu.dma_semaphore, #tpu.memory_space<semaphore_mem>>) src(%dma_wait3A_153 : memref<128xf32, #tpu.memory_space<vmem>>) dst(%dma_wait3A_158 : memref<10240xf32, #tpu.memory_space<vmem_shared>>)
      %add3A_159 = arith.constant 2 : i32
      %add3A_160 = arith.addi %add3A_52, %add3A_159 : i32
      %dma_wait3A_161 = arith.constant 0 : i32
      %dma_wait3A_162 = tpu.memref_slice %arg5[%dma_wait3A_161] : memref<640xf32, #tpu.memory_space<vmem>> -> memref<128xf32, #tpu.memory_space<vmem>>
      %dma_wait3A_163 = arith.constant 0 : i32
      %dma_wait3A_164 = tpu.memref_slice %arg4[%add3A_160, %dma_wait3A_163] : memref<160x128xi32, #tpu.memory_space<vmem>> -> memref<1x128xi32, #tpu.memory_space<vmem>>
      %dma_wait3A_165 = tpu.memref_squeeze %dma_wait3A_164 : memref<1x128xi32, #tpu.memory_space<vmem>> -> memref<128xi32, #tpu.memory_space<vmem>>
      %dma_wait3A_166 = arith.constant 0 : i32
      %dma_wait3A_167 = tpu.memref_slice %arg9[%dma_wait3A_166] : memref<10240xf32, #tpu.memory_space<vmem_shared>> -> memref<10240xf32, #tpu.memory_space<vmem_shared>>
      tpu.wait_indirect_dma semaphore(%arg6 : memref<!tpu.dma_semaphore, #tpu.memory_space<semaphore_mem>>) src(%dma_wait3A_162 : memref<128xf32, #tpu.memory_space<vmem>>) dst(%dma_wait3A_167 : memref<10240xf32, #tpu.memory_space<vmem_shared>>)
      %add3A_168 = arith.constant 3 : i32
      %add3A_169 = arith.addi %add3A_52, %add3A_168 : i32
      %dma_wait3A_170 = arith.constant 0 : i32
      %dma_wait3A_171 = tpu.memref_slice %arg5[%dma_wait3A_170] : memref<640xf32, #tpu.memory_space<vmem>> -> memref<128xf32, #tpu.memory_space<vmem>>
      %dma_wait3A_172 = arith.constant 0 : i32
      %dma_wait3A_173 = tpu.memref_slice %arg4[%add3A_169, %dma_wait3A_172] : memref<160x128xi32, #tpu.memory_space<vmem>> -> memref<1x128xi32, #tpu.memory_space<vmem>>
      %dma_wait3A_174 = tpu.memref_squeeze %dma_wait3A_173 : memref<1x128xi32, #tpu.memory_space<vmem>> -> memref<128xi32, #tpu.memory_space<vmem>>
      %dma_wait3A_175 = arith.constant 0 : i32
      %dma_wait3A_176 = tpu.memref_slice %arg9[%dma_wait3A_175] : memref<10240xf32, #tpu.memory_space<vmem_shared>> -> memref<10240xf32, #tpu.memory_space<vmem_shared>>
      tpu.wait_indirect_dma semaphore(%arg6 : memref<!tpu.dma_semaphore, #tpu.memory_space<semaphore_mem>>) src(%dma_wait3A_171 : memref<128xf32, #tpu.memory_space<vmem>>) dst(%dma_wait3A_176 : memref<10240xf32, #tpu.memory_space<vmem_shared>>)
      %add3A_177 = arith.constant 4 : i32
      %add3A_178 = arith.addi %add3A_52, %add3A_177 : i32
      %dma_wait3A_179 = arith.constant 0 : i32
      %dma_wait3A_180 = tpu.memref_slice %arg5[%dma_wait3A_179] : memref<640xf32, #tpu.memory_space<vmem>> -> memref<128xf32, #tpu.memory_space<vmem>>
      %dma_wait3A_181 = arith.constant 0 : i32
      %dma_wait3A_182 = tpu.memref_slice %arg4[%add3A_178, %dma_wait3A_181] : memref<160x128xi32, #tpu.memory_space<vmem>> -> memref<1x128xi32, #tpu.memory_space<vmem>>
      %dma_wait3A_183 = tpu.memref_squeeze %dma_wait3A_182 : memref<1x128xi32, #tpu.memory_space<vmem>> -> memref<128xi32, #tpu.memory_space<vmem>>
      %dma_wait3A_184 = arith.constant 0 : i32
      %dma_wait3A_185 = tpu.memref_slice %arg9[%dma_wait3A_184] : memref<10240xf32, #tpu.memory_space<vmem_shared>> -> memref<10240xf32, #tpu.memory_space<vmem_shared>>
      tpu.wait_indirect_dma semaphore(%arg6 : memref<!tpu.dma_semaphore, #tpu.memory_space<semaphore_mem>>) src(%dma_wait3A_180 : memref<128xf32, #tpu.memory_space<vmem>>) dst(%dma_wait3A_185 : memref<10240xf32, #tpu.memory_space<vmem_shared>>)
      %add3A_186 = arith.constant 5 : i32
      %add3A_187 = arith.addi %add3A_52, %add3A_186 : i32
      %dma_wait3A_188 = arith.constant 0 : i32
      %dma_wait3A_189 = tpu.memref_slice %arg5[%dma_wait3A_188] : memref<640xf32, #tpu.memory_space<vmem>> -> memref<128xf32, #tpu.memory_space<vmem>>
      %dma_wait3A_190 = arith.constant 0 : i32
      %dma_wait3A_191 = tpu.memref_slice %arg4[%add3A_187, %dma_wait3A_190] : memref<160x128xi32, #tpu.memory_space<vmem>> -> memref<1x128xi32, #tpu.memory_space<vmem>>
      %dma_wait3A_192 = tpu.memref_squeeze %dma_wait3A_191 : memref<1x128xi32, #tpu.memory_space<vmem>> -> memref<128xi32, #tpu.memory_space<vmem>>
      %dma_wait3A_193 = arith.constant 0 : i32
      %dma_wait3A_194 = tpu.memref_slice %arg9[%dma_wait3A_193] : memref<10240xf32, #tpu.memory_space<vmem_shared>> -> memref<10240xf32, #tpu.memory_space<vmem_shared>>
      tpu.wait_indirect_dma semaphore(%arg6 : memref<!tpu.dma_semaphore, #tpu.memory_space<semaphore_mem>>) src(%dma_wait3A_189 : memref<128xf32, #tpu.memory_space<vmem>>) dst(%dma_wait3A_194 : memref<10240xf32, #tpu.memory_space<vmem_shared>>)
      %add3A_195 = arith.constant 6 : i32
      %add3A_196 = arith.addi %add3A_52, %add3A_195 : i32
      %dma_wait3A_197 = arith.constant 0 : i32
      %dma_wait3A_198 = tpu.memref_slice %arg5[%dma_wait3A_197] : memref<640xf32, #tpu.memory_space<vmem>> -> memref<128xf32, #tpu.memory_space<vmem>>
      %dma_wait3A_199 = arith.constant 0 : i32
      %dma_wait3A_200 = tpu.memref_slice %arg4[%add3A_196, %dma_wait3A_199] : memref<160x128xi32, #tpu.memory_space<vmem>> -> memref<1x128xi32, #tpu.memory_space<vmem>>
      %dma_wait3A_201 = tpu.memref_squeeze %dma_wait3A_200 : memref<1x128xi32, #tpu.memory_space<vmem>> -> memref<128xi32, #tpu.memory_space<vmem>>
      %dma_wait3A_202 = arith.constant 0 : i32
      %dma_wait3A_203 = tpu.memref_slice %arg9[%dma_wait3A_202] : memref<10240xf32, #tpu.memory_space<vmem_shared>> -> memref<10240xf32, #tpu.memory_space<vmem_shared>>
      tpu.wait_indirect_dma semaphore(%arg6 : memref<!tpu.dma_semaphore, #tpu.memory_space<semaphore_mem>>) src(%dma_wait3A_198 : memref<128xf32, #tpu.memory_space<vmem>>) dst(%dma_wait3A_203 : memref<10240xf32, #tpu.memory_space<vmem_shared>>)
      %add3A_204 = arith.constant 7 : i32
      %add3A_205 = arith.addi %add3A_52, %add3A_204 : i32
      %dma_wait3A_206 = arith.constant 0 : i32
      %dma_wait3A_207 = tpu.memref_slice %arg5[%dma_wait3A_206] : memref<640xf32, #tpu.memory_space<vmem>> -> memref<128xf32, #tpu.memory_space<vmem>>
      %dma_wait3A_208 = arith.constant 0 : i32
      %dma_wait3A_209 = tpu.memref_slice %arg4[%add3A_205, %dma_wait3A_208] : memref<160x128xi32, #tpu.memory_space<vmem>> -> memref<1x128xi32, #tpu.memory_space<vmem>>
      %dma_wait3A_210 = tpu.memref_squeeze %dma_wait3A_209 : memref<1x128xi32, #tpu.memory_space<vmem>> -> memref<128xi32, #tpu.memory_space<vmem>>
      %dma_wait3A_211 = arith.constant 0 : i32
      %dma_wait3A_212 = tpu.memref_slice %arg9[%dma_wait3A_211] : memref<10240xf32, #tpu.memory_space<vmem_shared>> -> memref<10240xf32, #tpu.memory_space<vmem_shared>>
      tpu.wait_indirect_dma semaphore(%arg6 : memref<!tpu.dma_semaphore, #tpu.memory_space<semaphore_mem>>) src(%dma_wait3A_207 : memref<128xf32, #tpu.memory_space<vmem>>) dst(%dma_wait3A_212 : memref<10240xf32, #tpu.memory_space<vmem_shared>>)
      %add3A_213 = arith.constant 8 : i32
      %add3A_214 = arith.addi %add3A_52, %add3A_213 : i32
      %dma_wait3A_215 = arith.constant 0 : i32
      %dma_wait3A_216 = tpu.memref_slice %arg5[%dma_wait3A_215] : memref<640xf32, #tpu.memory_space<vmem>> -> memref<128xf32, #tpu.memory_space<vmem>>
      %dma_wait3A_217 = arith.constant 0 : i32
      %dma_wait3A_218 = tpu.memref_slice %arg4[%add3A_214, %dma_wait3A_217] : memref<160x128xi32, #tpu.memory_space<vmem>> -> memref<1x128xi32, #tpu.memory_space<vmem>>
      %dma_wait3A_219 = tpu.memref_squeeze %dma_wait3A_218 : memref<1x128xi32, #tpu.memory_space<vmem>> -> memref<128xi32, #tpu.memory_space<vmem>>
      %dma_wait3A_220 = arith.constant 0 : i32
      %dma_wait3A_221 = tpu.memref_slice %arg9[%dma_wait3A_220] : memref<10240xf32, #tpu.memory_space<vmem_shared>> -> memref<10240xf32, #tpu.memory_space<vmem_shared>>
      tpu.wait_indirect_dma semaphore(%arg6 : memref<!tpu.dma_semaphore, #tpu.memory_space<semaphore_mem>>) src(%dma_wait3A_216 : memref<128xf32, #tpu.memory_space<vmem>>) dst(%dma_wait3A_221 : memref<10240xf32, #tpu.memory_space<vmem_shared>>)
      %add3A_222 = arith.constant 9 : i32
      %add3A_223 = arith.addi %add3A_52, %add3A_222 : i32
      %dma_wait3A_224 = arith.constant 0 : i32
      %dma_wait3A_225 = tpu.memref_slice %arg5[%dma_wait3A_224] : memref<640xf32, #tpu.memory_space<vmem>> -> memref<128xf32, #tpu.memory_space<vmem>>
      %dma_wait3A_226 = arith.constant 0 : i32
      %dma_wait3A_227 = tpu.memref_slice %arg4[%add3A_223, %dma_wait3A_226] : memref<160x128xi32, #tpu.memory_space<vmem>> -> memref<1x128xi32, #tpu.memory_space<vmem>>
      %dma_wait3A_228 = tpu.memref_squeeze %dma_wait3A_227 : memref<1x128xi32, #tpu.memory_space<vmem>> -> memref<128xi32, #tpu.memory_space<vmem>>
      %dma_wait3A_229 = arith.constant 0 : i32
      %dma_wait3A_230 = tpu.memref_slice %arg9[%dma_wait3A_229] : memref<10240xf32, #tpu.memory_space<vmem_shared>> -> memref<10240xf32, #tpu.memory_space<vmem_shared>>
      tpu.wait_indirect_dma semaphore(%arg6 : memref<!tpu.dma_semaphore, #tpu.memory_space<semaphore_mem>>) src(%dma_wait3A_225 : memref<128xf32, #tpu.memory_space<vmem>>) dst(%dma_wait3A_230 : memref<10240xf32, #tpu.memory_space<vmem_shared>>)
    }
    %while3A_33 = arith.constant 1 : i32
    scf.for %while3A_50 = %while3A_31 to %while3A_27 step %while3A_33  : i32 {
      %mul3A_51 = arith.muli %while3A_50, %while3A : i32
      %add3A_52 = arith.addi %while3A_24, %mul3A_51 : i32
      %add3A_53 = arith.constant 0 : i32
      %add3A_54 = arith.addi %add3A_52, %add3A_53 : i32
      %dma_start3A = arith.constant 0 : i32
      %dma_start3A_55 = tpu.memref_slice %arg5[%dma_start3A] : memref<640xf32, #tpu.memory_space<vmem>> -> memref<128xf32, #tpu.memory_space<vmem>>
      %dma_start3A_56 = arith.constant 0 : i32
      %dma_start3A_57 = tpu.memref_slice %arg4[%add3A_54, %dma_start3A_56] : memref<160x128xi32, #tpu.memory_space<vmem>> -> memref<1x128xi32, #tpu.memory_space<vmem>>
      %dma_start3A_58 = tpu.memref_squeeze %dma_start3A_57 : memref<1x128xi32, #tpu.memory_space<vmem>> -> memref<128xi32, #tpu.memory_space<vmem>>
      %dma_start3A_59 = arith.constant 0 : i32
      %dma_start3A_60 = tpu.memref_slice %arg9[%dma_start3A_59] : memref<10240xf32, #tpu.memory_space<vmem_shared>> -> memref<10240xf32, #tpu.memory_space<vmem_shared>>
      tpu.enqueue_indirect_dma source(%dma_start3A_55 : memref<128xf32, #tpu.memory_space<vmem>>) target(%dma_start3A_60 : memref<10240xf32, #tpu.memory_space<vmem_shared>>) offsets(%dma_start3A_58 : memref<128xi32, #tpu.memory_space<vmem>>) semaphore(%arg6 : memref<!tpu.dma_semaphore, #tpu.memory_space<semaphore_mem>>) {add = true}
      %add3A_61 = arith.constant 1 : i32
      %add3A_62 = arith.addi %add3A_52, %add3A_61 : i32
      %dma_start3A_63 = arith.constant 0 : i32
      %dma_start3A_64 = tpu.memref_slice %arg5[%dma_start3A_63] : memref<640xf32, #tpu.memory_space<vmem>> -> memref<128xf32, #tpu.memory_space<vmem>>
      %dma_start3A_65 = arith.constant 0 : i32
      %dma_start3A_66 = tpu.memref_slice %arg4[%add3A_62, %dma_start3A_65] : memref<160x128xi32, #tpu.memory_space<vmem>> -> memref<1x128xi32, #tpu.memory_space<vmem>>
      %dma_start3A_67 = tpu.memref_squeeze %dma_start3A_66 : memref<1x128xi32, #tpu.memory_space<vmem>> -> memref<128xi32, #tpu.memory_space<vmem>>
      %dma_start3A_68 = arith.constant 0 : i32
      %dma_start3A_69 = tpu.memref_slice %arg9[%dma_start3A_68] : memref<10240xf32, #tpu.memory_space<vmem_shared>> -> memref<10240xf32, #tpu.memory_space<vmem_shared>>
      tpu.enqueue_indirect_dma source(%dma_start3A_64 : memref<128xf32, #tpu.memory_space<vmem>>) target(%dma_start3A_69 : memref<10240xf32, #tpu.memory_space<vmem_shared>>) offsets(%dma_start3A_67 : memref<128xi32, #tpu.memory_space<vmem>>) semaphore(%arg6 : memref<!tpu.dma_semaphore, #tpu.memory_space<semaphore_mem>>) {add = true}
      %add3A_70 = arith.constant 2 : i32
      %add3A_71 = arith.addi %add3A_52, %add3A_70 : i32
      %dma_start3A_72 = arith.constant 0 : i32
      %dma_start3A_73 = tpu.memref_slice %arg5[%dma_start3A_72] : memref<640xf32, #tpu.memory_space<vmem>> -> memref<128xf32, #tpu.memory_space<vmem>>
      %dma_start3A_74 = arith.constant 0 : i32
      %dma_start3A_75 = tpu.memref_slice %arg4[%add3A_71, %dma_start3A_74] : memref<160x128xi32, #tpu.memory_space<vmem>> -> memref<1x128xi32, #tpu.memory_space<vmem>>
      %dma_start3A_76 = tpu.memref_squeeze %dma_start3A_75 : memref<1x128xi32, #tpu.memory_space<vmem>> -> memref<128xi32, #tpu.memory_space<vmem>>
      %dma_start3A_77 = arith.constant 0 : i32
      %dma_start3A_78 = tpu.memref_slice %arg9[%dma_start3A_77] : memref<10240xf32, #tpu.memory_space<vmem_shared>> -> memref<10240xf32, #tpu.memory_space<vmem_shared>>
      tpu.enqueue_indirect_dma source(%dma_start3A_73 : memref<128xf32, #tpu.memory_space<vmem>>) target(%dma_start3A_78 : memref<10240xf32, #tpu.memory_space<vmem_shared>>) offsets(%dma_start3A_76 : memref<128xi32, #tpu.memory_space<vmem>>) semaphore(%arg6 : memref<!tpu.dma_semaphore, #tpu.memory_space<semaphore_mem>>) {add = true}
      %add3A_79 = arith.constant 3 : i32
      %add3A_80 = arith.addi %add3A_52, %add3A_79 : i32
      %dma_start3A_81 = arith.constant 0 : i32
      %dma_start3A_82 = tpu.memref_slice %arg5[%dma_start3A_81] : memref<640xf32, #tpu.memory_space<vmem>> -> memref<128xf32, #tpu.memory_space<vmem>>
      %dma_start3A_83 = arith.constant 0 : i32
      %dma_start3A_84 = tpu.memref_slice %arg4[%add3A_80, %dma_start3A_83] : memref<160x128xi32, #tpu.memory_space<vmem>> -> memref<1x128xi32, #tpu.memory_space<vmem>>
      %dma_start3A_85 = tpu.memref_squeeze %dma_start3A_84 : memref<1x128xi32, #tpu.memory_space<vmem>> -> memref<128xi32, #tpu.memory_space<vmem>>
      %dma_start3A_86 = arith.constant 0 : i32
      %dma_start3A_87 = tpu.memref_slice %arg9[%dma_start3A_86] : memref<10240xf32, #tpu.memory_space<vmem_shared>> -> memref<10240xf32, #tpu.memory_space<vmem_shared>>
      tpu.enqueue_indirect_dma source(%dma_start3A_82 : memref<128xf32, #tpu.memory_space<vmem>>) target(%dma_start3A_87 : memref<10240xf32, #tpu.memory_space<vmem_shared>>) offsets(%dma_start3A_85 : memref<128xi32, #tpu.memory_space<vmem>>) semaphore(%arg6 : memref<!tpu.dma_semaphore, #tpu.memory_space<semaphore_mem>>) {add = true}
      %add3A_88 = arith.constant 4 : i32
      %add3A_89 = arith.addi %add3A_52, %add3A_88 : i32
      %dma_start3A_90 = arith.constant 0 : i32
      %dma_start3A_91 = tpu.memref_slice %arg5[%dma_start3A_90] : memref<640xf32, #tpu.memory_space<vmem>> -> memref<128xf32, #tpu.memory_space<vmem>>
      %dma_start3A_92 = arith.constant 0 : i32
      %dma_start3A_93 = tpu.memref_slice %arg4[%add3A_89, %dma_start3A_92] : memref<160x128xi32, #tpu.memory_space<vmem>> -> memref<1x128xi32, #tpu.memory_space<vmem>>
      %dma_start3A_94 = tpu.memref_squeeze %dma_start3A_93 : memref<1x128xi32, #tpu.memory_space<vmem>> -> memref<128xi32, #tpu.memory_space<vmem>>
      %dma_start3A_95 = arith.constant 0 : i32
      %dma_start3A_96 = tpu.memref_slice %arg9[%dma_start3A_95] : memref<10240xf32, #tpu.memory_space<vmem_shared>> -> memref<10240xf32, #tpu.memory_space<vmem_shared>>
      tpu.enqueue_indirect_dma source(%dma_start3A_91 : memref<128xf32, #tpu.memory_space<vmem>>) target(%dma_start3A_96 : memref<10240xf32, #tpu.memory_space<vmem_shared>>) offsets(%dma_start3A_94 : memref<128xi32, #tpu.memory_space<vmem>>) semaphore(%arg6 : memref<!tpu.dma_semaphore, #tpu.memory_space<semaphore_mem>>) {add = true}
      %add3A_97 = arith.constant 5 : i32
      %add3A_98 = arith.addi %add3A_52, %add3A_97 : i32
      %dma_start3A_99 = arith.constant 0 : i32
      %dma_start3A_100 = tpu.memref_slice %arg5[%dma_start3A_99] : memref<640xf32, #tpu.memory_space<vmem>> -> memref<128xf32, #tpu.memory_space<vmem>>
      %dma_start3A_101 = arith.constant 0 : i32
      %dma_start3A_102 = tpu.memref_slice %arg4[%add3A_98, %dma_start3A_101] : memref<160x128xi32, #tpu.memory_space<vmem>> -> memref<1x128xi32, #tpu.memory_space<vmem>>
      %dma_start3A_103 = tpu.memref_squeeze %dma_start3A_102 : memref<1x128xi32, #tpu.memory_space<vmem>> -> memref<128xi32, #tpu.memory_space<vmem>>
      %dma_start3A_104 = arith.constant 0 : i32
      %dma_start3A_105 = tpu.memref_slice %arg9[%dma_start3A_104] : memref<10240xf32, #tpu.memory_space<vmem_shared>> -> memref<10240xf32, #tpu.memory_space<vmem_shared>>
      tpu.enqueue_indirect_dma source(%dma_start3A_100 : memref<128xf32, #tpu.memory_space<vmem>>) target(%dma_start3A_105 : memref<10240xf32, #tpu.memory_space<vmem_shared>>) offsets(%dma_start3A_103 : memref<128xi32, #tpu.memory_space<vmem>>) semaphore(%arg6 : memref<!tpu.dma_semaphore, #tpu.memory_space<semaphore_mem>>) {add = true}
      %add3A_106 = arith.constant 6 : i32
      %add3A_107 = arith.addi %add3A_52, %add3A_106 : i32
      %dma_start3A_108 = arith.constant 0 : i32
      %dma_start3A_109 = tpu.memref_slice %arg5[%dma_start3A_108] : memref<640xf32, #tpu.memory_space<vmem>> -> memref<128xf32, #tpu.memory_space<vmem>>
      %dma_start3A_110 = arith.constant 0 : i32
      %dma_start3A_111 = tpu.memref_slice %arg4[%add3A_107, %dma_start3A_110] : memref<160x128xi32, #tpu.memory_space<vmem>> -> memref<1x128xi32, #tpu.memory_space<vmem>>
      %dma_start3A_112 = tpu.memref_squeeze %dma_start3A_111 : memref<1x128xi32, #tpu.memory_space<vmem>> -> memref<128xi32, #tpu.memory_space<vmem>>
      %dma_start3A_113 = arith.constant 0 : i32
      %dma_start3A_114 = tpu.memref_slice %arg9[%dma_start3A_113] : memref<10240xf32, #tpu.memory_space<vmem_shared>> -> memref<10240xf32, #tpu.memory_space<vmem_shared>>
      tpu.enqueue_indirect_dma source(%dma_start3A_109 : memref<128xf32, #tpu.memory_space<vmem>>) target(%dma_start3A_114 : memref<10240xf32, #tpu.memory_space<vmem_shared>>) offsets(%dma_start3A_112 : memref<128xi32, #tpu.memory_space<vmem>>) semaphore(%arg6 : memref<!tpu.dma_semaphore, #tpu.memory_space<semaphore_mem>>) {add = true}
      %add3A_115 = arith.constant 7 : i32
      %add3A_116 = arith.addi %add3A_52, %add3A_115 : i32
      %dma_start3A_117 = arith.constant 0 : i32
      %dma_start3A_118 = tpu.memref_slice %arg5[%dma_start3A_117] : memref<640xf32, #tpu.memory_space<vmem>> -> memref<128xf32, #tpu.memory_space<vmem>>
      %dma_start3A_119 = arith.constant 0 : i32
      %dma_start3A_120 = tpu.memref_slice %arg4[%add3A_116, %dma_start3A_119] : memref<160x128xi32, #tpu.memory_space<vmem>> -> memref<1x128xi32, #tpu.memory_space<vmem>>
      %dma_start3A_121 = tpu.memref_squeeze %dma_start3A_120 : memref<1x128xi32, #tpu.memory_space<vmem>> -> memref<128xi32, #tpu.memory_space<vmem>>
      %dma_start3A_122 = arith.constant 0 : i32
      %dma_start3A_123 = tpu.memref_slice %arg9[%dma_start3A_122] : memref<10240xf32, #tpu.memory_space<vmem_shared>> -> memref<10240xf32, #tpu.memory_space<vmem_shared>>
      tpu.enqueue_indirect_dma source(%dma_start3A_118 : memref<128xf32, #tpu.memory_space<vmem>>) target(%dma_start3A_123 : memref<10240xf32, #tpu.memory_space<vmem_shared>>) offsets(%dma_start3A_121 : memref<128xi32, #tpu.memory_space<vmem>>) semaphore(%arg6 : memref<!tpu.dma_semaphore, #tpu.memory_space<semaphore_mem>>) {add = true}
      %add3A_124 = arith.constant 8 : i32
      %add3A_125 = arith.addi %add3A_52, %add3A_124 : i32
      %dma_start3A_126 = arith.constant 0 : i32
      %dma_start3A_127 = tpu.memref_slice %arg5[%dma_start3A_126] : memref<640xf32, #tpu.memory_space<vmem>> -> memref<128xf32, #tpu.memory_space<vmem>>
      %dma_start3A_128 = arith.constant 0 : i32
      %dma_start3A_129 = tpu.memref_slice %arg4[%add3A_125, %dma_start3A_128] : memref<160x128xi32, #tpu.memory_space<vmem>> -> memref<1x128xi32, #tpu.memory_space<vmem>>
      %dma_start3A_130 = tpu.memref_squeeze %dma_start3A_129 : memref<1x128xi32, #tpu.memory_space<vmem>> -> memref<128xi32, #tpu.memory_space<vmem>>
      %dma_start3A_131 = arith.constant 0 : i32
      %dma_start3A_132 = tpu.memref_slice %arg9[%dma_start3A_131] : memref<10240xf32, #tpu.memory_space<vmem_shared>> -> memref<10240xf32, #tpu.memory_space<vmem_shared>>
      tpu.enqueue_indirect_dma source(%dma_start3A_127 : memref<128xf32, #tpu.memory_space<vmem>>) target(%dma_start3A_132 : memref<10240xf32, #tpu.memory_space<vmem_shared>>) offsets(%dma_start3A_130 : memref<128xi32, #tpu.memory_space<vmem>>) semaphore(%arg6 : memref<!tpu.dma_semaphore, #tpu.memory_space<semaphore_mem>>) {add = true}
      %add3A_133 = arith.constant 9 : i32
      %add3A_134 = arith.addi %add3A_52, %add3A_133 : i32
      %dma_start3A_135 = arith.constant 0 : i32
      %dma_start3A_136 = tpu.memref_slice %arg5[%dma_start3A_135] : memref<640xf32, #tpu.memory_space<vmem>> -> memref<128xf32, #tpu.memory_space<vmem>>
      %dma_start3A_137 = arith.constant 0 : i32
      %dma_start3A_138 = tpu.memref_slice %arg4[%add3A_134, %dma_start3A_137] : memref<160x128xi32, #tpu.memory_space<vmem>> -> memref<1x128xi32, #tpu.memory_space<vmem>>
      %dma_start3A_139 = tpu.memref_squeeze %dma_start3A_138 : memref<1x128xi32, #tpu.memory_space<vmem>> -> memref<128xi32, #tpu.memory_space<vmem>>
      %dma_start3A_140 = arith.constant 0 : i32
      %dma_start3A_141 = tpu.memref_slice %arg9[%dma_start3A_140] : memref<10240xf32, #tpu.memory_space<vmem_shared>> -> memref<10240xf32, #tpu.memory_space<vmem_shared>>
      tpu.enqueue_indirect_dma source(%dma_start3A_136 : memref<128xf32, #tpu.memory_space<vmem>>) target(%dma_start3A_141 : memref<10240xf32, #tpu.memory_space<vmem_shared>>) offsets(%dma_start3A_139 : memref<128xi32, #tpu.memory_space<vmem>>) semaphore(%arg6 : memref<!tpu.dma_semaphore, #tpu.memory_space<semaphore_mem>>) {add = true}
      %add3A_142 = arith.constant 0 : i32
      %add3A_143 = arith.addi %add3A_52, %add3A_142 : i32
      %dma_wait3A = arith.constant 0 : i32
      %dma_wait3A_144 = tpu.memref_slice %arg5[%dma_wait3A] : memref<640xf32, #tpu.memory_space<vmem>> -> memref<128xf32, #tpu.memory_space<vmem>>
      %dma_wait3A_145 = arith.constant 0 : i32
      %dma_wait3A_146 = tpu.memref_slice %arg4[%add3A_143, %dma_wait3A_145] : memref<160x128xi32, #tpu.memory_space<vmem>> -> memref<1x128xi32, #tpu.memory_space<vmem>>
      %dma_wait3A_147 = tpu.memref_squeeze %dma_wait3A_146 : memref<1x128xi32, #tpu.memory_space<vmem>> -> memref<128xi32, #tpu.memory_space<vmem>>
      %dma_wait3A_148 = arith.constant 0 : i32
      %dma_wait3A_149 = tpu.memref_slice %arg9[%dma_wait3A_148] : memref<10240xf32, #tpu.memory_space<vmem_shared>> -> memref<10240xf32, #tpu.memory_space<vmem_shared>>
      tpu.wait_indirect_dma semaphore(%arg6 : memref<!tpu.dma_semaphore, #tpu.memory_space<semaphore_mem>>) src(%dma_wait3A_144 : memref<128xf32, #tpu.memory_space<vmem>>) dst(%dma_wait3A_149 : memref<10240xf32, #tpu.memory_space<vmem_shared>>)
      %add3A_150 = arith.constant 1 : i32
      %add3A_151 = arith.addi %add3A_52, %add3A_150 : i32
      %dma_wait3A_152 = arith.constant 0 : i32
      %dma_wait3A_153 = tpu.memref_slice %arg5[%dma_wait3A_152] : memref<640xf32, #tpu.memory_space<vmem>> -> memref<128xf32, #tpu.memory_space<vmem>>
      %dma_wait3A_154 = arith.constant 0 : i32
      %dma_wait3A_155 = tpu.memref_slice %arg4[%add3A_151, %dma_wait3A_154] : memref<160x128xi32, #tpu.memory_space<vmem>> -> memref<1x128xi32, #tpu.memory_space<vmem>>
      %dma_wait3A_156 = tpu.memref_squeeze %dma_wait3A_155 : memref<1x128xi32, #tpu.memory_space<vmem>> -> memref<128xi32, #tpu.memory_space<vmem>>
      %dma_wait3A_157 = arith.constant 0 : i32
      %dma_wait3A_158 = tpu.memref_slice %arg9[%dma_wait3A_157] : memref<10240xf32, #tpu.memory_space<vmem_shared>> -> memref<10240xf32, #tpu.memory_space<vmem_shared>>
      tpu.wait_indirect_dma semaphore(%arg6 : memref<!tpu.dma_semaphore, #tpu.memory_space<semaphore_mem>>) src(%dma_wait3A_153 : memref<128xf32, #tpu.memory_space<vmem>>) dst(%dma_wait3A_158 : memref<10240xf32, #tpu.memory_space<vmem_shared>>)
      %add3A_159 = arith.constant 2 : i32
      %add3A_160 = arith.addi %add3A_52, %add3A_159 : i32
      %dma_wait3A_161 = arith.constant 0 : i32
      %dma_wait3A_162 = tpu.memref_slice %arg5[%dma_wait3A_161] : memref<640xf32, #tpu.memory_space<vmem>> -> memref<128xf32, #tpu.memory_space<vmem>>
      %dma_wait3A_163 = arith.constant 0 : i32
      %dma_wait3A_164 = tpu.memref_slice %arg4[%add3A_160, %dma_wait3A_163] : memref<160x128xi32, #tpu.memory_space<vmem>> -> memref<1x128xi32, #tpu.memory_space<vmem>>
      %dma_wait3A_165 = tpu.memref_squeeze %dma_wait3A_164 : memref<1x128xi32, #tpu.memory_space<vmem>> -> memref<128xi32, #tpu.memory_space<vmem>>
      %dma_wait3A_166 = arith.constant 0 : i32
      %dma_wait3A_167 = tpu.memref_slice %arg9[%dma_wait3A_166] : memref<10240xf32, #tpu.memory_space<vmem_shared>> -> memref<10240xf32, #tpu.memory_space<vmem_shared>>
      tpu.wait_indirect_dma semaphore(%arg6 : memref<!tpu.dma_semaphore, #tpu.memory_space<semaphore_mem>>) src(%dma_wait3A_162 : memref<128xf32, #tpu.memory_space<vmem>>) dst(%dma_wait3A_167 : memref<10240xf32, #tpu.memory_space<vmem_shared>>)
      %add3A_168 = arith.constant 3 : i32
      %add3A_169 = arith.addi %add3A_52, %add3A_168 : i32
      %dma_wait3A_170 = arith.constant 0 : i32
      %dma_wait3A_171 = tpu.memref_slice %arg5[%dma_wait3A_170] : memref<640xf32, #tpu.memory_space<vmem>> -> memref<128xf32, #tpu.memory_space<vmem>>
      %dma_wait3A_172 = arith.constant 0 : i32
      %dma_wait3A_173 = tpu.memref_slice %arg4[%add3A_169, %dma_wait3A_172] : memref<160x128xi32, #tpu.memory_space<vmem>> -> memref<1x128xi32, #tpu.memory_space<vmem>>
      %dma_wait3A_174 = tpu.memref_squeeze %dma_wait3A_173 : memref<1x128xi32, #tpu.memory_space<vmem>> -> memref<128xi32, #tpu.memory_space<vmem>>
      %dma_wait3A_175 = arith.constant 0 : i32
      %dma_wait3A_176 = tpu.memref_slice %arg9[%dma_wait3A_175] : memref<10240xf32, #tpu.memory_space<vmem_shared>> -> memref<10240xf32, #tpu.memory_space<vmem_shared>>
      tpu.wait_indirect_dma semaphore(%arg6 : memref<!tpu.dma_semaphore, #tpu.memory_space<semaphore_mem>>) src(%dma_wait3A_171 : memref<128xf32, #tpu.memory_space<vmem>>) dst(%dma_wait3A_176 : memref<10240xf32, #tpu.memory_space<vmem_shared>>)
      %add3A_177 = arith.constant 4 : i32
      %add3A_178 = arith.addi %add3A_52, %add3A_177 : i32
      %dma_wait3A_179 = arith.constant 0 : i32
      %dma_wait3A_180 = tpu.memref_slice %arg5[%dma_wait3A_179] : memref<640xf32, #tpu.memory_space<vmem>> -> memref<128xf32, #tpu.memory_space<vmem>>
      %dma_wait3A_181 = arith.constant 0 : i32
      %dma_wait3A_182 = tpu.memref_slice %arg4[%add3A_178, %dma_wait3A_181] : memref<160x128xi32, #tpu.memory_space<vmem>> -> memref<1x128xi32, #tpu.memory_space<vmem>>
      %dma_wait3A_183 = tpu.memref_squeeze %dma_wait3A_182 : memref<1x128xi32, #tpu.memory_space<vmem>> -> memref<128xi32, #tpu.memory_space<vmem>>
      %dma_wait3A_184 = arith.constant 0 : i32
      %dma_wait3A_185 = tpu.memref_slice %arg9[%dma_wait3A_184] : memref<10240xf32, #tpu.memory_space<vmem_shared>> -> memref<10240xf32, #tpu.memory_space<vmem_shared>>
      tpu.wait_indirect_dma semaphore(%arg6 : memref<!tpu.dma_semaphore, #tpu.memory_space<semaphore_mem>>) src(%dma_wait3A_180 : memref<128xf32, #tpu.memory_space<vmem>>) dst(%dma_wait3A_185 : memref<10240xf32, #tpu.memory_space<vmem_shared>>)
      %add3A_186 = arith.constant 5 : i32
      %add3A_187 = arith.addi %add3A_52, %add3A_186 : i32
      %dma_wait3A_188 = arith.constant 0 : i32
      %dma_wait3A_189 = tpu.memref_slice %arg5[%dma_wait3A_188] : memref<640xf32, #tpu.memory_space<vmem>> -> memref<128xf32, #tpu.memory_space<vmem>>
      %dma_wait3A_190 = arith.constant 0 : i32
      %dma_wait3A_191 = tpu.memref_slice %arg4[%add3A_187, %dma_wait3A_190] : memref<160x128xi32, #tpu.memory_space<vmem>> -> memref<1x128xi32, #tpu.memory_space<vmem>>
      %dma_wait3A_192 = tpu.memref_squeeze %dma_wait3A_191 : memref<1x128xi32, #tpu.memory_space<vmem>> -> memref<128xi32, #tpu.memory_space<vmem>>
      %dma_wait3A_193 = arith.constant 0 : i32
      %dma_wait3A_194 = tpu.memref_slice %arg9[%dma_wait3A_193] : memref<10240xf32, #tpu.memory_space<vmem_shared>> -> memref<10240xf32, #tpu.memory_space<vmem_shared>>
      tpu.wait_indirect_dma semaphore(%arg6 : memref<!tpu.dma_semaphore, #tpu.memory_space<semaphore_mem>>) src(%dma_wait3A_189 : memref<128xf32, #tpu.memory_space<vmem>>) dst(%dma_wait3A_194 : memref<10240xf32, #tpu.memory_space<vmem_shared>>)
      %add3A_195 = arith.constant 6 : i32
      %add3A_196 = arith.addi %add3A_52, %add3A_195 : i32
      %dma_wait3A_197 = arith.constant 0 : i32
      %dma_wait3A_198 = tpu.memref_slice %arg5[%dma_wait3A_197] : memref<640xf32, #tpu.memory_space<vmem>> -> memref<128xf32, #tpu.memory_space<vmem>>
      %dma_wait3A_199 = arith.constant 0 : i32
      %dma_wait3A_200 = tpu.memref_slice %arg4[%add3A_196, %dma_wait3A_199] : memref<160x128xi32, #tpu.memory_space<vmem>> -> memref<1x128xi32, #tpu.memory_space<vmem>>
      %dma_wait3A_201 = tpu.memref_squeeze %dma_wait3A_200 : memref<1x128xi32, #tpu.memory_space<vmem>> -> memref<128xi32, #tpu.memory_space<vmem>>
      %dma_wait3A_202 = arith.constant 0 : i32
      %dma_wait3A_203 = tpu.memref_slice %arg9[%dma_wait3A_202] : memref<10240xf32, #tpu.memory_space<vmem_shared>> -> memref<10240xf32, #tpu.memory_space<vmem_shared>>
      tpu.wait_indirect_dma semaphore(%arg6 : memref<!tpu.dma_semaphore, #tpu.memory_space<semaphore_mem>>) src(%dma_wait3A_198 : memref<128xf32, #tpu.memory_space<vmem>>) dst(%dma_wait3A_203 : memref<10240xf32, #tpu.memory_space<vmem_shared>>)
      %add3A_204 = arith.constant 7 : i32
      %add3A_205 = arith.addi %add3A_52, %add3A_204 : i32
      %dma_wait3A_206 = arith.constant 0 : i32
      %dma_wait3A_207 = tpu.memref_slice %arg5[%dma_wait3A_206] : memref<640xf32, #tpu.memory_space<vmem>> -> memref<128xf32, #tpu.memory_space<vmem>>
      %dma_wait3A_208 = arith.constant 0 : i32
      %dma_wait3A_209 = tpu.memref_slice %arg4[%add3A_205, %dma_wait3A_208] : memref<160x128xi32, #tpu.memory_space<vmem>> -> memref<1x128xi32, #tpu.memory_space<vmem>>
      %dma_wait3A_210 = tpu.memref_squeeze %dma_wait3A_209 : memref<1x128xi32, #tpu.memory_space<vmem>> -> memref<128xi32, #tpu.memory_space<vmem>>
      %dma_wait3A_211 = arith.constant 0 : i32
      %dma_wait3A_212 = tpu.memref_slice %arg9[%dma_wait3A_211] : memref<10240xf32, #tpu.memory_space<vmem_shared>> -> memref<10240xf32, #tpu.memory_space<vmem_shared>>
      tpu.wait_indirect_dma semaphore(%arg6 : memref<!tpu.dma_semaphore, #tpu.memory_space<semaphore_mem>>) src(%dma_wait3A_207 : memref<128xf32, #tpu.memory_space<vmem>>) dst(%dma_wait3A_212 : memref<10240xf32, #tpu.memory_space<vmem_shared>>)
      %add3A_213 = arith.constant 8 : i32
      %add3A_214 = arith.addi %add3A_52, %add3A_213 : i32
      %dma_wait3A_215 = arith.constant 0 : i32
      %dma_wait3A_216 = tpu.memref_slice %arg5[%dma_wait3A_215] : memref<640xf32, #tpu.memory_space<vmem>> -> memref<128xf32, #tpu.memory_space<vmem>>
      %dma_wait3A_217 = arith.constant 0 : i32
      %dma_wait3A_218 = tpu.memref_slice %arg4[%add3A_214, %dma_wait3A_217] : memref<160x128xi32, #tpu.memory_space<vmem>> -> memref<1x128xi32, #tpu.memory_space<vmem>>
      %dma_wait3A_219 = tpu.memref_squeeze %dma_wait3A_218 : memref<1x128xi32, #tpu.memory_space<vmem>> -> memref<128xi32, #tpu.memory_space<vmem>>
      %dma_wait3A_220 = arith.constant 0 : i32
      %dma_wait3A_221 = tpu.memref_slice %arg9[%dma_wait3A_220] : memref<10240xf32, #tpu.memory_space<vmem_shared>> -> memref<10240xf32, #tpu.memory_space<vmem_shared>>
      tpu.wait_indirect_dma semaphore(%arg6 : memref<!tpu.dma_semaphore, #tpu.memory_space<semaphore_mem>>) src(%dma_wait3A_216 : memref<128xf32, #tpu.memory_space<vmem>>) dst(%dma_wait3A_221 : memref<10240xf32, #tpu.memory_space<vmem_shared>>)
      %add3A_222 = arith.constant 9 : i32
      %add3A_223 = arith.addi %add3A_52, %add3A_222 : i32
      %dma_wait3A_224 = arith.constant 0 : i32
      %dma_wait3A_225 = tpu.memref_slice %arg5[%dma_wait3A_224] : memref<640xf32, #tpu.memory_space<vmem>> -> memref<128xf32, #tpu.memory_space<vmem>>
      %dma_wait3A_226 = arith.constant 0 : i32
      %dma_wait3A_227 = tpu.memref_slice %arg4[%add3A_223, %dma_wait3A_226] : memref<160x128xi32, #tpu.memory_space<vmem>> -> memref<1x128xi32, #tpu.memory_space<vmem>>
      %dma_wait3A_228 = tpu.memref_squeeze %dma_wait3A_227 : memref<1x128xi32, #tpu.memory_space<vmem>> -> memref<128xi32, #tpu.memory_space<vmem>>
      %dma_wait3A_229 = arith.constant 0 : i32
      %dma_wait3A_230 = tpu.memref_slice %arg9[%dma_wait3A_229] : memref<10240xf32, #tpu.memory_space<vmem_shared>> -> memref<10240xf32, #tpu.memory_space<vmem_shared>>
      tpu.wait_indirect_dma semaphore(%arg6 : memref<!tpu.dma_semaphore, #tpu.memory_space<semaphore_mem>>) src(%dma_wait3A_225 : memref<128xf32, #tpu.memory_space<vmem>>) dst(%dma_wait3A_230 : memref<10240xf32, #tpu.memory_space<vmem_shared>>)
    }
    %barrier3A_34 = arith.constant 0 : index
    tpu.barrier barrier_id(%barrier3A_34)
    %mul3A_35 = arith.constant 5120 : i32
    %mul3A_36 = arith.muli %arg0, %mul3A_35 : i32
    %mul3A_37 = arith.constant 320 : i32
    %mul3A_38 = arith.muli %arg1, %mul3A_37 : i32
    %add3A_39 = arith.addi %mul3A_36, %mul3A_38 : i32
    "tpu.region"() ({
      %run_scoped3A = tpu.sem_alloc : memref<!tpu.dma_semaphore, #tpu.memory_space<semaphore_mem>>
      %dma_start3A = tpu.memref_slice %arg9[%add3A_39] : memref<10240xf32, #tpu.memory_space<vmem_shared>> -> memref<320xf32, #tpu.memory_space<vmem_shared>>
      %dma_start3A_50 = tpu.memref_slice %arg9[%add3A_39] : memref<10240xf32, #tpu.memory_space<vmem_shared>> -> memref<320xf32, #tpu.memory_space<vmem_shared>>
      tpu.enqueue_dma source(%dma_start3A_50 : memref<320xf32, #tpu.memory_space<vmem_shared>>) target(%arg7 : memref<320xf32, #tpu.memory_space<vmem>>) target_semaphore(%run_scoped3A : memref<!tpu.dma_semaphore, #tpu.memory_space<semaphore_mem>>)
      %dma_wait3A = tpu.memref_slice %arg9[%add3A_39] : memref<10240xf32, #tpu.memory_space<vmem_shared>> -> memref<320xf32, #tpu.memory_space<vmem_shared>>
      %dma_wait3A_51 = tpu.memref_slice %arg9[%add3A_39] : memref<10240xf32, #tpu.memory_space<vmem_shared>> -> memref<320xf32, #tpu.memory_space<vmem_shared>>
      tpu.wait_dma2 semaphore(%run_scoped3A : memref<!tpu.dma_semaphore, #tpu.memory_space<semaphore_mem>>) src(%dma_wait3A_51 : memref<320xf32, #tpu.memory_space<vmem_shared>>) dst(%arg7 : memref<320xf32, #tpu.memory_space<vmem>>)
      tpu.yield
    }) : () -> ()
    %scan3A_40 = arith.constant 0 : i32
    %scan3A_41 = arith.constant 20 : i32
    %scan3A_42 = arith.addi %scan3A_40, %scan3A_41 : i32
    %scan3A_43 = arith.constant 1 : i32
    scf.for %scan3A_50 = %scan3A_40 to %scan3A_42 step %scan3A_43  : i32 {
      %mul3A_51 = arith.constant 1 : i32
      %mul3A_52 = arith.muli %scan3A_50, %mul3A_51 : i32
      %add3A_53 = arith.constant 0 : i32
      %add3A_54 = arith.addi %add3A_53, %mul3A_52 : i32
      %mul3A_55 = arith.constant 16 : i32
      %mul3A_56 = arith.muli %add3A_54, %mul3A_55 : i32
      %get3A = arith.index_cast %mul3A_56 : i32 to index
      %get3A_57 = tpu.vector_load %arg7[%get3A] {strides = array<i32>} : memref<320xf32, #tpu.memory_space<vmem>>, vector<16xf32>,
      %bitcast3A = vector.bitcast %get3A_57 : vector<16xf32> to vector<16xi32>
      %shift_right_arithmetic3A = arith.constant 1 : i32
      %shift_right_arithmetic3A_58 = vector.broadcast %shift_right_arithmetic3A : i32 to vector<16xi32>
      %shift_right_arithmetic3A_59 = arith.shrsi %bitcast3A, %shift_right_arithmetic3A_58 : vector<16xi32>
      %sub3A_60 = arith.constant 1597463007 : i32
      %sub3A_61 = vector.broadcast %sub3A_60 : i32 to vector<16xi32>
      %sub3A_62 = arith.subi %sub3A_61, %shift_right_arithmetic3A_59 : vector<16xi32>
      %bitcast3A_63 = vector.bitcast %sub3A_62 : vector<16xi32> to vector<16xf32>
      %mul3A_64 = arith.constant 5.000000e-01 : f32
      %mul3A_65 = vector.broadcast %mul3A_64 : f32 to vector<16xf32>
      %mul3A_66 = arith.mulf %mul3A_65, %get3A_57 : vector<16xf32>
      %mul3A_67 = arith.mulf %mul3A_66, %bitcast3A_63 : vector<16xf32>
      %mul3A_68 = arith.mulf %mul3A_67, %bitcast3A_63 : vector<16xf32>
      %sub3A_69 = arith.constant 1.500000e+00 : f32
      %sub3A_70 = vector.broadcast %sub3A_69 : f32 to vector<16xf32>
      %sub3A_71 = arith.subf %sub3A_70, %mul3A_68 : vector<16xf32>
      %mul3A_72 = arith.mulf %bitcast3A_63, %sub3A_71 : vector<16xf32>
      %mul3A_73 = arith.constant 5.000000e-01 : f32
      %mul3A_74 = vector.broadcast %mul3A_73 : f32 to vector<16xf32>
      %mul3A_75 = arith.mulf %mul3A_74, %get3A_57 : vector<16xf32>
      %mul3A_76 = arith.mulf %mul3A_75, %mul3A_72 : vector<16xf32>
      %mul3A_77 = arith.mulf %mul3A_76, %mul3A_72 : vector<16xf32>
      %sub3A_78 = arith.constant 1.500000e+00 : f32
      %sub3A_79 = vector.broadcast %sub3A_78 : f32 to vector<16xf32>
      %sub3A_80 = arith.subf %sub3A_79, %mul3A_77 : vector<16xf32>
      %mul3A_81 = arith.mulf %mul3A_72, %sub3A_80 : vector<16xf32>
      %mul3A_82 = arith.constant 5.000000e-01 : f32
      %mul3A_83 = vector.broadcast %mul3A_82 : f32 to vector<16xf32>
      %mul3A_84 = arith.mulf %mul3A_83, %get3A_57 : vector<16xf32>
      %mul3A_85 = arith.mulf %mul3A_84, %mul3A_81 : vector<16xf32>
      %mul3A_86 = arith.mulf %mul3A_85, %mul3A_81 : vector<16xf32>
      %sub3A_87 = arith.constant 1.500000e+00 : f32
      %sub3A_88 = vector.broadcast %sub3A_87 : f32 to vector<16xf32>
      %sub3A_89 = arith.subf %sub3A_88, %mul3A_86 : vector<16xf32>
      %mul3A_90 = arith.mulf %mul3A_81, %sub3A_89 : vector<16xf32>
      %gt3A = arith.constant 5.000000e-01 : f32
      %gt3A_91 = vector.broadcast %gt3A : f32 to vector<16xf32>
      %gt3A_92 = arith.cmpf ogt, %get3A_57, %gt3A_91 : vector<16xf32>
      %jit3A_93 = arith.constant 0.000000e+00 : f32
      %broadcast_in_dim3A = vector.broadcast %jit3A_93 : f32 to vector<16xf32>
      %select_n3A_94 = arith.select %gt3A_92, %mul3A_90, %broadcast_in_dim3A : vector<16xi1>, vector<16xf32>
      %mul3A_95 = arith.constant 16 : i32
      %mul3A_96 = arith.muli %add3A_54, %mul3A_95 : i32
      %swap3A = arith.index_cast %mul3A_96 : i32 to index
      %swap3A_97 = tpu.vector_load %arg7[%swap3A] {strides = array<i32>} : memref<320xf32, #tpu.memory_space<vmem>>, vector<16xf32>,
      tpu.vector_store %arg7[%swap3A], %select_n3A_94 {strides = array<i32>} : memref<320xf32, #tpu.memory_space<vmem>>, vector<16xf32>,
    }
    %scan3A_44 = arith.constant 20 : i32
    %scan3A_45 = arith.constant 0 : i32
    %scan3A_46 = arith.constant 320 : i32
    %scan3A_47 = arith.addi %scan3A_45, %scan3A_46 : i32
    %scan3A_48 = arith.constant 1 : i32
    scf.for %scan3A_50 = %scan3A_45 to %scan3A_47 step %scan3A_48  : i32 {
      %mul3A_51 = arith.constant 1 : i32
      %mul3A_52 = arith.muli %scan3A_50, %mul3A_51 : i32
      %add3A_53 = arith.constant 0 : i32
      %add3A_54 = arith.addi %add3A_53, %mul3A_52 : i32
      %broadcast_in_dim3A = vector.broadcast %add3A_54 : i32 to vector<16xi32>
      %gather3A = tpu.vector_load_idx %arg7[%broadcast_in_dim3A] : memref<320xf32, #tpu.memory_space<vmem>>[vector<16xi32>], vector<16xf32>,
      %swap3A = arith.index_cast %add3A_54 : i32 to index
      %swap3A_55 = arith.constant 0 : index
      %swap3A_56 = tpu.vector_load %arg8[%swap3A, %swap3A_55] {strides = array<i32>} : memref<320x128xf32, #tpu.memory_space<vmem>>, vector<16xf32>,
      tpu.vector_store %arg8[%swap3A, %swap3A_55], %gather3A {strides = array<i32>} : memref<320x128xf32, #tpu.memory_space<vmem>>, vector<16xf32>,
      %swap3A_57 = arith.index_cast %add3A_54 : i32 to index
      %swap3A_58 = arith.constant 16 : index
      %swap3A_59 = tpu.vector_load %arg8[%swap3A_57, %swap3A_58] {strides = array<i32>} : memref<320x128xf32, #tpu.memory_space<vmem>>, vector<16xf32>,
      tpu.vector_store %arg8[%swap3A_57, %swap3A_58], %gather3A {strides = array<i32>} : memref<320x128xf32, #tpu.memory_space<vmem>>, vector<16xf32>,
      %swap3A_60 = arith.index_cast %add3A_54 : i32 to index
      %swap3A_61 = arith.constant 32 : index
      %swap3A_62 = tpu.vector_load %arg8[%swap3A_60, %swap3A_61] {strides = array<i32>} : memref<320x128xf32, #tpu.memory_space<vmem>>, vector<16xf32>,
      tpu.vector_store %arg8[%swap3A_60, %swap3A_61], %gather3A {strides = array<i32>} : memref<320x128xf32, #tpu.memory_space<vmem>>, vector<16xf32>,
      %swap3A_63 = arith.index_cast %add3A_54 : i32 to index
      %swap3A_64 = arith.constant 48 : index
      %swap3A_65 = tpu.vector_load %arg8[%swap3A_63, %swap3A_64] {strides = array<i32>} : memref<320x128xf32, #tpu.memory_space<vmem>>, vector<16xf32>,
      tpu.vector_store %arg8[%swap3A_63, %swap3A_64], %gather3A {strides = array<i32>} : memref<320x128xf32, #tpu.memory_space<vmem>>, vector<16xf32>,
      %swap3A_66 = arith.index_cast %add3A_54 : i32 to index
      %swap3A_67 = arith.constant 64 : index
      %swap3A_68 = tpu.vector_load %arg8[%swap3A_66, %swap3A_67] {strides = array<i32>} : memref<320x128xf32, #tpu.memory_space<vmem>>, vector<16xf32>,
      tpu.vector_store %arg8[%swap3A_66, %swap3A_67], %gather3A {strides = array<i32>} : memref<320x128xf32, #tpu.memory_space<vmem>>, vector<16xf32>,
      %swap3A_69 = arith.index_cast %add3A_54 : i32 to index
      %swap3A_70 = arith.constant 80 : index
      %swap3A_71 = tpu.vector_load %arg8[%swap3A_69, %swap3A_70] {strides = array<i32>} : memref<320x128xf32, #tpu.memory_space<vmem>>, vector<16xf32>,
      tpu.vector_store %arg8[%swap3A_69, %swap3A_70], %gather3A {strides = array<i32>} : memref<320x128xf32, #tpu.memory_space<vmem>>, vector<16xf32>,
      %swap3A_72 = arith.index_cast %add3A_54 : i32 to index
      %swap3A_73 = arith.constant 96 : index
      %swap3A_74 = tpu.vector_load %arg8[%swap3A_72, %swap3A_73] {strides = array<i32>} : memref<320x128xf32, #tpu.memory_space<vmem>>, vector<16xf32>,
      tpu.vector_store %arg8[%swap3A_72, %swap3A_73], %gather3A {strides = array<i32>} : memref<320x128xf32, #tpu.memory_space<vmem>>, vector<16xf32>,
      %swap3A_75 = arith.index_cast %add3A_54 : i32 to index
      %swap3A_76 = arith.constant 112 : index
      %swap3A_77 = tpu.vector_load %arg8[%swap3A_75, %swap3A_76] {strides = array<i32>} : memref<320x128xf32, #tpu.memory_space<vmem>>, vector<16xf32>,
      tpu.vector_store %arg8[%swap3A_75, %swap3A_76], %gather3A {strides = array<i32>} : memref<320x128xf32, #tpu.memory_space<vmem>>, vector<16xf32>,
    }
    %scan3A_49 = arith.constant 320 : i32
    "tpu.region"() ({
      %run_scoped3A = tpu.sem_alloc : memref<!tpu.dma_semaphore, #tpu.memory_space<semaphore_mem>>
      %dma_start3A = arith.constant 0 : i32
      %dma_start3A_50 = tpu.memref_slice %arg3[%add3A_39, %dma_start3A] : memref<10240x128xf32, #tpu.memory_space<hbm>> -> memref<320x128xf32, #tpu.memory_space<hbm>>
      %dma_start3A_51 = arith.constant 0 : i32
      %dma_start3A_52 = tpu.memref_slice %arg3[%add3A_39, %dma_start3A_51] : memref<10240x128xf32, #tpu.memory_space<hbm>> -> memref<320x128xf32, #tpu.memory_space<hbm>>
      tpu.enqueue_dma source(%arg8 : memref<320x128xf32, #tpu.memory_space<vmem>>) target(%dma_start3A_52 : memref<320x128xf32, #tpu.memory_space<hbm>>) target_semaphore(%run_scoped3A : memref<!tpu.dma_semaphore, #tpu.memory_space<semaphore_mem>>)
      %dma_wait3A = arith.constant 0 : i32
      %dma_wait3A_53 = tpu.memref_slice %arg3[%add3A_39, %dma_wait3A] : memref<10240x128xf32, #tpu.memory_space<hbm>> -> memref<320x128xf32, #tpu.memory_space<hbm>>
      %dma_wait3A_54 = arith.constant 0 : i32
      %dma_wait3A_55 = tpu.memref_slice %arg3[%add3A_39, %dma_wait3A_54] : memref<10240x128xf32, #tpu.memory_space<hbm>> -> memref<320x128xf32, #tpu.memory_space<hbm>>
      tpu.wait_dma2 semaphore(%run_scoped3A : memref<!tpu.dma_semaphore, #tpu.memory_space<semaphore_mem>>) src(%arg8 : memref<320x128xf32, #tpu.memory_space<vmem>>) dst(%dma_wait3A_55 : memref<320x128xf32, #tpu.memory_space<hbm>>)
      tpu.yield
    }) : () -> ()
    return
  }
}

#map = affine_map<(d0, d1) -> (0, 0)>
#map1 = affine_map<(d0, d1) -> (0, 0, 0)>
module attributes {stable_mosaic.version = 14 : i64} {
  func.func @_main_body(%arg0: i32, %arg1: i32, %arg2: memref<10000x128xf32, #tpu.memory_space<hbm>>, %arg3: memref<2x320000xi32, #tpu.memory_space<hbm>>, %arg4: memref<2x10240x128xf32, #tpu.memory_space<hbm>>, %arg5: memref<128xi32, #tpu.memory_space<vmem>>, %arg6: memref<128xi32, #tpu.memory_space<vmem>>, %arg7: memref<128xi32, #tpu.memory_space<vmem>>, %arg8: memref<128xi32, #tpu.memory_space<vmem>>, %arg9: memref<!tpu.dma_semaphore, #tpu.memory_space<semaphore_mem>>, %arg10: memref<!tpu.dma_semaphore, #tpu.memory_space<semaphore_mem>>, %arg11: memref<!tpu.dma_semaphore, #tpu.memory_space<semaphore_mem>>, %arg12: memref<!tpu.dma_semaphore, #tpu.memory_space<semaphore_mem>>, %arg13: memref<2x64xi32, #tpu.memory_space<vmem>>, %arg14: memref<2x64xi32, #tpu.memory_space<vmem>>, %arg15: memref<2x64xi32, #tpu.memory_space<vmem>>, %arg16: memref<2x64xi32, #tpu.memory_space<vmem>>, %arg17: memref<!tpu.dma_semaphore, #tpu.memory_space<semaphore_mem>>, %arg18: memref<!tpu.dma_semaphore, #tpu.memory_space<semaphore_mem>>, %arg19: memref<!tpu.dma_semaphore, #tpu.memory_space<semaphore_mem>>, %arg20: memref<!tpu.dma_semaphore, #tpu.memory_space<semaphore_mem>>, %arg21: memref<128x128xf32, #tpu.memory_space<vmem>>, %arg22: memref<128x128xf32, #tpu.memory_space<vmem>>, %arg23: memref<!tpu.dma_semaphore, #tpu.memory_space<semaphore_mem>>, %arg24: memref<!tpu.dma_semaphore, #tpu.memory_space<semaphore_mem>>, %arg25: memref<!tpu.dma_semaphore, #tpu.memory_space<semaphore_mem>>, %arg26: memref<!tpu.dma_semaphore, #tpu.memory_space<semaphore_mem>>, %arg27: memref<10240x128xf32, #tpu.memory_space<vmem_shared>>) attributes {dimension_semantics = [#tpu.dimension_semantics<core_parallel>, #tpu.dimension_semantics<subcore_parallel>], iteration_bounds = array<i64: 2, 16>, scalar_prefetch = 0 : i64, scratch_operands = 23 : i64, tpu.core_type = #tpu.core_type<sc_vector_subcore>, window_params = [{transform_indices = #map}, {transform_indices = #map}, {transform_indices = #map1}]} {
    %mul3A = arith.constant 2 : i32
    %mul3A_0 = arith.muli %arg1, %mul3A : i32
    %add3A = arith.addi %mul3A_0, %arg0 : i32
    %lt3A = arith.constant 4 : i32
    %lt3A_1 = arith.cmpi slt, %add3A, %lt3A : i32
    %jit3A = arith.constant 1 : i32
    %jit3A_2 = arith.constant 0 : i32
    %select_n3A = arith.select %lt3A_1, %jit3A, %jit3A_2 : i32
    %add3A_3 = arith.constant 78 : i32
    %add3A_4 = arith.addi %add3A_3, %select_n3A : i32
    %scan3A = arith.constant 0 : i32
    %scan3A_5 = arith.constant 128 : i32
    %scan3A_6 = arith.addi %scan3A, %scan3A_5 : i32
    %scan3A_7 = arith.constant 1 : i32
    scf.for %scan3A_237 = %scan3A to %scan3A_6 step %scan3A_7  : i32 {
      %mul3A_238 = arith.constant 1 : i32
      %mul3A_239 = arith.muli %scan3A_237, %mul3A_238 : i32
      %add3A_240 = arith.constant 0 : i32
      %add3A_241 = arith.addi %add3A_240, %mul3A_239 : i32
      %broadcast_in_dim3A = arith.constant 0.000000e+00 : f32
      %broadcast_in_dim3A_242 = vector.broadcast %broadcast_in_dim3A : f32 to vector<16xf32>
      %swap3A = arith.index_cast %add3A_241 : i32 to index
      %swap3A_243 = arith.constant 0 : index
      %swap3A_244 = tpu.vector_load %arg21[%swap3A, %swap3A_243] {strides = array<i32>} : memref<128x128xf32, #tpu.memory_space<vmem>>, vector<1x16xf32>,
      %swap3A_245 = vector.shape_cast %swap3A_244 : vector<1x16xf32> to vector<16xf32>
      %swap3A_246 = vector.shape_cast %broadcast_in_dim3A_242 : vector<16xf32> to vector<1x16xf32>
      tpu.vector_store %arg21[%swap3A, %swap3A_243], %swap3A_246 {strides = array<i32>} : memref<128x128xf32, #tpu.memory_space<vmem>>, vector<1x16xf32>,
      %broadcast_in_dim3A_247 = arith.constant 0.000000e+00 : f32
      %broadcast_in_dim3A_248 = vector.broadcast %broadcast_in_dim3A_247 : f32 to vector<16xf32>
      %swap3A_249 = arith.index_cast %add3A_241 : i32 to index
      %swap3A_250 = arith.constant 16 : index
      %swap3A_251 = tpu.vector_load %arg21[%swap3A_249, %swap3A_250] {strides = array<i32>} : memref<128x128xf32, #tpu.memory_space<vmem>>, vector<1x16xf32>,
      %swap3A_252 = vector.shape_cast %swap3A_251 : vector<1x16xf32> to vector<16xf32>
      %swap3A_253 = vector.shape_cast %broadcast_in_dim3A_248 : vector<16xf32> to vector<1x16xf32>
      tpu.vector_store %arg21[%swap3A_249, %swap3A_250], %swap3A_253 {strides = array<i32>} : memref<128x128xf32, #tpu.memory_space<vmem>>, vector<1x16xf32>,
      %broadcast_in_dim3A_254 = arith.constant 0.000000e+00 : f32
      %broadcast_in_dim3A_255 = vector.broadcast %broadcast_in_dim3A_254 : f32 to vector<16xf32>
      %swap3A_256 = arith.index_cast %add3A_241 : i32 to index
      %swap3A_257 = arith.constant 32 : index
      %swap3A_258 = tpu.vector_load %arg21[%swap3A_256, %swap3A_257] {strides = array<i32>} : memref<128x128xf32, #tpu.memory_space<vmem>>, vector<1x16xf32>,
      %swap3A_259 = vector.shape_cast %swap3A_258 : vector<1x16xf32> to vector<16xf32>
      %swap3A_260 = vector.shape_cast %broadcast_in_dim3A_255 : vector<16xf32> to vector<1x16xf32>
      tpu.vector_store %arg21[%swap3A_256, %swap3A_257], %swap3A_260 {strides = array<i32>} : memref<128x128xf32, #tpu.memory_space<vmem>>, vector<1x16xf32>,
      %broadcast_in_dim3A_261 = arith.constant 0.000000e+00 : f32
      %broadcast_in_dim3A_262 = vector.broadcast %broadcast_in_dim3A_261 : f32 to vector<16xf32>
      %swap3A_263 = arith.index_cast %add3A_241 : i32 to index
      %swap3A_264 = arith.constant 48 : index
      %swap3A_265 = tpu.vector_load %arg21[%swap3A_263, %swap3A_264] {strides = array<i32>} : memref<128x128xf32, #tpu.memory_space<vmem>>, vector<1x16xf32>,
      %swap3A_266 = vector.shape_cast %swap3A_265 : vector<1x16xf32> to vector<16xf32>
      %swap3A_267 = vector.shape_cast %broadcast_in_dim3A_262 : vector<16xf32> to vector<1x16xf32>
      tpu.vector_store %arg21[%swap3A_263, %swap3A_264], %swap3A_267 {strides = array<i32>} : memref<128x128xf32, #tpu.memory_space<vmem>>, vector<1x16xf32>,
      %broadcast_in_dim3A_268 = arith.constant 0.000000e+00 : f32
      %broadcast_in_dim3A_269 = vector.broadcast %broadcast_in_dim3A_268 : f32 to vector<16xf32>
      %swap3A_270 = arith.index_cast %add3A_241 : i32 to index
      %swap3A_271 = arith.constant 64 : index
      %swap3A_272 = tpu.vector_load %arg21[%swap3A_270, %swap3A_271] {strides = array<i32>} : memref<128x128xf32, #tpu.memory_space<vmem>>, vector<1x16xf32>,
      %swap3A_273 = vector.shape_cast %swap3A_272 : vector<1x16xf32> to vector<16xf32>
      %swap3A_274 = vector.shape_cast %broadcast_in_dim3A_269 : vector<16xf32> to vector<1x16xf32>
      tpu.vector_store %arg21[%swap3A_270, %swap3A_271], %swap3A_274 {strides = array<i32>} : memref<128x128xf32, #tpu.memory_space<vmem>>, vector<1x16xf32>,
      %broadcast_in_dim3A_275 = arith.constant 0.000000e+00 : f32
      %broadcast_in_dim3A_276 = vector.broadcast %broadcast_in_dim3A_275 : f32 to vector<16xf32>
      %swap3A_277 = arith.index_cast %add3A_241 : i32 to index
      %swap3A_278 = arith.constant 80 : index
      %swap3A_279 = tpu.vector_load %arg21[%swap3A_277, %swap3A_278] {strides = array<i32>} : memref<128x128xf32, #tpu.memory_space<vmem>>, vector<1x16xf32>,
      %swap3A_280 = vector.shape_cast %swap3A_279 : vector<1x16xf32> to vector<16xf32>
      %swap3A_281 = vector.shape_cast %broadcast_in_dim3A_276 : vector<16xf32> to vector<1x16xf32>
      tpu.vector_store %arg21[%swap3A_277, %swap3A_278], %swap3A_281 {strides = array<i32>} : memref<128x128xf32, #tpu.memory_space<vmem>>, vector<1x16xf32>,
      %broadcast_in_dim3A_282 = arith.constant 0.000000e+00 : f32
      %broadcast_in_dim3A_283 = vector.broadcast %broadcast_in_dim3A_282 : f32 to vector<16xf32>
      %swap3A_284 = arith.index_cast %add3A_241 : i32 to index
      %swap3A_285 = arith.constant 96 : index
      %swap3A_286 = tpu.vector_load %arg21[%swap3A_284, %swap3A_285] {strides = array<i32>} : memref<128x128xf32, #tpu.memory_space<vmem>>, vector<1x16xf32>,
      %swap3A_287 = vector.shape_cast %swap3A_286 : vector<1x16xf32> to vector<16xf32>
      %swap3A_288 = vector.shape_cast %broadcast_in_dim3A_283 : vector<16xf32> to vector<1x16xf32>
      tpu.vector_store %arg21[%swap3A_284, %swap3A_285], %swap3A_288 {strides = array<i32>} : memref<128x128xf32, #tpu.memory_space<vmem>>, vector<1x16xf32>,
      %broadcast_in_dim3A_289 = arith.constant 0.000000e+00 : f32
      %broadcast_in_dim3A_290 = vector.broadcast %broadcast_in_dim3A_289 : f32 to vector<16xf32>
      %swap3A_291 = arith.index_cast %add3A_241 : i32 to index
      %swap3A_292 = arith.constant 112 : index
      %swap3A_293 = tpu.vector_load %arg21[%swap3A_291, %swap3A_292] {strides = array<i32>} : memref<128x128xf32, #tpu.memory_space<vmem>>, vector<1x16xf32>,
      %swap3A_294 = vector.shape_cast %swap3A_293 : vector<1x16xf32> to vector<16xf32>
      %swap3A_295 = vector.shape_cast %broadcast_in_dim3A_290 : vector<16xf32> to vector<1x16xf32>
      tpu.vector_store %arg21[%swap3A_291, %swap3A_292], %swap3A_295 {strides = array<i32>} : memref<128x128xf32, #tpu.memory_space<vmem>>, vector<1x16xf32>,
    }
    %scan3A_8 = arith.constant 128 : i32
    %mul3A_9 = arith.constant 640 : i32
    %mul3A_10 = arith.muli %arg1, %mul3A_9 : i32
    %add3A_11 = arith.constant 0 : i32
    %add3A_12 = arith.addi %mul3A_10, %add3A_11 : i32
    "tpu.region"() ({
      %run_scoped3A = tpu.sem_alloc : memref<!tpu.dma_semaphore, #tpu.memory_space<semaphore_mem>>
      %dma_start3A_237 = arith.constant 0 : i32
      %dma_start3A_238 = tpu.memref_slice %arg27[%add3A_12, %dma_start3A_237] : memref<10240x128xf32, #tpu.memory_space<vmem_shared>> -> memref<128x128xf32, #tpu.memory_space<vmem_shared>>
      %dma_start3A_239 = arith.constant 0 : i32
      %dma_start3A_240 = tpu.memref_slice %arg27[%add3A_12, %dma_start3A_239] : memref<10240x128xf32, #tpu.memory_space<vmem_shared>> -> memref<128x128xf32, #tpu.memory_space<vmem_shared>>
      tpu.enqueue_dma source(%arg21 : memref<128x128xf32, #tpu.memory_space<vmem>>) target(%dma_start3A_240 : memref<128x128xf32, #tpu.memory_space<vmem_shared>>) target_semaphore(%run_scoped3A : memref<!tpu.dma_semaphore, #tpu.memory_space<semaphore_mem>>)
      %dma_wait3A_241 = arith.constant 0 : i32
      %dma_wait3A_242 = tpu.memref_slice %arg27[%add3A_12, %dma_wait3A_241] : memref<10240x128xf32, #tpu.memory_space<vmem_shared>> -> memref<128x128xf32, #tpu.memory_space<vmem_shared>>
      %dma_wait3A_243 = arith.constant 0 : i32
      %dma_wait3A_244 = tpu.memref_slice %arg27[%add3A_12, %dma_wait3A_243] : memref<10240x128xf32, #tpu.memory_space<vmem_shared>> -> memref<128x128xf32, #tpu.memory_space<vmem_shared>>
      tpu.wait_dma2 semaphore(%run_scoped3A : memref<!tpu.dma_semaphore, #tpu.memory_space<semaphore_mem>>) src(%arg21 : memref<128x128xf32, #tpu.memory_space<vmem>>) dst(%dma_wait3A_244 : memref<128x128xf32, #tpu.memory_space<vmem_shared>>)
      tpu.yield
    }) : () -> ()
    %mul3A_13 = arith.constant 640 : i32
    %mul3A_14 = arith.muli %arg1, %mul3A_13 : i32
    %add3A_15 = arith.constant 128 : i32
    %add3A_16 = arith.addi %mul3A_14, %add3A_15 : i32
    "tpu.region"() ({
      %run_scoped3A = tpu.sem_alloc : memref<!tpu.dma_semaphore, #tpu.memory_space<semaphore_mem>>
      %dma_start3A_237 = arith.constant 0 : i32
      %dma_start3A_238 = tpu.memref_slice %arg27[%add3A_16, %dma_start3A_237] : memref<10240x128xf32, #tpu.memory_space<vmem_shared>> -> memref<128x128xf32, #tpu.memory_space<vmem_shared>>
      %dma_start3A_239 = arith.constant 0 : i32
      %dma_start3A_240 = tpu.memref_slice %arg27[%add3A_16, %dma_start3A_239] : memref<10240x128xf32, #tpu.memory_space<vmem_shared>> -> memref<128x128xf32, #tpu.memory_space<vmem_shared>>
      tpu.enqueue_dma source(%arg21 : memref<128x128xf32, #tpu.memory_space<vmem>>) target(%dma_start3A_240 : memref<128x128xf32, #tpu.memory_space<vmem_shared>>) target_semaphore(%run_scoped3A : memref<!tpu.dma_semaphore, #tpu.memory_space<semaphore_mem>>)
      %dma_wait3A_241 = arith.constant 0 : i32
      %dma_wait3A_242 = tpu.memref_slice %arg27[%add3A_16, %dma_wait3A_241] : memref<10240x128xf32, #tpu.memory_space<vmem_shared>> -> memref<128x128xf32, #tpu.memory_space<vmem_shared>>
      %dma_wait3A_243 = arith.constant 0 : i32
      %dma_wait3A_244 = tpu.memref_slice %arg27[%add3A_16, %dma_wait3A_243] : memref<10240x128xf32, #tpu.memory_space<vmem_shared>> -> memref<128x128xf32, #tpu.memory_space<vmem_shared>>
      tpu.wait_dma2 semaphore(%run_scoped3A : memref<!tpu.dma_semaphore, #tpu.memory_space<semaphore_mem>>) src(%arg21 : memref<128x128xf32, #tpu.memory_space<vmem>>) dst(%dma_wait3A_244 : memref<128x128xf32, #tpu.memory_space<vmem_shared>>)
      tpu.yield
    }) : () -> ()
    %mul3A_17 = arith.constant 640 : i32
    %mul3A_18 = arith.muli %arg1, %mul3A_17 : i32
    %add3A_19 = arith.constant 256 : i32
    %add3A_20 = arith.addi %mul3A_18, %add3A_19 : i32
    "tpu.region"() ({
      %run_scoped3A = tpu.sem_alloc : memref<!tpu.dma_semaphore, #tpu.memory_space<semaphore_mem>>
      %dma_start3A_237 = arith.constant 0 : i32
      %dma_start3A_238 = tpu.memref_slice %arg27[%add3A_20, %dma_start3A_237] : memref<10240x128xf32, #tpu.memory_space<vmem_shared>> -> memref<128x128xf32, #tpu.memory_space<vmem_shared>>
      %dma_start3A_239 = arith.constant 0 : i32
      %dma_start3A_240 = tpu.memref_slice %arg27[%add3A_20, %dma_start3A_239] : memref<10240x128xf32, #tpu.memory_space<vmem_shared>> -> memref<128x128xf32, #tpu.memory_space<vmem_shared>>
      tpu.enqueue_dma source(%arg21 : memref<128x128xf32, #tpu.memory_space<vmem>>) target(%dma_start3A_240 : memref<128x128xf32, #tpu.memory_space<vmem_shared>>) target_semaphore(%run_scoped3A : memref<!tpu.dma_semaphore, #tpu.memory_space<semaphore_mem>>)
      %dma_wait3A_241 = arith.constant 0 : i32
      %dma_wait3A_242 = tpu.memref_slice %arg27[%add3A_20, %dma_wait3A_241] : memref<10240x128xf32, #tpu.memory_space<vmem_shared>> -> memref<128x128xf32, #tpu.memory_space<vmem_shared>>
      %dma_wait3A_243 = arith.constant 0 : i32
      %dma_wait3A_244 = tpu.memref_slice %arg27[%add3A_20, %dma_wait3A_243] : memref<10240x128xf32, #tpu.memory_space<vmem_shared>> -> memref<128x128xf32, #tpu.memory_space<vmem_shared>>
      tpu.wait_dma2 semaphore(%run_scoped3A : memref<!tpu.dma_semaphore, #tpu.memory_space<semaphore_mem>>) src(%arg21 : memref<128x128xf32, #tpu.memory_space<vmem>>) dst(%dma_wait3A_244 : memref<128x128xf32, #tpu.memory_space<vmem_shared>>)
      tpu.yield
    }) : () -> ()
    %mul3A_21 = arith.constant 640 : i32
    %mul3A_22 = arith.muli %arg1, %mul3A_21 : i32
    %add3A_23 = arith.constant 384 : i32
    %add3A_24 = arith.addi %mul3A_22, %add3A_23 : i32
    "tpu.region"() ({
      %run_scoped3A = tpu.sem_alloc : memref<!tpu.dma_semaphore, #tpu.memory_space<semaphore_mem>>
      %dma_start3A_237 = arith.constant 0 : i32
      %dma_start3A_238 = tpu.memref_slice %arg27[%add3A_24, %dma_start3A_237] : memref<10240x128xf32, #tpu.memory_space<vmem_shared>> -> memref<128x128xf32, #tpu.memory_space<vmem_shared>>
      %dma_start3A_239 = arith.constant 0 : i32
      %dma_start3A_240 = tpu.memref_slice %arg27[%add3A_24, %dma_start3A_239] : memref<10240x128xf32, #tpu.memory_space<vmem_shared>> -> memref<128x128xf32, #tpu.memory_space<vmem_shared>>
      tpu.enqueue_dma source(%arg21 : memref<128x128xf32, #tpu.memory_space<vmem>>) target(%dma_start3A_240 : memref<128x128xf32, #tpu.memory_space<vmem_shared>>) target_semaphore(%run_scoped3A : memref<!tpu.dma_semaphore, #tpu.memory_space<semaphore_mem>>)
      %dma_wait3A_241 = arith.constant 0 : i32
      %dma_wait3A_242 = tpu.memref_slice %arg27[%add3A_24, %dma_wait3A_241] : memref<10240x128xf32, #tpu.memory_space<vmem_shared>> -> memref<128x128xf32, #tpu.memory_space<vmem_shared>>
      %dma_wait3A_243 = arith.constant 0 : i32
      %dma_wait3A_244 = tpu.memref_slice %arg27[%add3A_24, %dma_wait3A_243] : memref<10240x128xf32, #tpu.memory_space<vmem_shared>> -> memref<128x128xf32, #tpu.memory_space<vmem_shared>>
      tpu.wait_dma2 semaphore(%run_scoped3A : memref<!tpu.dma_semaphore, #tpu.memory_space<semaphore_mem>>) src(%arg21 : memref<128x128xf32, #tpu.memory_space<vmem>>) dst(%dma_wait3A_244 : memref<128x128xf32, #tpu.memory_space<vmem_shared>>)
      tpu.yield
    }) : () -> ()
    %mul3A_25 = arith.constant 640 : i32
    %mul3A_26 = arith.muli %arg1, %mul3A_25 : i32
    %add3A_27 = arith.constant 512 : i32
    %add3A_28 = arith.addi %mul3A_26, %add3A_27 : i32
    "tpu.region"() ({
      %run_scoped3A = tpu.sem_alloc : memref<!tpu.dma_semaphore, #tpu.memory_space<semaphore_mem>>
      %dma_start3A_237 = arith.constant 0 : i32
      %dma_start3A_238 = tpu.memref_slice %arg27[%add3A_28, %dma_start3A_237] : memref<10240x128xf32, #tpu.memory_space<vmem_shared>> -> memref<128x128xf32, #tpu.memory_space<vmem_shared>>
      %dma_start3A_239 = arith.constant 0 : i32
      %dma_start3A_240 = tpu.memref_slice %arg27[%add3A_28, %dma_start3A_239] : memref<10240x128xf32, #tpu.memory_space<vmem_shared>> -> memref<128x128xf32, #tpu.memory_space<vmem_shared>>
      tpu.enqueue_dma source(%arg21 : memref<128x128xf32, #tpu.memory_space<vmem>>) target(%dma_start3A_240 : memref<128x128xf32, #tpu.memory_space<vmem_shared>>) target_semaphore(%run_scoped3A : memref<!tpu.dma_semaphore, #tpu.memory_space<semaphore_mem>>)
      %dma_wait3A_241 = arith.constant 0 : i32
      %dma_wait3A_242 = tpu.memref_slice %arg27[%add3A_28, %dma_wait3A_241] : memref<10240x128xf32, #tpu.memory_space<vmem_shared>> -> memref<128x128xf32, #tpu.memory_space<vmem_shared>>
      %dma_wait3A_243 = arith.constant 0 : i32
      %dma_wait3A_244 = tpu.memref_slice %arg27[%add3A_28, %dma_wait3A_243] : memref<10240x128xf32, #tpu.memory_space<vmem_shared>> -> memref<128x128xf32, #tpu.memory_space<vmem_shared>>
      tpu.wait_dma2 semaphore(%run_scoped3A : memref<!tpu.dma_semaphore, #tpu.memory_space<semaphore_mem>>) src(%arg21 : memref<128x128xf32, #tpu.memory_space<vmem>>) dst(%dma_wait3A_244 : memref<128x128xf32, #tpu.memory_space<vmem_shared>>)
      tpu.yield
    }) : () -> ()
    %barrier3A = arith.constant 0 : index
    tpu.barrier barrier_id(%barrier3A)
    %mul3A_29 = arith.constant 78 : i32
    %mul3A_30 = arith.muli %add3A, %mul3A_29 : i32
    %add3A_31 = arith.constant 0 : i32
    %add3A_32 = arith.addi %mul3A_30, %add3A_31 : i32
    %add3A_33 = arith.constant 2496 : i32
    %add3A_34 = arith.addi %add3A_33, %add3A : i32
    %jit3A_35 = arith.constant true
    %select_n3A_36 = arith.select %jit3A_35, %add3A_32, %add3A_34 : i32
    %mul3A_37 = arith.constant 128 : i32
    %mul3A_38 = arith.muli %select_n3A_36, %mul3A_37 : i32
    %dma_start3A = arith.constant 0 : i32
    %dma_start3A_39 = tpu.memref_slice %arg3[%dma_start3A, %mul3A_38] : memref<2x320000xi32, #tpu.memory_space<hbm>> -> memref<1x128xi32, #tpu.memory_space<hbm>>
    %dma_start3A_40 = tpu.memref_squeeze %dma_start3A_39 : memref<1x128xi32, #tpu.memory_space<hbm>> -> memref<128xi32, #tpu.memory_space<hbm>>
    %dma_start3A_41 = tpu.memref_slice %arg3[%dma_start3A, %mul3A_38] : memref<2x320000xi32, #tpu.memory_space<hbm>> -> memref<1x128xi32, #tpu.memory_space<hbm>>
    %dma_start3A_42 = tpu.memref_squeeze %dma_start3A_41 : memref<1x128xi32, #tpu.memory_space<hbm>> -> memref<128xi32, #tpu.memory_space<hbm>>
    tpu.enqueue_dma source(%dma_start3A_42 : memref<128xi32, #tpu.memory_space<hbm>>) target(%arg5 : memref<128xi32, #tpu.memory_space<vmem>>) target_semaphore(%arg9 : memref<!tpu.dma_semaphore, #tpu.memory_space<semaphore_mem>>)
    %mul3A_43 = arith.constant 128 : i32
    %mul3A_44 = arith.muli %select_n3A_36, %mul3A_43 : i32
    %dma_start3A_45 = arith.constant 1 : i32
    %dma_start3A_46 = arith.constant 0 : i32
    %dma_start3A_47 = arith.constant 0 : i32
    %dma_start3A_48 = tpu.memref_slice %arg13[%dma_start3A_46, %dma_start3A_47] : memref<2x64xi32, #tpu.memory_space<vmem>> -> memref<1x64xi32, #tpu.memory_space<vmem>>
    %dma_start3A_49 = tpu.memref_squeeze %dma_start3A_48 : memref<1x64xi32, #tpu.memory_space<vmem>> -> memref<64xi32, #tpu.memory_space<vmem>>
    %dma_start3A_50 = tpu.memref_slice %arg3[%dma_start3A_45, %mul3A_44] : memref<2x320000xi32, #tpu.memory_space<hbm>> -> memref<1x64xi32, #tpu.memory_space<hbm>>
    %dma_start3A_51 = tpu.memref_squeeze %dma_start3A_50 : memref<1x64xi32, #tpu.memory_space<hbm>> -> memref<64xi32, #tpu.memory_space<hbm>>
    %dma_start3A_52 = arith.constant 0 : i32
    %dma_start3A_53 = tpu.memref_slice %arg13[%dma_start3A_46, %dma_start3A_52] : memref<2x64xi32, #tpu.memory_space<vmem>> -> memref<1x64xi32, #tpu.memory_space<vmem>>
    %dma_start3A_54 = tpu.memref_squeeze %dma_start3A_53 : memref<1x64xi32, #tpu.memory_space<vmem>> -> memref<64xi32, #tpu.memory_space<vmem>>
    %dma_start3A_55 = tpu.memref_slice %arg3[%dma_start3A_45, %mul3A_44] : memref<2x320000xi32, #tpu.memory_space<hbm>> -> memref<1x64xi32, #tpu.memory_space<hbm>>
    %dma_start3A_56 = tpu.memref_squeeze %dma_start3A_55 : memref<1x64xi32, #tpu.memory_space<hbm>> -> memref<64xi32, #tpu.memory_space<hbm>>
    tpu.enqueue_dma source(%dma_start3A_56 : memref<64xi32, #tpu.memory_space<hbm>>) target(%dma_start3A_54 : memref<64xi32, #tpu.memory_space<vmem>>) target_semaphore(%arg17 : memref<!tpu.dma_semaphore, #tpu.memory_space<semaphore_mem>>)
    %mul3A_57 = arith.constant 128 : i32
    %mul3A_58 = arith.muli %select_n3A_36, %mul3A_57 : i32
    %add3A_59 = arith.constant 64 : i32
    %add3A_60 = arith.addi %mul3A_58, %add3A_59 : i32
    %dma_start3A_61 = arith.constant 1 : i32
    %dma_start3A_62 = arith.constant 1 : i32
    %dma_start3A_63 = arith.constant 0 : i32
    %dma_start3A_64 = tpu.memref_slice %arg13[%dma_start3A_62, %dma_start3A_63] : memref<2x64xi32, #tpu.memory_space<vmem>> -> memref<1x64xi32, #tpu.memory_space<vmem>>
    %dma_start3A_65 = tpu.memref_squeeze %dma_start3A_64 : memref<1x64xi32, #tpu.memory_space<vmem>> -> memref<64xi32, #tpu.memory_space<vmem>>
    %dma_start3A_66 = tpu.memref_slice %arg3[%dma_start3A_61, %add3A_60] : memref<2x320000xi32, #tpu.memory_space<hbm>> -> memref<1x64xi32, #tpu.memory_space<hbm>>
    %dma_start3A_67 = tpu.memref_squeeze %dma_start3A_66 : memref<1x64xi32, #tpu.memory_space<hbm>> -> memref<64xi32, #tpu.memory_space<hbm>>
    %dma_start3A_68 = arith.constant 0 : i32
    %dma_start3A_69 = tpu.memref_slice %arg13[%dma_start3A_62, %dma_start3A_68] : memref<2x64xi32, #tpu.memory_space<vmem>> -> memref<1x64xi32, #tpu.memory_space<vmem>>
    %dma_start3A_70 = tpu.memref_squeeze %dma_start3A_69 : memref<1x64xi32, #tpu.memory_space<vmem>> -> memref<64xi32, #tpu.memory_space<vmem>>
    %dma_start3A_71 = tpu.memref_slice %arg3[%dma_start3A_61, %add3A_60] : memref<2x320000xi32, #tpu.memory_space<hbm>> -> memref<1x64xi32, #tpu.memory_space<hbm>>
    %dma_start3A_72 = tpu.memref_squeeze %dma_start3A_71 : memref<1x64xi32, #tpu.memory_space<hbm>> -> memref<64xi32, #tpu.memory_space<hbm>>
    tpu.enqueue_dma source(%dma_start3A_72 : memref<64xi32, #tpu.memory_space<hbm>>) target(%dma_start3A_70 : memref<64xi32, #tpu.memory_space<vmem>>) target_semaphore(%arg17 : memref<!tpu.dma_semaphore, #tpu.memory_space<semaphore_mem>>)
    %mul3A_73 = arith.constant 78 : i32
    %mul3A_74 = arith.muli %add3A, %mul3A_73 : i32
    %add3A_75 = arith.constant 1 : i32
    %add3A_76 = arith.addi %mul3A_74, %add3A_75 : i32
    %add3A_77 = arith.constant 2496 : i32
    %add3A_78 = arith.addi %add3A_77, %add3A : i32
    %jit3A_79 = arith.constant true
    %select_n3A_80 = arith.select %jit3A_79, %add3A_76, %add3A_78 : i32
    %mul3A_81 = arith.constant 128 : i32
    %mul3A_82 = arith.muli %select_n3A_80, %mul3A_81 : i32
    %dma_start3A_83 = arith.constant 0 : i32
    %dma_start3A_84 = tpu.memref_slice %arg3[%dma_start3A_83, %mul3A_82] : memref<2x320000xi32, #tpu.memory_space<hbm>> -> memref<1x128xi32, #tpu.memory_space<hbm>>
    %dma_start3A_85 = tpu.memref_squeeze %dma_start3A_84 : memref<1x128xi32, #tpu.memory_space<hbm>> -> memref<128xi32, #tpu.memory_space<hbm>>
    %dma_start3A_86 = tpu.memref_slice %arg3[%dma_start3A_83, %mul3A_82] : memref<2x320000xi32, #tpu.memory_space<hbm>> -> memref<1x128xi32, #tpu.memory_space<hbm>>
    %dma_start3A_87 = tpu.memref_squeeze %dma_start3A_86 : memref<1x128xi32, #tpu.memory_space<hbm>> -> memref<128xi32, #tpu.memory_space<hbm>>
    tpu.enqueue_dma source(%dma_start3A_87 : memref<128xi32, #tpu.memory_space<hbm>>) target(%arg6 : memref<128xi32, #tpu.memory_space<vmem>>) target_semaphore(%arg10 : memref<!tpu.dma_semaphore, #tpu.memory_space<semaphore_mem>>)
    %mul3A_88 = arith.constant 128 : i32
    %mul3A_89 = arith.muli %select_n3A_80, %mul3A_88 : i32
    %dma_start3A_90 = arith.constant 1 : i32
    %dma_start3A_91 = arith.constant 0 : i32
    %dma_start3A_92 = arith.constant 0 : i32
    %dma_start3A_93 = tpu.memref_slice %arg14[%dma_start3A_91, %dma_start3A_92] : memref<2x64xi32, #tpu.memory_space<vmem>> -> memref<1x64xi32, #tpu.memory_space<vmem>>
    %dma_start3A_94 = tpu.memref_squeeze %dma_start3A_93 : memref<1x64xi32, #tpu.memory_space<vmem>> -> memref<64xi32, #tpu.memory_space<vmem>>
    %dma_start3A_95 = tpu.memref_slice %arg3[%dma_start3A_90, %mul3A_89] : memref<2x320000xi32, #tpu.memory_space<hbm>> -> memref<1x64xi32, #tpu.memory_space<hbm>>
    %dma_start3A_96 = tpu.memref_squeeze %dma_start3A_95 : memref<1x64xi32, #tpu.memory_space<hbm>> -> memref<64xi32, #tpu.memory_space<hbm>>
    %dma_start3A_97 = arith.constant 0 : i32
    %dma_start3A_98 = tpu.memref_slice %arg14[%dma_start3A_91, %dma_start3A_97] : memref<2x64xi32, #tpu.memory_space<vmem>> -> memref<1x64xi32, #tpu.memory_space<vmem>>
    %dma_start3A_99 = tpu.memref_squeeze %dma_start3A_98 : memref<1x64xi32, #tpu.memory_space<vmem>> -> memref<64xi32, #tpu.memory_space<vmem>>
    %dma_start3A_100 = tpu.memref_slice %arg3[%dma_start3A_90, %mul3A_89] : memref<2x320000xi32, #tpu.memory_space<hbm>> -> memref<1x64xi32, #tpu.memory_space<hbm>>
    %dma_start3A_101 = tpu.memref_squeeze %dma_start3A_100 : memref<1x64xi32, #tpu.memory_space<hbm>> -> memref<64xi32, #tpu.memory_space<hbm>>
    tpu.enqueue_dma source(%dma_start3A_101 : memref<64xi32, #tpu.memory_space<hbm>>) target(%dma_start3A_99 : memref<64xi32, #tpu.memory_space<vmem>>) target_semaphore(%arg18 : memref<!tpu.dma_semaphore, #tpu.memory_space<semaphore_mem>>)
    %mul3A_102 = arith.constant 128 : i32
    %mul3A_103 = arith.muli %select_n3A_80, %mul3A_102 : i32
    %add3A_104 = arith.constant 64 : i32
    %add3A_105 = arith.addi %mul3A_103, %add3A_104 : i32
    %dma_start3A_106 = arith.constant 1 : i32
    %dma_start3A_107 = arith.constant 1 : i32
    %dma_start3A_108 = arith.constant 0 : i32
    %dma_start3A_109 = tpu.memref_slice %arg14[%dma_start3A_107, %dma_start3A_108] : memref<2x64xi32, #tpu.memory_space<vmem>> -> memref<1x64xi32, #tpu.memory_space<vmem>>
    %dma_start3A_110 = tpu.memref_squeeze %dma_start3A_109 : memref<1x64xi32, #tpu.memory_space<vmem>> -> memref<64xi32, #tpu.memory_space<vmem>>
    %dma_start3A_111 = tpu.memref_slice %arg3[%dma_start3A_106, %add3A_105] : memref<2x320000xi32, #tpu.memory_space<hbm>> -> memref<1x64xi32, #tpu.memory_space<hbm>>
    %dma_start3A_112 = tpu.memref_squeeze %dma_start3A_111 : memref<1x64xi32, #tpu.memory_space<hbm>> -> memref<64xi32, #tpu.memory_space<hbm>>
    %dma_start3A_113 = arith.constant 0 : i32
    %dma_start3A_114 = tpu.memref_slice %arg14[%dma_start3A_107, %dma_start3A_113] : memref<2x64xi32, #tpu.memory_space<vmem>> -> memref<1x64xi32, #tpu.memory_space<vmem>>
    %dma_start3A_115 = tpu.memref_squeeze %dma_start3A_114 : memref<1x64xi32, #tpu.memory_space<vmem>> -> memref<64xi32, #tpu.memory_space<vmem>>
    %dma_start3A_116 = tpu.memref_slice %arg3[%dma_start3A_106, %add3A_105] : memref<2x320000xi32, #tpu.memory_space<hbm>> -> memref<1x64xi32, #tpu.memory_space<hbm>>
    %dma_start3A_117 = tpu.memref_squeeze %dma_start3A_116 : memref<1x64xi32, #tpu.memory_space<hbm>> -> memref<64xi32, #tpu.memory_space<hbm>>
    tpu.enqueue_dma source(%dma_start3A_117 : memref<64xi32, #tpu.memory_space<hbm>>) target(%dma_start3A_115 : memref<64xi32, #tpu.memory_space<vmem>>) target_semaphore(%arg18 : memref<!tpu.dma_semaphore, #tpu.memory_space<semaphore_mem>>)
    %mul3A_118 = arith.constant 78 : i32
    %mul3A_119 = arith.muli %add3A, %mul3A_118 : i32
    %add3A_120 = arith.constant 2 : i32
    %add3A_121 = arith.addi %mul3A_119, %add3A_120 : i32
    %add3A_122 = arith.constant 2496 : i32
    %add3A_123 = arith.addi %add3A_122, %add3A : i32
    %jit3A_124 = arith.constant true
    %select_n3A_125 = arith.select %jit3A_124, %add3A_121, %add3A_123 : i32
    %mul3A_126 = arith.constant 128 : i32
    %mul3A_127 = arith.muli %select_n3A_125, %mul3A_126 : i32
    %dma_start3A_128 = arith.constant 0 : i32
    %dma_start3A_129 = tpu.memref_slice %arg3[%dma_start3A_128, %mul3A_127] : memref<2x320000xi32, #tpu.memory_space<hbm>> -> memref<1x128xi32, #tpu.memory_space<hbm>>
    %dma_start3A_130 = tpu.memref_squeeze %dma_start3A_129 : memref<1x128xi32, #tpu.memory_space<hbm>> -> memref<128xi32, #tpu.memory_space<hbm>>
    %dma_start3A_131 = tpu.memref_slice %arg3[%dma_start3A_128, %mul3A_127] : memref<2x320000xi32, #tpu.memory_space<hbm>> -> memref<1x128xi32, #tpu.memory_space<hbm>>
    %dma_start3A_132 = tpu.memref_squeeze %dma_start3A_131 : memref<1x128xi32, #tpu.memory_space<hbm>> -> memref<128xi32, #tpu.memory_space<hbm>>
    tpu.enqueue_dma source(%dma_start3A_132 : memref<128xi32, #tpu.memory_space<hbm>>) target(%arg7 : memref<128xi32, #tpu.memory_space<vmem>>) target_semaphore(%arg11 : memref<!tpu.dma_semaphore, #tpu.memory_space<semaphore_mem>>)
    %mul3A_133 = arith.constant 128 : i32
    %mul3A_134 = arith.muli %select_n3A_125, %mul3A_133 : i32
    %dma_start3A_135 = arith.constant 1 : i32
    %dma_start3A_136 = arith.constant 0 : i32
    %dma_start3A_137 = arith.constant 0 : i32
    %dma_start3A_138 = tpu.memref_slice %arg15[%dma_start3A_136, %dma_start3A_137] : memref<2x64xi32, #tpu.memory_space<vmem>> -> memref<1x64xi32, #tpu.memory_space<vmem>>
    %dma_start3A_139 = tpu.memref_squeeze %dma_start3A_138 : memref<1x64xi32, #tpu.memory_space<vmem>> -> memref<64xi32, #tpu.memory_space<vmem>>
    %dma_start3A_140 = tpu.memref_slice %arg3[%dma_start3A_135, %mul3A_134] : memref<2x320000xi32, #tpu.memory_space<hbm>> -> memref<1x64xi32, #tpu.memory_space<hbm>>
    %dma_start3A_141 = tpu.memref_squeeze %dma_start3A_140 : memref<1x64xi32, #tpu.memory_space<hbm>> -> memref<64xi32, #tpu.memory_space<hbm>>
    %dma_start3A_142 = arith.constant 0 : i32
    %dma_start3A_143 = tpu.memref_slice %arg15[%dma_start3A_136, %dma_start3A_142] : memref<2x64xi32, #tpu.memory_space<vmem>> -> memref<1x64xi32, #tpu.memory_space<vmem>>
    %dma_start3A_144 = tpu.memref_squeeze %dma_start3A_143 : memref<1x64xi32, #tpu.memory_space<vmem>> -> memref<64xi32, #tpu.memory_space<vmem>>
    %dma_start3A_145 = tpu.memref_slice %arg3[%dma_start3A_135, %mul3A_134] : memref<2x320000xi32, #tpu.memory_space<hbm>> -> memref<1x64xi32, #tpu.memory_space<hbm>>
    %dma_start3A_146 = tpu.memref_squeeze %dma_start3A_145 : memref<1x64xi32, #tpu.memory_space<hbm>> -> memref<64xi32, #tpu.memory_space<hbm>>
    tpu.enqueue_dma source(%dma_start3A_146 : memref<64xi32, #tpu.memory_space<hbm>>) target(%dma_start3A_144 : memref<64xi32, #tpu.memory_space<vmem>>) target_semaphore(%arg19 : memref<!tpu.dma_semaphore, #tpu.memory_space<semaphore_mem>>)
    %mul3A_147 = arith.constant 128 : i32
    %mul3A_148 = arith.muli %select_n3A_125, %mul3A_147 : i32
    %add3A_149 = arith.constant 64 : i32
    %add3A_150 = arith.addi %mul3A_148, %add3A_149 : i32
    %dma_start3A_151 = arith.constant 1 : i32
    %dma_start3A_152 = arith.constant 1 : i32
    %dma_start3A_153 = arith.constant 0 : i32
    %dma_start3A_154 = tpu.memref_slice %arg15[%dma_start3A_152, %dma_start3A_153] : memref<2x64xi32, #tpu.memory_space<vmem>> -> memref<1x64xi32, #tpu.memory_space<vmem>>
    %dma_start3A_155 = tpu.memref_squeeze %dma_start3A_154 : memref<1x64xi32, #tpu.memory_space<vmem>> -> memref<64xi32, #tpu.memory_space<vmem>>
    %dma_start3A_156 = tpu.memref_slice %arg3[%dma_start3A_151, %add3A_150] : memref<2x320000xi32, #tpu.memory_space<hbm>> -> memref<1x64xi32, #tpu.memory_space<hbm>>
    %dma_start3A_157 = tpu.memref_squeeze %dma_start3A_156 : memref<1x64xi32, #tpu.memory_space<hbm>> -> memref<64xi32, #tpu.memory_space<hbm>>
    %dma_start3A_158 = arith.constant 0 : i32
    %dma_start3A_159 = tpu.memref_slice %arg15[%dma_start3A_152, %dma_start3A_158] : memref<2x64xi32, #tpu.memory_space<vmem>> -> memref<1x64xi32, #tpu.memory_space<vmem>>
    %dma_start3A_160 = tpu.memref_squeeze %dma_start3A_159 : memref<1x64xi32, #tpu.memory_space<vmem>> -> memref<64xi32, #tpu.memory_space<vmem>>
    %dma_start3A_161 = tpu.memref_slice %arg3[%dma_start3A_151, %add3A_150] : memref<2x320000xi32, #tpu.memory_space<hbm>> -> memref<1x64xi32, #tpu.memory_space<hbm>>
    %dma_start3A_162 = tpu.memref_squeeze %dma_start3A_161 : memref<1x64xi32, #tpu.memory_space<hbm>> -> memref<64xi32, #tpu.memory_space<hbm>>
    tpu.enqueue_dma source(%dma_start3A_162 : memref<64xi32, #tpu.memory_space<hbm>>) target(%dma_start3A_160 : memref<64xi32, #tpu.memory_space<vmem>>) target_semaphore(%arg19 : memref<!tpu.dma_semaphore, #tpu.memory_space<semaphore_mem>>)
    %mul3A_163 = arith.constant 78 : i32
    %mul3A_164 = arith.muli %add3A, %mul3A_163 : i32
    %add3A_165 = arith.constant 3 : i32
    %add3A_166 = arith.addi %mul3A_164, %add3A_165 : i32
    %add3A_167 = arith.constant 2496 : i32
    %add3A_168 = arith.addi %add3A_167, %add3A : i32
    %jit3A_169 = arith.constant true
    %select_n3A_170 = arith.select %jit3A_169, %add3A_166, %add3A_168 : i32
    %mul3A_171 = arith.constant 128 : i32
    %mul3A_172 = arith.muli %select_n3A_170, %mul3A_171 : i32
    %dma_start3A_173 = arith.constant 0 : i32
    %dma_start3A_174 = tpu.memref_slice %arg3[%dma_start3A_173, %mul3A_172] : memref<2x320000xi32, #tpu.memory_space<hbm>> -> memref<1x128xi32, #tpu.memory_space<hbm>>
    %dma_start3A_175 = tpu.memref_squeeze %dma_start3A_174 : memref<1x128xi32, #tpu.memory_space<hbm>> -> memref<128xi32, #tpu.memory_space<hbm>>
    %dma_start3A_176 = tpu.memref_slice %arg3[%dma_start3A_173, %mul3A_172] : memref<2x320000xi32, #tpu.memory_space<hbm>> -> memref<1x128xi32, #tpu.memory_space<hbm>>
    %dma_start3A_177 = tpu.memref_squeeze %dma_start3A_176 : memref<1x128xi32, #tpu.memory_space<hbm>> -> memref<128xi32, #tpu.memory_space<hbm>>
    tpu.enqueue_dma source(%dma_start3A_177 : memref<128xi32, #tpu.memory_space<hbm>>) target(%arg8 : memref<128xi32, #tpu.memory_space<vmem>>) target_semaphore(%arg12 : memref<!tpu.dma_semaphore, #tpu.memory_space<semaphore_mem>>)
    %mul3A_178 = arith.constant 128 : i32
    %mul3A_179 = arith.muli %select_n3A_170, %mul3A_178 : i32
    %dma_start3A_180 = arith.constant 1 : i32
    %dma_start3A_181 = arith.constant 0 : i32
    %dma_start3A_182 = arith.constant 0 : i32
    %dma_start3A_183 = tpu.memref_slice %arg16[%dma_start3A_181, %dma_start3A_182] : memref<2x64xi32, #tpu.memory_space<vmem>> -> memref<1x64xi32, #tpu.memory_space<vmem>>
    %dma_start3A_184 = tpu.memref_squeeze %dma_start3A_183 : memref<1x64xi32, #tpu.memory_space<vmem>> -> memref<64xi32, #tpu.memory_space<vmem>>
    %dma_start3A_185 = tpu.memref_slice %arg3[%dma_start3A_180, %mul3A_179] : memref<2x320000xi32, #tpu.memory_space<hbm>> -> memref<1x64xi32, #tpu.memory_space<hbm>>
    %dma_start3A_186 = tpu.memref_squeeze %dma_start3A_185 : memref<1x64xi32, #tpu.memory_space<hbm>> -> memref<64xi32, #tpu.memory_space<hbm>>
    %dma_start3A_187 = arith.constant 0 : i32
    %dma_start3A_188 = tpu.memref_slice %arg16[%dma_start3A_181, %dma_start3A_187] : memref<2x64xi32, #tpu.memory_space<vmem>> -> memref<1x64xi32, #tpu.memory_space<vmem>>
    %dma_start3A_189 = tpu.memref_squeeze %dma_start3A_188 : memref<1x64xi32, #tpu.memory_space<vmem>> -> memref<64xi32, #tpu.memory_space<vmem>>
    %dma_start3A_190 = tpu.memref_slice %arg3[%dma_start3A_180, %mul3A_179] : memref<2x320000xi32, #tpu.memory_space<hbm>> -> memref<1x64xi32, #tpu.memory_space<hbm>>
    %dma_start3A_191 = tpu.memref_squeeze %dma_start3A_190 : memref<1x64xi32, #tpu.memory_space<hbm>> -> memref<64xi32, #tpu.memory_space<hbm>>
    tpu.enqueue_dma source(%dma_start3A_191 : memref<64xi32, #tpu.memory_space<hbm>>) target(%dma_start3A_189 : memref<64xi32, #tpu.memory_space<vmem>>) target_semaphore(%arg20 : memref<!tpu.dma_semaphore, #tpu.memory_space<semaphore_mem>>)
    %mul3A_192 = arith.constant 128 : i32
    %mul3A_193 = arith.muli %select_n3A_170, %mul3A_192 : i32
    %add3A_194 = arith.constant 64 : i32
    %add3A_195 = arith.addi %mul3A_193, %add3A_194 : i32
    %dma_start3A_196 = arith.constant 1 : i32
    %dma_start3A_197 = arith.constant 1 : i32
    %dma_start3A_198 = arith.constant 0 : i32
    %dma_start3A_199 = tpu.memref_slice %arg16[%dma_start3A_197, %dma_start3A_198] : memref<2x64xi32, #tpu.memory_space<vmem>> -> memref<1x64xi32, #tpu.memory_space<vmem>>
    %dma_start3A_200 = tpu.memref_squeeze %dma_start3A_199 : memref<1x64xi32, #tpu.memory_space<vmem>> -> memref<64xi32, #tpu.memory_space<vmem>>
    %dma_start3A_201 = tpu.memref_slice %arg3[%dma_start3A_196, %add3A_195] : memref<2x320000xi32, #tpu.memory_space<hbm>> -> memref<1x64xi32, #tpu.memory_space<hbm>>
    %dma_start3A_202 = tpu.memref_squeeze %dma_start3A_201 : memref<1x64xi32, #tpu.memory_space<hbm>> -> memref<64xi32, #tpu.memory_space<hbm>>
    %dma_start3A_203 = arith.constant 0 : i32
    %dma_start3A_204 = tpu.memref_slice %arg16[%dma_start3A_197, %dma_start3A_203] : memref<2x64xi32, #tpu.memory_space<vmem>> -> memref<1x64xi32, #tpu.memory_space<vmem>>
    %dma_start3A_205 = tpu.memref_squeeze %dma_start3A_204 : memref<1x64xi32, #tpu.memory_space<vmem>> -> memref<64xi32, #tpu.memory_space<vmem>>
    %dma_start3A_206 = tpu.memref_slice %arg3[%dma_start3A_196, %add3A_195] : memref<2x320000xi32, #tpu.memory_space<hbm>> -> memref<1x64xi32, #tpu.memory_space<hbm>>
    %dma_start3A_207 = tpu.memref_squeeze %dma_start3A_206 : memref<1x64xi32, #tpu.memory_space<hbm>> -> memref<64xi32, #tpu.memory_space<hbm>>
    tpu.enqueue_dma source(%dma_start3A_207 : memref<64xi32, #tpu.memory_space<hbm>>) target(%dma_start3A_205 : memref<64xi32, #tpu.memory_space<vmem>>) target_semaphore(%arg20 : memref<!tpu.dma_semaphore, #tpu.memory_space<semaphore_mem>>)
    %dma_wait3A = arith.constant 0 : i32
    %dma_wait3A_208 = arith.constant 0 : i32
    %dma_wait3A_209 = tpu.memref_slice %arg3[%dma_wait3A, %dma_wait3A_208] : memref<2x320000xi32, #tpu.memory_space<hbm>> -> memref<1x128xi32, #tpu.memory_space<hbm>>
    %dma_wait3A_210 = tpu.memref_squeeze %dma_wait3A_209 : memref<1x128xi32, #tpu.memory_space<hbm>> -> memref<128xi32, #tpu.memory_space<hbm>>
    %dma_wait3A_211 = arith.constant 0 : i32
    %dma_wait3A_212 = tpu.memref_slice %arg3[%dma_wait3A, %dma_wait3A_211] : memref<2x320000xi32, #tpu.memory_space<hbm>> -> memref<1x128xi32, #tpu.memory_space<hbm>>
    %dma_wait3A_213 = tpu.memref_squeeze %dma_wait3A_212 : memref<1x128xi32, #tpu.memory_space<hbm>> -> memref<128xi32, #tpu.memory_space<hbm>>
    tpu.wait_dma2 semaphore(%arg9 : memref<!tpu.dma_semaphore, #tpu.memory_space<semaphore_mem>>) src(%dma_wait3A_213 : memref<128xi32, #tpu.memory_space<hbm>>) dst(%arg5 : memref<128xi32, #tpu.memory_space<vmem>>)
    %dma_start3A_214 = arith.constant 0 : i32
    %dma_start3A_215 = arith.constant 0 : i32
    %dma_start3A_216 = tpu.memref_slice %arg2[%dma_start3A_214, %dma_start3A_215] : memref<10000x128xf32, #tpu.memory_space<hbm>> -> memref<10000x128xf32, #tpu.memory_space<hbm>>
    tpu.enqueue_indirect_dma source(%dma_start3A_216 : memref<10000x128xf32, #tpu.memory_space<hbm>>) target(%arg21 : memref<128x128xf32, #tpu.memory_space<vmem>>) offsets(%arg5 : memref<128xi32, #tpu.memory_space<vmem>>) semaphore(%arg23 : memref<!tpu.dma_semaphore, #tpu.memory_space<semaphore_mem>>)
    %dma_wait3A_217 = arith.constant 0 : i32
    %dma_wait3A_218 = arith.constant 0 : i32
    %dma_wait3A_219 = tpu.memref_slice %arg3[%dma_wait3A_217, %dma_wait3A_218] : memref<2x320000xi32, #tpu.memory_space<hbm>> -> memref<1x128xi32, #tpu.memory_space<hbm>>
    %dma_wait3A_220 = tpu.memref_squeeze %dma_wait3A_219 : memref<1x128xi32, #tpu.memory_space<hbm>> -> memref<128xi32, #tpu.memory_space<hbm>>
    %dma_wait3A_221 = arith.constant 0 : i32
    %dma_wait3A_222 = tpu.memref_slice %arg3[%dma_wait3A_217, %dma_wait3A_221] : memref<2x320000xi32, #tpu.memory_space<hbm>> -> memref<1x128xi32, #tpu.memory_space<hbm>>
    %dma_wait3A_223 = tpu.memref_squeeze %dma_wait3A_222 : memref<1x128xi32, #tpu.memory_space<hbm>> -> memref<128xi32, #tpu.memory_space<hbm>>
    tpu.wait_dma2 semaphore(%arg10 : memref<!tpu.dma_semaphore, #tpu.memory_space<semaphore_mem>>) src(%dma_wait3A_223 : memref<128xi32, #tpu.memory_space<hbm>>) dst(%arg6 : memref<128xi32, #tpu.memory_space<vmem>>)
    %dma_start3A_224 = arith.constant 0 : i32
    %dma_start3A_225 = arith.constant 0 : i32
    %dma_start3A_226 = tpu.memref_slice %arg2[%dma_start3A_224, %dma_start3A_225] : memref<10000x128xf32, #tpu.memory_space<hbm>> -> memref<10000x128xf32, #tpu.memory_space<hbm>>
    tpu.enqueue_indirect_dma source(%dma_start3A_226 : memref<10000x128xf32, #tpu.memory_space<hbm>>) target(%arg22 : memref<128x128xf32, #tpu.memory_space<vmem>>) offsets(%arg6 : memref<128xi32, #tpu.memory_space<vmem>>) semaphore(%arg24 : memref<!tpu.dma_semaphore, #tpu.memory_space<semaphore_mem>>)
    %scan3A_227 = arith.constant 0 : i32
    %scan3A_228 = arith.constant 20 : i32
    %scan3A_229 = arith.addi %scan3A_227, %scan3A_228 : i32
    %scan3A_230 = arith.constant 1 : i32
    scf.for %scan3A_237 = %scan3A_227 to %scan3A_229 step %scan3A_230  : i32 {
      %mul3A_238 = arith.constant 4 : i32
      %mul3A_239 = arith.muli %scan3A_237, %mul3A_238 : i32
      %add3A_240 = arith.constant 0 : i32
      %add3A_241 = arith.addi %add3A_240, %mul3A_239 : i32
      %add3A_242 = arith.constant 0 : i32
      %add3A_243 = arith.addi %add3A_241, %add3A_242 : i32
      %lt3A_244 = arith.cmpi slt, %add3A_243, %add3A_4 : i32
      %convert_element_type3A = arith.extui %lt3A_244 : i1 to i32
      %cond3A = arith.constant 0 : i32
      %cond3A_245 = arith.cmpi ne, %convert_element_type3A, %cond3A : i32
      scf.if %cond3A_245 {
        %dma_wait3A_312 = arith.constant 0 : i32
        %dma_wait3A_313 = arith.constant 0 : i32
        %dma_wait3A_314 = tpu.memref_slice %arg2[%dma_wait3A_312, %dma_wait3A_313] : memref<10000x128xf32, #tpu.memory_space<hbm>> -> memref<10000x128xf32, #tpu.memory_space<hbm>>
        tpu.wait_indirect_dma semaphore(%arg23 : memref<!tpu.dma_semaphore, #tpu.memory_space<semaphore_mem>>) src(%dma_wait3A_314 : memref<10000x128xf32, #tpu.memory_space<hbm>>) dst(%arg21 : memref<128x128xf32, #tpu.memory_space<vmem>>)
        %dma_wait3A_315 = arith.constant 1 : i32
        %dma_wait3A_316 = arith.constant 0 : i32
        %dma_wait3A_317 = arith.constant 0 : i32
        %dma_wait3A_318 = tpu.memref_slice %arg13[%dma_wait3A_316, %dma_wait3A_317] : memref<2x64xi32, #tpu.memory_space<vmem>> -> memref<1x64xi32, #tpu.memory_space<vmem>>
        %dma_wait3A_319 = tpu.memref_squeeze %dma_wait3A_318 : memref<1x64xi32, #tpu.memory_space<vmem>> -> memref<64xi32, #tpu.memory_space<vmem>>
        %dma_wait3A_320 = arith.constant 0 : i32
        %dma_wait3A_321 = tpu.memref_slice %arg3[%dma_wait3A_315, %dma_wait3A_320] : memref<2x320000xi32, #tpu.memory_space<hbm>> -> memref<1x64xi32, #tpu.memory_space<hbm>>
        %dma_wait3A_322 = tpu.memref_squeeze %dma_wait3A_321 : memref<1x64xi32, #tpu.memory_space<hbm>> -> memref<64xi32, #tpu.memory_space<hbm>>
        %dma_wait3A_323 = arith.constant 0 : i32
        %dma_wait3A_324 = tpu.memref_slice %arg13[%dma_wait3A_316, %dma_wait3A_323] : memref<2x64xi32, #tpu.memory_space<vmem>> -> memref<1x64xi32, #tpu.memory_space<vmem>>
        %dma_wait3A_325 = tpu.memref_squeeze %dma_wait3A_324 : memref<1x64xi32, #tpu.memory_space<vmem>> -> memref<64xi32, #tpu.memory_space<vmem>>
        %dma_wait3A_326 = arith.constant 0 : i32
        %dma_wait3A_327 = tpu.memref_slice %arg3[%dma_wait3A_315, %dma_wait3A_326] : memref<2x320000xi32, #tpu.memory_space<hbm>> -> memref<1x64xi32, #tpu.memory_space<hbm>>
        %dma_wait3A_328 = tpu.memref_squeeze %dma_wait3A_327 : memref<1x64xi32, #tpu.memory_space<hbm>> -> memref<64xi32, #tpu.memory_space<hbm>>
        tpu.wait_dma2 semaphore(%arg17 : memref<!tpu.dma_semaphore, #tpu.memory_space<semaphore_mem>>) src(%dma_wait3A_328 : memref<64xi32, #tpu.memory_space<hbm>>) dst(%dma_wait3A_325 : memref<64xi32, #tpu.memory_space<vmem>>)
        %dma_wait3A_329 = arith.constant 1 : i32
        %dma_wait3A_330 = arith.constant 1 : i32
        %dma_wait3A_331 = arith.constant 0 : i32
        %dma_wait3A_332 = tpu.memref_slice %arg13[%dma_wait3A_330, %dma_wait3A_331] : memref<2x64xi32, #tpu.memory_space<vmem>> -> memref<1x64xi32, #tpu.memory_space<vmem>>
        %dma_wait3A_333 = tpu.memref_squeeze %dma_wait3A_332 : memref<1x64xi32, #tpu.memory_space<vmem>> -> memref<64xi32, #tpu.memory_space<vmem>>
        %dma_wait3A_334 = arith.constant 0 : i32
        %dma_wait3A_335 = tpu.memref_slice %arg3[%dma_wait3A_329, %dma_wait3A_334] : memref<2x320000xi32, #tpu.memory_space<hbm>> -> memref<1x64xi32, #tpu.memory_space<hbm>>
        %dma_wait3A_336 = tpu.memref_squeeze %dma_wait3A_335 : memref<1x64xi32, #tpu.memory_space<hbm>> -> memref<64xi32, #tpu.memory_space<hbm>>
        %dma_wait3A_337 = arith.constant 0 : i32
        %dma_wait3A_338 = tpu.memref_slice %arg13[%dma_wait3A_330, %dma_wait3A_337] : memref<2x64xi32, #tpu.memory_space<vmem>> -> memref<1x64xi32, #tpu.memory_space<vmem>>
        %dma_wait3A_339 = tpu.memref_squeeze %dma_wait3A_338 : memref<1x64xi32, #tpu.memory_space<vmem>> -> memref<64xi32, #tpu.memory_space<vmem>>
        %dma_wait3A_340 = arith.constant 0 : i32
        %dma_wait3A_341 = tpu.memref_slice %arg3[%dma_wait3A_329, %dma_wait3A_340] : memref<2x320000xi32, #tpu.memory_space<hbm>> -> memref<1x64xi32, #tpu.memory_space<hbm>>
        %dma_wait3A_342 = tpu.memref_squeeze %dma_wait3A_341 : memref<1x64xi32, #tpu.memory_space<hbm>> -> memref<64xi32, #tpu.memory_space<hbm>>
        tpu.wait_dma2 semaphore(%arg17 : memref<!tpu.dma_semaphore, #tpu.memory_space<semaphore_mem>>) src(%dma_wait3A_342 : memref<64xi32, #tpu.memory_space<hbm>>) dst(%dma_wait3A_339 : memref<64xi32, #tpu.memory_space<vmem>>)
        %dma_start3A_343 = arith.constant 0 : i32
        %dma_start3A_344 = arith.constant 0 : i32
        %dma_start3A_345 = arith.constant 0 : i32
        %dma_start3A_346 = tpu.memref_slice %arg21[%dma_start3A_344, %dma_start3A_345] : memref<128x128xf32, #tpu.memory_space<vmem>> -> memref<64x128xf32, #tpu.memory_space<vmem>>
        %dma_start3A_347 = arith.constant 0 : i32
        %dma_start3A_348 = tpu.memref_slice %arg13[%dma_start3A_343, %dma_start3A_347] : memref<2x64xi32, #tpu.memory_space<vmem>> -> memref<1x64xi32, #tpu.memory_space<vmem>>
        %dma_start3A_349 = tpu.memref_squeeze %dma_start3A_348 : memref<1x64xi32, #tpu.memory_space<vmem>> -> memref<64xi32, #tpu.memory_space<vmem>>
        %dma_start3A_350 = arith.constant 0 : i32
        %dma_start3A_351 = arith.constant 0 : i32
        %dma_start3A_352 = tpu.memref_slice %arg27[%dma_start3A_350, %dma_start3A_351] : memref<10240x128xf32, #tpu.memory_space<vmem_shared>> -> memref<10240x128xf32, #tpu.memory_space<vmem_shared>>
        tpu.enqueue_indirect_dma source(%dma_start3A_346 : memref<64x128xf32, #tpu.memory_space<vmem>>) target(%dma_start3A_352 : memref<10240x128xf32, #tpu.memory_space<vmem_shared>>) offsets(%dma_start3A_349 : memref<64xi32, #tpu.memory_space<vmem>>) semaphore(%arg25 : memref<!tpu.dma_semaphore, #tpu.memory_space<semaphore_mem>>) {add = true}
        %dma_start3A_353 = arith.constant 1 : i32
        %dma_start3A_354 = arith.constant 64 : i32
        %dma_start3A_355 = arith.constant 0 : i32
        %dma_start3A_356 = tpu.memref_slice %arg21[%dma_start3A_354, %dma_start3A_355] : memref<128x128xf32, #tpu.memory_space<vmem>> -> memref<64x128xf32, #tpu.memory_space<vmem>>
        %dma_start3A_357 = arith.constant 0 : i32
        %dma_start3A_358 = tpu.memref_slice %arg13[%dma_start3A_353, %dma_start3A_357] : memref<2x64xi32, #tpu.memory_space<vmem>> -> memref<1x64xi32, #tpu.memory_space<vmem>>
        %dma_start3A_359 = tpu.memref_squeeze %dma_start3A_358 : memref<1x64xi32, #tpu.memory_space<vmem>> -> memref<64xi32, #tpu.memory_space<vmem>>
        %dma_start3A_360 = arith.constant 0 : i32
        %dma_start3A_361 = arith.constant 0 : i32
        %dma_start3A_362 = tpu.memref_slice %arg27[%dma_start3A_360, %dma_start3A_361] : memref<10240x128xf32, #tpu.memory_space<vmem_shared>> -> memref<10240x128xf32, #tpu.memory_space<vmem_shared>>
        tpu.enqueue_indirect_dma source(%dma_start3A_356 : memref<64x128xf32, #tpu.memory_space<vmem>>) target(%dma_start3A_362 : memref<10240x128xf32, #tpu.memory_space<vmem_shared>>) offsets(%dma_start3A_359 : memref<64xi32, #tpu.memory_space<vmem>>) semaphore(%arg26 : memref<!tpu.dma_semaphore, #tpu.memory_space<semaphore_mem>>) {add = true}
        %dma_wait3A_363 = arith.constant 0 : i32
        %dma_wait3A_364 = arith.constant 0 : i32
        %dma_wait3A_365 = arith.constant 0 : i32
        %dma_wait3A_366 = tpu.memref_slice %arg21[%dma_wait3A_364, %dma_wait3A_365] : memref<128x128xf32, #tpu.memory_space<vmem>> -> memref<64x128xf32, #tpu.memory_space<vmem>>
        %dma_wait3A_367 = arith.constant 0 : i32
        %dma_wait3A_368 = tpu.memref_slice %arg13[%dma_wait3A_363, %dma_wait3A_367] : memref<2x64xi32, #tpu.memory_space<vmem>> -> memref<1x64xi32, #tpu.memory_space<vmem>>
        %dma_wait3A_369 = tpu.memref_squeeze %dma_wait3A_368 : memref<1x64xi32, #tpu.memory_space<vmem>> -> memref<64xi32, #tpu.memory_space<vmem>>
        %dma_wait3A_370 = arith.constant 0 : i32
        %dma_wait3A_371 = arith.constant 0 : i32
        %dma_wait3A_372 = tpu.memref_slice %arg27[%dma_wait3A_370, %dma_wait3A_371] : memref<10240x128xf32, #tpu.memory_space<vmem_shared>> -> memref<10240x128xf32, #tpu.memory_space<vmem_shared>>
        tpu.wait_indirect_dma semaphore(%arg25 : memref<!tpu.dma_semaphore, #tpu.memory_space<semaphore_mem>>) src(%dma_wait3A_366 : memref<64x128xf32, #tpu.memory_space<vmem>>) dst(%dma_wait3A_372 : memref<10240x128xf32, #tpu.memory_space<vmem_shared>>)
        %dma_wait3A_373 = arith.constant 1 : i32
        %dma_wait3A_374 = arith.constant 64 : i32
        %dma_wait3A_375 = arith.constant 0 : i32
        %dma_wait3A_376 = tpu.memref_slice %arg21[%dma_wait3A_374, %dma_wait3A_375] : memref<128x128xf32, #tpu.memory_space<vmem>> -> memref<64x128xf32, #tpu.memory_space<vmem>>
        %dma_wait3A_377 = arith.constant 0 : i32
        %dma_wait3A_378 = tpu.memref_slice %arg13[%dma_wait3A_373, %dma_wait3A_377] : memref<2x64xi32, #tpu.memory_space<vmem>> -> memref<1x64xi32, #tpu.memory_space<vmem>>
        %dma_wait3A_379 = tpu.memref_squeeze %dma_wait3A_378 : memref<1x64xi32, #tpu.memory_space<vmem>> -> memref<64xi32, #tpu.memory_space<vmem>>
        %dma_wait3A_380 = arith.constant 0 : i32
        %dma_wait3A_381 = arith.constant 0 : i32
        %dma_wait3A_382 = tpu.memref_slice %arg27[%dma_wait3A_380, %dma_wait3A_381] : memref<10240x128xf32, #tpu.memory_space<vmem_shared>> -> memref<10240x128xf32, #tpu.memory_space<vmem_shared>>
        tpu.wait_indirect_dma semaphore(%arg26 : memref<!tpu.dma_semaphore, #tpu.memory_space<semaphore_mem>>) src(%dma_wait3A_376 : memref<64x128xf32, #tpu.memory_space<vmem>>) dst(%dma_wait3A_382 : memref<10240x128xf32, #tpu.memory_space<vmem_shared>>)
      } else {
      }
      %add3A_246 = arith.constant 4 : i32
      %add3A_247 = arith.addi %add3A_243, %add3A_246 : i32
      %lt3A_248 = arith.cmpi slt, %add3A_247, %add3A_4 : i32
      %convert_element_type3A_249 = arith.extui %lt3A_248 : i1 to i32
      %cond3A_250 = arith.constant 0 : i32
      %cond3A_251 = arith.cmpi ne, %convert_element_type3A_249, %cond3A_250 : i32
      scf.if %cond3A_251 {
        %add3A_312 = arith.constant 4 : i32
        %add3A_313 = arith.addi %add3A_243, %add3A_312 : i32
        %lt3A_314 = arith.constant 78 : i32
        %lt3A_315 = arith.cmpi slt, %add3A_313, %lt3A_314 : i32
        %mul3A_316 = arith.constant 78 : i32
        %mul3A_317 = arith.muli %add3A, %mul3A_316 : i32
        %add3A_318 = arith.addi %mul3A_317, %add3A_313 : i32
        %add3A_319 = arith.constant 2496 : i32
        %add3A_320 = arith.addi %add3A_319, %add3A : i32
        %select_n3A_321 = arith.select %lt3A_315, %add3A_318, %add3A_320 : i32
        %mul3A_322 = arith.constant 128 : i32
        %mul3A_323 = arith.muli %select_n3A_321, %mul3A_322 : i32
        %dma_start3A_324 = arith.constant 0 : i32
        %dma_start3A_325 = tpu.memref_slice %arg3[%dma_start3A_324, %mul3A_323] : memref<2x320000xi32, #tpu.memory_space<hbm>> -> memref<1x128xi32, #tpu.memory_space<hbm>>
        %dma_start3A_326 = tpu.memref_squeeze %dma_start3A_325 : memref<1x128xi32, #tpu.memory_space<hbm>> -> memref<128xi32, #tpu.memory_space<hbm>>
        %dma_start3A_327 = tpu.memref_slice %arg3[%dma_start3A_324, %mul3A_323] : memref<2x320000xi32, #tpu.memory_space<hbm>> -> memref<1x128xi32, #tpu.memory_space<hbm>>
        %dma_start3A_328 = tpu.memref_squeeze %dma_start3A_327 : memref<1x128xi32, #tpu.memory_space<hbm>> -> memref<128xi32, #tpu.memory_space<hbm>>
        tpu.enqueue_dma source(%dma_start3A_328 : memref<128xi32, #tpu.memory_space<hbm>>) target(%arg5 : memref<128xi32, #tpu.memory_space<vmem>>) target_semaphore(%arg9 : memref<!tpu.dma_semaphore, #tpu.memory_space<semaphore_mem>>)
        %mul3A_329 = arith.constant 128 : i32
        %mul3A_330 = arith.muli %select_n3A_321, %mul3A_329 : i32
        %dma_start3A_331 = arith.constant 1 : i32
        %dma_start3A_332 = arith.constant 0 : i32
        %dma_start3A_333 = arith.constant 0 : i32
        %dma_start3A_334 = tpu.memref_slice %arg13[%dma_start3A_332, %dma_start3A_333] : memref<2x64xi32, #tpu.memory_space<vmem>> -> memref<1x64xi32, #tpu.memory_space<vmem>>
        %dma_start3A_335 = tpu.memref_squeeze %dma_start3A_334 : memref<1x64xi32, #tpu.memory_space<vmem>> -> memref<64xi32, #tpu.memory_space<vmem>>
        %dma_start3A_336 = tpu.memref_slice %arg3[%dma_start3A_331, %mul3A_330] : memref<2x320000xi32, #tpu.memory_space<hbm>> -> memref<1x64xi32, #tpu.memory_space<hbm>>
        %dma_start3A_337 = tpu.memref_squeeze %dma_start3A_336 : memref<1x64xi32, #tpu.memory_space<hbm>> -> memref<64xi32, #tpu.memory_space<hbm>>
        %dma_start3A_338 = arith.constant 0 : i32
        %dma_start3A_339 = tpu.memref_slice %arg13[%dma_start3A_332, %dma_start3A_338] : memref<2x64xi32, #tpu.memory_space<vmem>> -> memref<1x64xi32, #tpu.memory_space<vmem>>
        %dma_start3A_340 = tpu.memref_squeeze %dma_start3A_339 : memref<1x64xi32, #tpu.memory_space<vmem>> -> memref<64xi32, #tpu.memory_space<vmem>>
        %dma_start3A_341 = tpu.memref_slice %arg3[%dma_start3A_331, %mul3A_330] : memref<2x320000xi32, #tpu.memory_space<hbm>> -> memref<1x64xi32, #tpu.memory_space<hbm>>
        %dma_start3A_342 = tpu.memref_squeeze %dma_start3A_341 : memref<1x64xi32, #tpu.memory_space<hbm>> -> memref<64xi32, #tpu.memory_space<hbm>>
        tpu.enqueue_dma source(%dma_start3A_342 : memref<64xi32, #tpu.memory_space<hbm>>) target(%dma_start3A_340 : memref<64xi32, #tpu.memory_space<vmem>>) target_semaphore(%arg17 : memref<!tpu.dma_semaphore, #tpu.memory_space<semaphore_mem>>)
        %mul3A_343 = arith.constant 128 : i32
        %mul3A_344 = arith.muli %select_n3A_321, %mul3A_343 : i32
        %add3A_345 = arith.constant 64 : i32
        %add3A_346 = arith.addi %mul3A_344, %add3A_345 : i32
        %dma_start3A_347 = arith.constant 1 : i32
        %dma_start3A_348 = arith.constant 1 : i32
        %dma_start3A_349 = arith.constant 0 : i32
        %dma_start3A_350 = tpu.memref_slice %arg13[%dma_start3A_348, %dma_start3A_349] : memref<2x64xi32, #tpu.memory_space<vmem>> -> memref<1x64xi32, #tpu.memory_space<vmem>>
        %dma_start3A_351 = tpu.memref_squeeze %dma_start3A_350 : memref<1x64xi32, #tpu.memory_space<vmem>> -> memref<64xi32, #tpu.memory_space<vmem>>
        %dma_start3A_352 = tpu.memref_slice %arg3[%dma_start3A_347, %add3A_346] : memref<2x320000xi32, #tpu.memory_space<hbm>> -> memref<1x64xi32, #tpu.memory_space<hbm>>
        %dma_start3A_353 = tpu.memref_squeeze %dma_start3A_352 : memref<1x64xi32, #tpu.memory_space<hbm>> -> memref<64xi32, #tpu.memory_space<hbm>>
        %dma_start3A_354 = arith.constant 0 : i32
        %dma_start3A_355 = tpu.memref_slice %arg13[%dma_start3A_348, %dma_start3A_354] : memref<2x64xi32, #tpu.memory_space<vmem>> -> memref<1x64xi32, #tpu.memory_space<vmem>>
        %dma_start3A_356 = tpu.memref_squeeze %dma_start3A_355 : memref<1x64xi32, #tpu.memory_space<vmem>> -> memref<64xi32, #tpu.memory_space<vmem>>
        %dma_start3A_357 = tpu.memref_slice %arg3[%dma_start3A_347, %add3A_346] : memref<2x320000xi32, #tpu.memory_space<hbm>> -> memref<1x64xi32, #tpu.memory_space<hbm>>
        %dma_start3A_358 = tpu.memref_squeeze %dma_start3A_357 : memref<1x64xi32, #tpu.memory_space<hbm>> -> memref<64xi32, #tpu.memory_space<hbm>>
        tpu.enqueue_dma source(%dma_start3A_358 : memref<64xi32, #tpu.memory_space<hbm>>) target(%dma_start3A_356 : memref<64xi32, #tpu.memory_space<vmem>>) target_semaphore(%arg17 : memref<!tpu.dma_semaphore, #tpu.memory_space<semaphore_mem>>)
      } else {
      }
      %add3A_252 = arith.constant 2 : i32
      %add3A_253 = arith.addi %add3A_243, %add3A_252 : i32
      %lt3A_254 = arith.cmpi slt, %add3A_253, %add3A_4 : i32
      %convert_element_type3A_255 = arith.extui %lt3A_254 : i1 to i32
      %cond3A_256 = arith.constant 0 : i32
      %cond3A_257 = arith.cmpi ne, %convert_element_type3A_255, %cond3A_256 : i32
      scf.if %cond3A_257 {
        %dma_wait3A_312 = arith.constant 0 : i32
        %dma_wait3A_313 = arith.constant 0 : i32
        %dma_wait3A_314 = tpu.memref_slice %arg3[%dma_wait3A_312, %dma_wait3A_313] : memref<2x320000xi32, #tpu.memory_space<hbm>> -> memref<1x128xi32, #tpu.memory_space<hbm>>
        %dma_wait3A_315 = tpu.memref_squeeze %dma_wait3A_314 : memref<1x128xi32, #tpu.memory_space<hbm>> -> memref<128xi32, #tpu.memory_space<hbm>>
        %dma_wait3A_316 = arith.constant 0 : i32
        %dma_wait3A_317 = tpu.memref_slice %arg3[%dma_wait3A_312, %dma_wait3A_316] : memref<2x320000xi32, #tpu.memory_space<hbm>> -> memref<1x128xi32, #tpu.memory_space<hbm>>
        %dma_wait3A_318 = tpu.memref_squeeze %dma_wait3A_317 : memref<1x128xi32, #tpu.memory_space<hbm>> -> memref<128xi32, #tpu.memory_space<hbm>>
        tpu.wait_dma2 semaphore(%arg11 : memref<!tpu.dma_semaphore, #tpu.memory_space<semaphore_mem>>) src(%dma_wait3A_318 : memref<128xi32, #tpu.memory_space<hbm>>) dst(%arg7 : memref<128xi32, #tpu.memory_space<vmem>>)
        %dma_start3A_319 = arith.constant 0 : i32
        %dma_start3A_320 = arith.constant 0 : i32
        %dma_start3A_321 = tpu.memref_slice %arg2[%dma_start3A_319, %dma_start3A_320] : memref<10000x128xf32, #tpu.memory_space<hbm>> -> memref<10000x128xf32, #tpu.memory_space<hbm>>
        tpu.enqueue_indirect_dma source(%dma_start3A_321 : memref<10000x128xf32, #tpu.memory_space<hbm>>) target(%arg21 : memref<128x128xf32, #tpu.memory_space<vmem>>) offsets(%arg7 : memref<128xi32, #tpu.memory_space<vmem>>) semaphore(%arg23 : memref<!tpu.dma_semaphore, #tpu.memory_space<semaphore_mem>>)
      } else {
      }
      %add3A_258 = arith.constant 1 : i32
      %add3A_259 = arith.addi %add3A_241, %add3A_258 : i32
      %lt3A_260 = arith.cmpi slt, %add3A_259, %add3A_4 : i32
      %convert_element_type3A_261 = arith.extui %lt3A_260 : i1 to i32
      %cond3A_262 = arith.constant 0 : i32
      %cond3A_263 = arith.cmpi ne, %convert_element_type3A_261, %cond3A_262 : i32
      scf.if %cond3A_263 {
        %dma_wait3A_312 = arith.constant 0 : i32
        %dma_wait3A_313 = arith.constant 0 : i32
        %dma_wait3A_314 = tpu.memref_slice %arg2[%dma_wait3A_312, %dma_wait3A_313] : memref<10000x128xf32, #tpu.memory_space<hbm>> -> memref<10000x128xf32, #tpu.memory_space<hbm>>
        tpu.wait_indirect_dma semaphore(%arg24 : memref<!tpu.dma_semaphore, #tpu.memory_space<semaphore_mem>>) src(%dma_wait3A_314 : memref<10000x128xf32, #tpu.memory_space<hbm>>) dst(%arg22 : memref<128x128xf32, #tpu.memory_space<vmem>>)
        %dma_wait3A_315 = arith.constant 1 : i32
        %dma_wait3A_316 = arith.constant 0 : i32
        %dma_wait3A_317 = arith.constant 0 : i32
        %dma_wait3A_318 = tpu.memref_slice %arg14[%dma_wait3A_316, %dma_wait3A_317] : memref<2x64xi32, #tpu.memory_space<vmem>> -> memref<1x64xi32, #tpu.memory_space<vmem>>
        %dma_wait3A_319 = tpu.memref_squeeze %dma_wait3A_318 : memref<1x64xi32, #tpu.memory_space<vmem>> -> memref<64xi32, #tpu.memory_space<vmem>>
        %dma_wait3A_320 = arith.constant 0 : i32
        %dma_wait3A_321 = tpu.memref_slice %arg3[%dma_wait3A_315, %dma_wait3A_320] : memref<2x320000xi32, #tpu.memory_space<hbm>> -> memref<1x64xi32, #tpu.memory_space<hbm>>
        %dma_wait3A_322 = tpu.memref_squeeze %dma_wait3A_321 : memref<1x64xi32, #tpu.memory_space<hbm>> -> memref<64xi32, #tpu.memory_space<hbm>>
        %dma_wait3A_323 = arith.constant 0 : i32
        %dma_wait3A_324 = tpu.memref_slice %arg14[%dma_wait3A_316, %dma_wait3A_323] : memref<2x64xi32, #tpu.memory_space<vmem>> -> memref<1x64xi32, #tpu.memory_space<vmem>>
        %dma_wait3A_325 = tpu.memref_squeeze %dma_wait3A_324 : memref<1x64xi32, #tpu.memory_space<vmem>> -> memref<64xi32, #tpu.memory_space<vmem>>
        %dma_wait3A_326 = arith.constant 0 : i32
        %dma_wait3A_327 = tpu.memref_slice %arg3[%dma_wait3A_315, %dma_wait3A_326] : memref<2x320000xi32, #tpu.memory_space<hbm>> -> memref<1x64xi32, #tpu.memory_space<hbm>>
        %dma_wait3A_328 = tpu.memref_squeeze %dma_wait3A_327 : memref<1x64xi32, #tpu.memory_space<hbm>> -> memref<64xi32, #tpu.memory_space<hbm>>
        tpu.wait_dma2 semaphore(%arg18 : memref<!tpu.dma_semaphore, #tpu.memory_space<semaphore_mem>>) src(%dma_wait3A_328 : memref<64xi32, #tpu.memory_space<hbm>>) dst(%dma_wait3A_325 : memref<64xi32, #tpu.memory_space<vmem>>)
        %dma_wait3A_329 = arith.constant 1 : i32
        %dma_wait3A_330 = arith.constant 1 : i32
        %dma_wait3A_331 = arith.constant 0 : i32
        %dma_wait3A_332 = tpu.memref_slice %arg14[%dma_wait3A_330, %dma_wait3A_331] : memref<2x64xi32, #tpu.memory_space<vmem>> -> memref<1x64xi32, #tpu.memory_space<vmem>>
        %dma_wait3A_333 = tpu.memref_squeeze %dma_wait3A_332 : memref<1x64xi32, #tpu.memory_space<vmem>> -> memref<64xi32, #tpu.memory_space<vmem>>
        %dma_wait3A_334 = arith.constant 0 : i32
        %dma_wait3A_335 = tpu.memref_slice %arg3[%dma_wait3A_329, %dma_wait3A_334] : memref<2x320000xi32, #tpu.memory_space<hbm>> -> memref<1x64xi32, #tpu.memory_space<hbm>>
        %dma_wait3A_336 = tpu.memref_squeeze %dma_wait3A_335 : memref<1x64xi32, #tpu.memory_space<hbm>> -> memref<64xi32, #tpu.memory_space<hbm>>
        %dma_wait3A_337 = arith.constant 0 : i32
        %dma_wait3A_338 = tpu.memref_slice %arg14[%dma_wait3A_330, %dma_wait3A_337] : memref<2x64xi32, #tpu.memory_space<vmem>> -> memref<1x64xi32, #tpu.memory_space<vmem>>
        %dma_wait3A_339 = tpu.memref_squeeze %dma_wait3A_338 : memref<1x64xi32, #tpu.memory_space<vmem>> -> memref<64xi32, #tpu.memory_space<vmem>>
        %dma_wait3A_340 = arith.constant 0 : i32
        %dma_wait3A_341 = tpu.memref_slice %arg3[%dma_wait3A_329, %dma_wait3A_340] : memref<2x320000xi32, #tpu.memory_space<hbm>> -> memref<1x64xi32, #tpu.memory_space<hbm>>
        %dma_wait3A_342 = tpu.memref_squeeze %dma_wait3A_341 : memref<1x64xi32, #tpu.memory_space<hbm>> -> memref<64xi32, #tpu.memory_space<hbm>>
        tpu.wait_dma2 semaphore(%arg18 : memref<!tpu.dma_semaphore, #tpu.memory_space<semaphore_mem>>) src(%dma_wait3A_342 : memref<64xi32, #tpu.memory_space<hbm>>) dst(%dma_wait3A_339 : memref<64xi32, #tpu.memory_space<vmem>>)
        %dma_start3A_343 = arith.constant 0 : i32
        %dma_start3A_344 = arith.constant 0 : i32
        %dma_start3A_345 = arith.constant 0 : i32
        %dma_start3A_346 = tpu.memref_slice %arg22[%dma_start3A_344, %dma_start3A_345] : memref<128x128xf32, #tpu.memory_space<vmem>> -> memref<64x128xf32, #tpu.memory_space<vmem>>
        %dma_start3A_347 = arith.constant 0 : i32
        %dma_start3A_348 = tpu.memref_slice %arg14[%dma_start3A_343, %dma_start3A_347] : memref<2x64xi32, #tpu.memory_space<vmem>> -> memref<1x64xi32, #tpu.memory_space<vmem>>
        %dma_start3A_349 = tpu.memref_squeeze %dma_start3A_348 : memref<1x64xi32, #tpu.memory_space<vmem>> -> memref<64xi32, #tpu.memory_space<vmem>>
        %dma_start3A_350 = arith.constant 0 : i32
        %dma_start3A_351 = arith.constant 0 : i32
        %dma_start3A_352 = tpu.memref_slice %arg27[%dma_start3A_350, %dma_start3A_351] : memref<10240x128xf32, #tpu.memory_space<vmem_shared>> -> memref<10240x128xf32, #tpu.memory_space<vmem_shared>>
        tpu.enqueue_indirect_dma source(%dma_start3A_346 : memref<64x128xf32, #tpu.memory_space<vmem>>) target(%dma_start3A_352 : memref<10240x128xf32, #tpu.memory_space<vmem_shared>>) offsets(%dma_start3A_349 : memref<64xi32, #tpu.memory_space<vmem>>) semaphore(%arg25 : memref<!tpu.dma_semaphore, #tpu.memory_space<semaphore_mem>>) {add = true}
        %dma_start3A_353 = arith.constant 1 : i32
        %dma_start3A_354 = arith.constant 64 : i32
        %dma_start3A_355 = arith.constant 0 : i32
        %dma_start3A_356 = tpu.memref_slice %arg22[%dma_start3A_354, %dma_start3A_355] : memref<128x128xf32, #tpu.memory_space<vmem>> -> memref<64x128xf32, #tpu.memory_space<vmem>>
        %dma_start3A_357 = arith.constant 0 : i32
        %dma_start3A_358 = tpu.memref_slice %arg14[%dma_start3A_353, %dma_start3A_357] : memref<2x64xi32, #tpu.memory_space<vmem>> -> memref<1x64xi32, #tpu.memory_space<vmem>>
        %dma_start3A_359 = tpu.memref_squeeze %dma_start3A_358 : memref<1x64xi32, #tpu.memory_space<vmem>> -> memref<64xi32, #tpu.memory_space<vmem>>
        %dma_start3A_360 = arith.constant 0 : i32
        %dma_start3A_361 = arith.constant 0 : i32
        %dma_start3A_362 = tpu.memref_slice %arg27[%dma_start3A_360, %dma_start3A_361] : memref<10240x128xf32, #tpu.memory_space<vmem_shared>> -> memref<10240x128xf32, #tpu.memory_space<vmem_shared>>
        tpu.enqueue_indirect_dma source(%dma_start3A_356 : memref<64x128xf32, #tpu.memory_space<vmem>>) target(%dma_start3A_362 : memref<10240x128xf32, #tpu.memory_space<vmem_shared>>) offsets(%dma_start3A_359 : memref<64xi32, #tpu.memory_space<vmem>>) semaphore(%arg26 : memref<!tpu.dma_semaphore, #tpu.memory_space<semaphore_mem>>) {add = true}
        %dma_wait3A_363 = arith.constant 0 : i32
        %dma_wait3A_364 = arith.constant 0 : i32
        %dma_wait3A_365 = arith.constant 0 : i32
        %dma_wait3A_366 = tpu.memref_slice %arg22[%dma_wait3A_364, %dma_wait3A_365] : memref<128x128xf32, #tpu.memory_space<vmem>> -> memref<64x128xf32, #tpu.memory_space<vmem>>
        %dma_wait3A_367 = arith.constant 0 : i32
        %dma_wait3A_368 = tpu.memref_slice %arg14[%dma_wait3A_363, %dma_wait3A_367] : memref<2x64xi32, #tpu.memory_space<vmem>> -> memref<1x64xi32, #tpu.memory_space<vmem>>
        %dma_wait3A_369 = tpu.memref_squeeze %dma_wait3A_368 : memref<1x64xi32, #tpu.memory_space<vmem>> -> memref<64xi32, #tpu.memory_space<vmem>>
        %dma_wait3A_370 = arith.constant 0 : i32
        %dma_wait3A_371 = arith.constant 0 : i32
        %dma_wait3A_372 = tpu.memref_slice %arg27[%dma_wait3A_370, %dma_wait3A_371] : memref<10240x128xf32, #tpu.memory_space<vmem_shared>> -> memref<10240x128xf32, #tpu.memory_space<vmem_shared>>
        tpu.wait_indirect_dma semaphore(%arg25 : memref<!tpu.dma_semaphore, #tpu.memory_space<semaphore_mem>>) src(%dma_wait3A_366 : memref<64x128xf32, #tpu.memory_space<vmem>>) dst(%dma_wait3A_372 : memref<10240x128xf32, #tpu.memory_space<vmem_shared>>)
        %dma_wait3A_373 = arith.constant 1 : i32
        %dma_wait3A_374 = arith.constant 64 : i32
        %dma_wait3A_375 = arith.constant 0 : i32
        %dma_wait3A_376 = tpu.memref_slice %arg22[%dma_wait3A_374, %dma_wait3A_375] : memref<128x128xf32, #tpu.memory_space<vmem>> -> memref<64x128xf32, #tpu.memory_space<vmem>>
        %dma_wait3A_377 = arith.constant 0 : i32
        %dma_wait3A_378 = tpu.memref_slice %arg14[%dma_wait3A_373, %dma_wait3A_377] : memref<2x64xi32, #tpu.memory_space<vmem>> -> memref<1x64xi32, #tpu.memory_space<vmem>>
        %dma_wait3A_379 = tpu.memref_squeeze %dma_wait3A_378 : memref<1x64xi32, #tpu.memory_space<vmem>> -> memref<64xi32, #tpu.memory_space<vmem>>
        %dma_wait3A_380 = arith.constant 0 : i32
        %dma_wait3A_381 = arith.constant 0 : i32
        %dma_wait3A_382 = tpu.memref_slice %arg27[%dma_wait3A_380, %dma_wait3A_381] : memref<10240x128xf32, #tpu.memory_space<vmem_shared>> -> memref<10240x128xf32, #tpu.memory_space<vmem_shared>>
        tpu.wait_indirect_dma semaphore(%arg26 : memref<!tpu.dma_semaphore, #tpu.memory_space<semaphore_mem>>) src(%dma_wait3A_376 : memref<64x128xf32, #tpu.memory_space<vmem>>) dst(%dma_wait3A_382 : memref<10240x128xf32, #tpu.memory_space<vmem_shared>>)
      } else {
      }
      %add3A_264 = arith.constant 4 : i32
      %add3A_265 = arith.addi %add3A_259, %add3A_264 : i32
      %lt3A_266 = arith.cmpi slt, %add3A_265, %add3A_4 : i32
      %convert_element_type3A_267 = arith.extui %lt3A_266 : i1 to i32
      %cond3A_268 = arith.constant 0 : i32
      %cond3A_269 = arith.cmpi ne, %convert_element_type3A_267, %cond3A_268 : i32
      scf.if %cond3A_269 {
        %add3A_312 = arith.constant 4 : i32
        %add3A_313 = arith.addi %add3A_259, %add3A_312 : i32
        %lt3A_314 = arith.constant 78 : i32
        %lt3A_315 = arith.cmpi slt, %add3A_313, %lt3A_314 : i32
        %mul3A_316 = arith.constant 78 : i32
        %mul3A_317 = arith.muli %add3A, %mul3A_316 : i32
        %add3A_318 = arith.addi %mul3A_317, %add3A_313 : i32
        %add3A_319 = arith.constant 2496 : i32
        %add3A_320 = arith.addi %add3A_319, %add3A : i32
        %select_n3A_321 = arith.select %lt3A_315, %add3A_318, %add3A_320 : i32
        %mul3A_322 = arith.constant 128 : i32
        %mul3A_323 = arith.muli %select_n3A_321, %mul3A_322 : i32
        %dma_start3A_324 = arith.constant 0 : i32
        %dma_start3A_325 = tpu.memref_slice %arg3[%dma_start3A_324, %mul3A_323] : memref<2x320000xi32, #tpu.memory_space<hbm>> -> memref<1x128xi32, #tpu.memory_space<hbm>>
        %dma_start3A_326 = tpu.memref_squeeze %dma_start3A_325 : memref<1x128xi32, #tpu.memory_space<hbm>> -> memref<128xi32, #tpu.memory_space<hbm>>
        %dma_start3A_327 = tpu.memref_slice %arg3[%dma_start3A_324, %mul3A_323] : memref<2x320000xi32, #tpu.memory_space<hbm>> -> memref<1x128xi32, #tpu.memory_space<hbm>>
        %dma_start3A_328 = tpu.memref_squeeze %dma_start3A_327 : memref<1x128xi32, #tpu.memory_space<hbm>> -> memref<128xi32, #tpu.memory_space<hbm>>
        tpu.enqueue_dma source(%dma_start3A_328 : memref<128xi32, #tpu.memory_space<hbm>>) target(%arg6 : memref<128xi32, #tpu.memory_space<vmem>>) target_semaphore(%arg10 : memref<!tpu.dma_semaphore, #tpu.memory_space<semaphore_mem>>)
        %mul3A_329 = arith.constant 128 : i32
        %mul3A_330 = arith.muli %select_n3A_321, %mul3A_329 : i32
        %dma_start3A_331 = arith.constant 1 : i32
        %dma_start3A_332 = arith.constant 0 : i32
        %dma_start3A_333 = arith.constant 0 : i32
        %dma_start3A_334 = tpu.memref_slice %arg14[%dma_start3A_332, %dma_start3A_333] : memref<2x64xi32, #tpu.memory_space<vmem>> -> memref<1x64xi32, #tpu.memory_space<vmem>>
        %dma_start3A_335 = tpu.memref_squeeze %dma_start3A_334 : memref<1x64xi32, #tpu.memory_space<vmem>> -> memref<64xi32, #tpu.memory_space<vmem>>
        %dma_start3A_336 = tpu.memref_slice %arg3[%dma_start3A_331, %mul3A_330] : memref<2x320000xi32, #tpu.memory_space<hbm>> -> memref<1x64xi32, #tpu.memory_space<hbm>>
        %dma_start3A_337 = tpu.memref_squeeze %dma_start3A_336 : memref<1x64xi32, #tpu.memory_space<hbm>> -> memref<64xi32, #tpu.memory_space<hbm>>
        %dma_start3A_338 = arith.constant 0 : i32
        %dma_start3A_339 = tpu.memref_slice %arg14[%dma_start3A_332, %dma_start3A_338] : memref<2x64xi32, #tpu.memory_space<vmem>> -> memref<1x64xi32, #tpu.memory_space<vmem>>
        %dma_start3A_340 = tpu.memref_squeeze %dma_start3A_339 : memref<1x64xi32, #tpu.memory_space<vmem>> -> memref<64xi32, #tpu.memory_space<vmem>>
        %dma_start3A_341 = tpu.memref_slice %arg3[%dma_start3A_331, %mul3A_330] : memref<2x320000xi32, #tpu.memory_space<hbm>> -> memref<1x64xi32, #tpu.memory_space<hbm>>
        %dma_start3A_342 = tpu.memref_squeeze %dma_start3A_341 : memref<1x64xi32, #tpu.memory_space<hbm>> -> memref<64xi32, #tpu.memory_space<hbm>>
        tpu.enqueue_dma source(%dma_start3A_342 : memref<64xi32, #tpu.memory_space<hbm>>) target(%dma_start3A_340 : memref<64xi32, #tpu.memory_space<vmem>>) target_semaphore(%arg18 : memref<!tpu.dma_semaphore, #tpu.memory_space<semaphore_mem>>)
        %mul3A_343 = arith.constant 128 : i32
        %mul3A_344 = arith.muli %select_n3A_321, %mul3A_343 : i32
        %add3A_345 = arith.constant 64 : i32
        %add3A_346 = arith.addi %mul3A_344, %add3A_345 : i32
        %dma_start3A_347 = arith.constant 1 : i32
        %dma_start3A_348 = arith.constant 1 : i32
        %dma_start3A_349 = arith.constant 0 : i32
        %dma_start3A_350 = tpu.memref_slice %arg14[%dma_start3A_348, %dma_start3A_349] : memref<2x64xi32, #tpu.memory_space<vmem>> -> memref<1x64xi32, #tpu.memory_space<vmem>>
        %dma_start3A_351 = tpu.memref_squeeze %dma_start3A_350 : memref<1x64xi32, #tpu.memory_space<vmem>> -> memref<64xi32, #tpu.memory_space<vmem>>
        %dma_start3A_352 = tpu.memref_slice %arg3[%dma_start3A_347, %add3A_346] : memref<2x320000xi32, #tpu.memory_space<hbm>> -> memref<1x64xi32, #tpu.memory_space<hbm>>
        %dma_start3A_353 = tpu.memref_squeeze %dma_start3A_352 : memref<1x64xi32, #tpu.memory_space<hbm>> -> memref<64xi32, #tpu.memory_space<hbm>>
        %dma_start3A_354 = arith.constant 0 : i32
        %dma_start3A_355 = tpu.memref_slice %arg14[%dma_start3A_348, %dma_start3A_354] : memref<2x64xi32, #tpu.memory_space<vmem>> -> memref<1x64xi32, #tpu.memory_space<vmem>>
        %dma_start3A_356 = tpu.memref_squeeze %dma_start3A_355 : memref<1x64xi32, #tpu.memory_space<vmem>> -> memref<64xi32, #tpu.memory_space<vmem>>
        %dma_start3A_357 = tpu.memref_slice %arg3[%dma_start3A_347, %add3A_346] : memref<2x320000xi32, #tpu.memory_space<hbm>> -> memref<1x64xi32, #tpu.memory_space<hbm>>
        %dma_start3A_358 = tpu.memref_squeeze %dma_start3A_357 : memref<1x64xi32, #tpu.memory_space<hbm>> -> memref<64xi32, #tpu.memory_space<hbm>>
        tpu.enqueue_dma source(%dma_start3A_358 : memref<64xi32, #tpu.memory_space<hbm>>) target(%dma_start3A_356 : memref<64xi32, #tpu.memory_space<vmem>>) target_semaphore(%arg18 : memref<!tpu.dma_semaphore, #tpu.memory_space<semaphore_mem>>)
      } else {
      }
      %add3A_270 = arith.constant 2 : i32
      %add3A_271 = arith.addi %add3A_259, %add3A_270 : i32
      %lt3A_272 = arith.cmpi slt, %add3A_271, %add3A_4 : i32
      %convert_element_type3A_273 = arith.extui %lt3A_272 : i1 to i32
      %cond3A_274 = arith.constant 0 : i32
      %cond3A_275 = arith.cmpi ne, %convert_element_type3A_273, %cond3A_274 : i32
      scf.if %cond3A_275 {
        %dma_wait3A_312 = arith.constant 0 : i32
        %dma_wait3A_313 = arith.constant 0 : i32
        %dma_wait3A_314 = tpu.memref_slice %arg3[%dma_wait3A_312, %dma_wait3A_313] : memref<2x320000xi32, #tpu.memory_space<hbm>> -> memref<1x128xi32, #tpu.memory_space<hbm>>
        %dma_wait3A_315 = tpu.memref_squeeze %dma_wait3A_314 : memref<1x128xi32, #tpu.memory_space<hbm>> -> memref<128xi32, #tpu.memory_space<hbm>>
        %dma_wait3A_316 = arith.constant 0 : i32
        %dma_wait3A_317 = tpu.memref_slice %arg3[%dma_wait3A_312, %dma_wait3A_316] : memref<2x320000xi32, #tpu.memory_space<hbm>> -> memref<1x128xi32, #tpu.memory_space<hbm>>
        %dma_wait3A_318 = tpu.memref_squeeze %dma_wait3A_317 : memref<1x128xi32, #tpu.memory_space<hbm>> -> memref<128xi32, #tpu.memory_space<hbm>>
        tpu.wait_dma2 semaphore(%arg12 : memref<!tpu.dma_semaphore, #tpu.memory_space<semaphore_mem>>) src(%dma_wait3A_318 : memref<128xi32, #tpu.memory_space<hbm>>) dst(%arg8 : memref<128xi32, #tpu.memory_space<vmem>>)
        %dma_start3A_319 = arith.constant 0 : i32
        %dma_start3A_320 = arith.constant 0 : i32
        %dma_start3A_321 = tpu.memref_slice %arg2[%dma_start3A_319, %dma_start3A_320] : memref<10000x128xf32, #tpu.memory_space<hbm>> -> memref<10000x128xf32, #tpu.memory_space<hbm>>
        tpu.enqueue_indirect_dma source(%dma_start3A_321 : memref<10000x128xf32, #tpu.memory_space<hbm>>) target(%arg22 : memref<128x128xf32, #tpu.memory_space<vmem>>) offsets(%arg8 : memref<128xi32, #tpu.memory_space<vmem>>) semaphore(%arg24 : memref<!tpu.dma_semaphore, #tpu.memory_space<semaphore_mem>>)
      } else {
      }
      %add3A_276 = arith.constant 2 : i32
      %add3A_277 = arith.addi %add3A_241, %add3A_276 : i32
      %lt3A_278 = arith.cmpi slt, %add3A_277, %add3A_4 : i32
      %convert_element_type3A_279 = arith.extui %lt3A_278 : i1 to i32
      %cond3A_280 = arith.constant 0 : i32
      %cond3A_281 = arith.cmpi ne, %convert_element_type3A_279, %cond3A_280 : i32
      scf.if %cond3A_281 {
        %dma_wait3A_312 = arith.constant 0 : i32
        %dma_wait3A_313 = arith.constant 0 : i32
        %dma_wait3A_314 = tpu.memref_slice %arg2[%dma_wait3A_312, %dma_wait3A_313] : memref<10000x128xf32, #tpu.memory_space<hbm>> -> memref<10000x128xf32, #tpu.memory_space<hbm>>
        tpu.wait_indirect_dma semaphore(%arg23 : memref<!tpu.dma_semaphore, #tpu.memory_space<semaphore_mem>>) src(%dma_wait3A_314 : memref<10000x128xf32, #tpu.memory_space<hbm>>) dst(%arg21 : memref<128x128xf32, #tpu.memory_space<vmem>>)
        %dma_wait3A_315 = arith.constant 1 : i32
        %dma_wait3A_316 = arith.constant 0 : i32
        %dma_wait3A_317 = arith.constant 0 : i32
        %dma_wait3A_318 = tpu.memref_slice %arg15[%dma_wait3A_316, %dma_wait3A_317] : memref<2x64xi32, #tpu.memory_space<vmem>> -> memref<1x64xi32, #tpu.memory_space<vmem>>
        %dma_wait3A_319 = tpu.memref_squeeze %dma_wait3A_318 : memref<1x64xi32, #tpu.memory_space<vmem>> -> memref<64xi32, #tpu.memory_space<vmem>>
        %dma_wait3A_320 = arith.constant 0 : i32
        %dma_wait3A_321 = tpu.memref_slice %arg3[%dma_wait3A_315, %dma_wait3A_320] : memref<2x320000xi32, #tpu.memory_space<hbm>> -> memref<1x64xi32, #tpu.memory_space<hbm>>
        %dma_wait3A_322 = tpu.memref_squeeze %dma_wait3A_321 : memref<1x64xi32, #tpu.memory_space<hbm>> -> memref<64xi32, #tpu.memory_space<hbm>>
        %dma_wait3A_323 = arith.constant 0 : i32
        %dma_wait3A_324 = tpu.memref_slice %arg15[%dma_wait3A_316, %dma_wait3A_323] : memref<2x64xi32, #tpu.memory_space<vmem>> -> memref<1x64xi32, #tpu.memory_space<vmem>>
        %dma_wait3A_325 = tpu.memref_squeeze %dma_wait3A_324 : memref<1x64xi32, #tpu.memory_space<vmem>> -> memref<64xi32, #tpu.memory_space<vmem>>
        %dma_wait3A_326 = arith.constant 0 : i32
        %dma_wait3A_327 = tpu.memref_slice %arg3[%dma_wait3A_315, %dma_wait3A_326] : memref<2x320000xi32, #tpu.memory_space<hbm>> -> memref<1x64xi32, #tpu.memory_space<hbm>>
        %dma_wait3A_328 = tpu.memref_squeeze %dma_wait3A_327 : memref<1x64xi32, #tpu.memory_space<hbm>> -> memref<64xi32, #tpu.memory_space<hbm>>
        tpu.wait_dma2 semaphore(%arg19 : memref<!tpu.dma_semaphore, #tpu.memory_space<semaphore_mem>>) src(%dma_wait3A_328 : memref<64xi32, #tpu.memory_space<hbm>>) dst(%dma_wait3A_325 : memref<64xi32, #tpu.memory_space<vmem>>)
        %dma_wait3A_329 = arith.constant 1 : i32
        %dma_wait3A_330 = arith.constant 1 : i32
        %dma_wait3A_331 = arith.constant 0 : i32
        %dma_wait3A_332 = tpu.memref_slice %arg15[%dma_wait3A_330, %dma_wait3A_331] : memref<2x64xi32, #tpu.memory_space<vmem>> -> memref<1x64xi32, #tpu.memory_space<vmem>>
        %dma_wait3A_333 = tpu.memref_squeeze %dma_wait3A_332 : memref<1x64xi32, #tpu.memory_space<vmem>> -> memref<64xi32, #tpu.memory_space<vmem>>
        %dma_wait3A_334 = arith.constant 0 : i32
        %dma_wait3A_335 = tpu.memref_slice %arg3[%dma_wait3A_329, %dma_wait3A_334] : memref<2x320000xi32, #tpu.memory_space<hbm>> -> memref<1x64xi32, #tpu.memory_space<hbm>>
        %dma_wait3A_336 = tpu.memref_squeeze %dma_wait3A_335 : memref<1x64xi32, #tpu.memory_space<hbm>> -> memref<64xi32, #tpu.memory_space<hbm>>
        %dma_wait3A_337 = arith.constant 0 : i32
        %dma_wait3A_338 = tpu.memref_slice %arg15[%dma_wait3A_330, %dma_wait3A_337] : memref<2x64xi32, #tpu.memory_space<vmem>> -> memref<1x64xi32, #tpu.memory_space<vmem>>
        %dma_wait3A_339 = tpu.memref_squeeze %dma_wait3A_338 : memref<1x64xi32, #tpu.memory_space<vmem>> -> memref<64xi32, #tpu.memory_space<vmem>>
        %dma_wait3A_340 = arith.constant 0 : i32
        %dma_wait3A_341 = tpu.memref_slice %arg3[%dma_wait3A_329, %dma_wait3A_340] : memref<2x320000xi32, #tpu.memory_space<hbm>> -> memref<1x64xi32, #tpu.memory_space<hbm>>
        %dma_wait3A_342 = tpu.memref_squeeze %dma_wait3A_341 : memref<1x64xi32, #tpu.memory_space<hbm>> -> memref<64xi32, #tpu.memory_space<hbm>>
        tpu.wait_dma2 semaphore(%arg19 : memref<!tpu.dma_semaphore, #tpu.memory_space<semaphore_mem>>) src(%dma_wait3A_342 : memref<64xi32, #tpu.memory_space<hbm>>) dst(%dma_wait3A_339 : memref<64xi32, #tpu.memory_space<vmem>>)
        %dma_start3A_343 = arith.constant 0 : i32
        %dma_start3A_344 = arith.constant 0 : i32
        %dma_start3A_345 = arith.constant 0 : i32
        %dma_start3A_346 = tpu.memref_slice %arg21[%dma_start3A_344, %dma_start3A_345] : memref<128x128xf32, #tpu.memory_space<vmem>> -> memref<64x128xf32, #tpu.memory_space<vmem>>
        %dma_start3A_347 = arith.constant 0 : i32
        %dma_start3A_348 = tpu.memref_slice %arg15[%dma_start3A_343, %dma_start3A_347] : memref<2x64xi32, #tpu.memory_space<vmem>> -> memref<1x64xi32, #tpu.memory_space<vmem>>
        %dma_start3A_349 = tpu.memref_squeeze %dma_start3A_348 : memref<1x64xi32, #tpu.memory_space<vmem>> -> memref<64xi32, #tpu.memory_space<vmem>>
        %dma_start3A_350 = arith.constant 0 : i32
        %dma_start3A_351 = arith.constant 0 : i32
        %dma_start3A_352 = tpu.memref_slice %arg27[%dma_start3A_350, %dma_start3A_351] : memref<10240x128xf32, #tpu.memory_space<vmem_shared>> -> memref<10240x128xf32, #tpu.memory_space<vmem_shared>>
        tpu.enqueue_indirect_dma source(%dma_start3A_346 : memref<64x128xf32, #tpu.memory_space<vmem>>) target(%dma_start3A_352 : memref<10240x128xf32, #tpu.memory_space<vmem_shared>>) offsets(%dma_start3A_349 : memref<64xi32, #tpu.memory_space<vmem>>) semaphore(%arg25 : memref<!tpu.dma_semaphore, #tpu.memory_space<semaphore_mem>>) {add = true}
        %dma_start3A_353 = arith.constant 1 : i32
        %dma_start3A_354 = arith.constant 64 : i32
        %dma_start3A_355 = arith.constant 0 : i32
        %dma_start3A_356 = tpu.memref_slice %arg21[%dma_start3A_354, %dma_start3A_355] : memref<128x128xf32, #tpu.memory_space<vmem>> -> memref<64x128xf32, #tpu.memory_space<vmem>>
        %dma_start3A_357 = arith.constant 0 : i32
        %dma_start3A_358 = tpu.memref_slice %arg15[%dma_start3A_353, %dma_start3A_357] : memref<2x64xi32, #tpu.memory_space<vmem>> -> memref<1x64xi32, #tpu.memory_space<vmem>>
        %dma_start3A_359 = tpu.memref_squeeze %dma_start3A_358 : memref<1x64xi32, #tpu.memory_space<vmem>> -> memref<64xi32, #tpu.memory_space<vmem>>
        %dma_start3A_360 = arith.constant 0 : i32
        %dma_start3A_361 = arith.constant 0 : i32
        %dma_start3A_362 = tpu.memref_slice %arg27[%dma_start3A_360, %dma_start3A_361] : memref<10240x128xf32, #tpu.memory_space<vmem_shared>> -> memref<10240x128xf32, #tpu.memory_space<vmem_shared>>
        tpu.enqueue_indirect_dma source(%dma_start3A_356 : memref<64x128xf32, #tpu.memory_space<vmem>>) target(%dma_start3A_362 : memref<10240x128xf32, #tpu.memory_space<vmem_shared>>) offsets(%dma_start3A_359 : memref<64xi32, #tpu.memory_space<vmem>>) semaphore(%arg26 : memref<!tpu.dma_semaphore, #tpu.memory_space<semaphore_mem>>) {add = true}
        %dma_wait3A_363 = arith.constant 0 : i32
        %dma_wait3A_364 = arith.constant 0 : i32
        %dma_wait3A_365 = arith.constant 0 : i32
        %dma_wait3A_366 = tpu.memref_slice %arg21[%dma_wait3A_364, %dma_wait3A_365] : memref<128x128xf32, #tpu.memory_space<vmem>> -> memref<64x128xf32, #tpu.memory_space<vmem>>
        %dma_wait3A_367 = arith.constant 0 : i32
        %dma_wait3A_368 = tpu.memref_slice %arg15[%dma_wait3A_363, %dma_wait3A_367] : memref<2x64xi32, #tpu.memory_space<vmem>> -> memref<1x64xi32, #tpu.memory_space<vmem>>
        %dma_wait3A_369 = tpu.memref_squeeze %dma_wait3A_368 : memref<1x64xi32, #tpu.memory_space<vmem>> -> memref<64xi32, #tpu.memory_space<vmem>>
        %dma_wait3A_370 = arith.constant 0 : i32
        %dma_wait3A_371 = arith.constant 0 : i32
        %dma_wait3A_372 = tpu.memref_slice %arg27[%dma_wait3A_370, %dma_wait3A_371] : memref<10240x128xf32, #tpu.memory_space<vmem_shared>> -> memref<10240x128xf32, #tpu.memory_space<vmem_shared>>
        tpu.wait_indirect_dma semaphore(%arg25 : memref<!tpu.dma_semaphore, #tpu.memory_space<semaphore_mem>>) src(%dma_wait3A_366 : memref<64x128xf32, #tpu.memory_space<vmem>>) dst(%dma_wait3A_372 : memref<10240x128xf32, #tpu.memory_space<vmem_shared>>)
        %dma_wait3A_373 = arith.constant 1 : i32
        %dma_wait3A_374 = arith.constant 64 : i32
        %dma_wait3A_375 = arith.constant 0 : i32
        %dma_wait3A_376 = tpu.memref_slice %arg21[%dma_wait3A_374, %dma_wait3A_375] : memref<128x128xf32, #tpu.memory_space<vmem>> -> memref<64x128xf32, #tpu.memory_space<vmem>>
        %dma_wait3A_377 = arith.constant 0 : i32
        %dma_wait3A_378 = tpu.memref_slice %arg15[%dma_wait3A_373, %dma_wait3A_377] : memref<2x64xi32, #tpu.memory_space<vmem>> -> memref<1x64xi32, #tpu.memory_space<vmem>>
        %dma_wait3A_379 = tpu.memref_squeeze %dma_wait3A_378 : memref<1x64xi32, #tpu.memory_space<vmem>> -> memref<64xi32, #tpu.memory_space<vmem>>
        %dma_wait3A_380 = arith.constant 0 : i32
        %dma_wait3A_381 = arith.constant 0 : i32
        %dma_wait3A_382 = tpu.memref_slice %arg27[%dma_wait3A_380, %dma_wait3A_381] : memref<10240x128xf32, #tpu.memory_space<vmem_shared>> -> memref<10240x128xf32, #tpu.memory_space<vmem_shared>>
        tpu.wait_indirect_dma semaphore(%arg26 : memref<!tpu.dma_semaphore, #tpu.memory_space<semaphore_mem>>) src(%dma_wait3A_376 : memref<64x128xf32, #tpu.memory_space<vmem>>) dst(%dma_wait3A_382 : memref<10240x128xf32, #tpu.memory_space<vmem_shared>>)
      } else {
      }
      %add3A_282 = arith.constant 4 : i32
      %add3A_283 = arith.addi %add3A_277, %add3A_282 : i32
      %lt3A_284 = arith.cmpi slt, %add3A_283, %add3A_4 : i32
      %convert_element_type3A_285 = arith.extui %lt3A_284 : i1 to i32
      %cond3A_286 = arith.constant 0 : i32
      %cond3A_287 = arith.cmpi ne, %convert_element_type3A_285, %cond3A_286 : i32
      scf.if %cond3A_287 {
        %add3A_312 = arith.constant 4 : i32
        %add3A_313 = arith.addi %add3A_277, %add3A_312 : i32
        %lt3A_314 = arith.constant 78 : i32
        %lt3A_315 = arith.cmpi slt, %add3A_313, %lt3A_314 : i32
        %mul3A_316 = arith.constant 78 : i32
        %mul3A_317 = arith.muli %add3A, %mul3A_316 : i32
        %add3A_318 = arith.addi %mul3A_317, %add3A_313 : i32
        %add3A_319 = arith.constant 2496 : i32
        %add3A_320 = arith.addi %add3A_319, %add3A : i32
        %select_n3A_321 = arith.select %lt3A_315, %add3A_318, %add3A_320 : i32
        %mul3A_322 = arith.constant 128 : i32
        %mul3A_323 = arith.muli %select_n3A_321, %mul3A_322 : i32
        %dma_start3A_324 = arith.constant 0 : i32
        %dma_start3A_325 = tpu.memref_slice %arg3[%dma_start3A_324, %mul3A_323] : memref<2x320000xi32, #tpu.memory_space<hbm>> -> memref<1x128xi32, #tpu.memory_space<hbm>>
        %dma_start3A_326 = tpu.memref_squeeze %dma_start3A_325 : memref<1x128xi32, #tpu.memory_space<hbm>> -> memref<128xi32, #tpu.memory_space<hbm>>
        %dma_start3A_327 = tpu.memref_slice %arg3[%dma_start3A_324, %mul3A_323] : memref<2x320000xi32, #tpu.memory_space<hbm>> -> memref<1x128xi32, #tpu.memory_space<hbm>>
        %dma_start3A_328 = tpu.memref_squeeze %dma_start3A_327 : memref<1x128xi32, #tpu.memory_space<hbm>> -> memref<128xi32, #tpu.memory_space<hbm>>
        tpu.enqueue_dma source(%dma_start3A_328 : memref<128xi32, #tpu.memory_space<hbm>>) target(%arg7 : memref<128xi32, #tpu.memory_space<vmem>>) target_semaphore(%arg11 : memref<!tpu.dma_semaphore, #tpu.memory_space<semaphore_mem>>)
        %mul3A_329 = arith.constant 128 : i32
        %mul3A_330 = arith.muli %select_n3A_321, %mul3A_329 : i32
        %dma_start3A_331 = arith.constant 1 : i32
        %dma_start3A_332 = arith.constant 0 : i32
        %dma_start3A_333 = arith.constant 0 : i32
        %dma_start3A_334 = tpu.memref_slice %arg15[%dma_start3A_332, %dma_start3A_333] : memref<2x64xi32, #tpu.memory_space<vmem>> -> memref<1x64xi32, #tpu.memory_space<vmem>>
        %dma_start3A_335 = tpu.memref_squeeze %dma_start3A_334 : memref<1x64xi32, #tpu.memory_space<vmem>> -> memref<64xi32, #tpu.memory_space<vmem>>
        %dma_start3A_336 = tpu.memref_slice %arg3[%dma_start3A_331, %mul3A_330] : memref<2x320000xi32, #tpu.memory_space<hbm>> -> memref<1x64xi32, #tpu.memory_space<hbm>>
        %dma_start3A_337 = tpu.memref_squeeze %dma_start3A_336 : memref<1x64xi32, #tpu.memory_space<hbm>> -> memref<64xi32, #tpu.memory_space<hbm>>
        %dma_start3A_338 = arith.constant 0 : i32
        %dma_start3A_339 = tpu.memref_slice %arg15[%dma_start3A_332, %dma_start3A_338] : memref<2x64xi32, #tpu.memory_space<vmem>> -> memref<1x64xi32, #tpu.memory_space<vmem>>
        %dma_start3A_340 = tpu.memref_squeeze %dma_start3A_339 : memref<1x64xi32, #tpu.memory_space<vmem>> -> memref<64xi32, #tpu.memory_space<vmem>>
        %dma_start3A_341 = tpu.memref_slice %arg3[%dma_start3A_331, %mul3A_330] : memref<2x320000xi32, #tpu.memory_space<hbm>> -> memref<1x64xi32, #tpu.memory_space<hbm>>
        %dma_start3A_342 = tpu.memref_squeeze %dma_start3A_341 : memref<1x64xi32, #tpu.memory_space<hbm>> -> memref<64xi32, #tpu.memory_space<hbm>>
        tpu.enqueue_dma source(%dma_start3A_342 : memref<64xi32, #tpu.memory_space<hbm>>) target(%dma_start3A_340 : memref<64xi32, #tpu.memory_space<vmem>>) target_semaphore(%arg19 : memref<!tpu.dma_semaphore, #tpu.memory_space<semaphore_mem>>)
        %mul3A_343 = arith.constant 128 : i32
        %mul3A_344 = arith.muli %select_n3A_321, %mul3A_343 : i32
        %add3A_345 = arith.constant 64 : i32
        %add3A_346 = arith.addi %mul3A_344, %add3A_345 : i32
        %dma_start3A_347 = arith.constant 1 : i32
        %dma_start3A_348 = arith.constant 1 : i32
        %dma_start3A_349 = arith.constant 0 : i32
        %dma_start3A_350 = tpu.memref_slice %arg15[%dma_start3A_348, %dma_start3A_349] : memref<2x64xi32, #tpu.memory_space<vmem>> -> memref<1x64xi32, #tpu.memory_space<vmem>>
        %dma_start3A_351 = tpu.memref_squeeze %dma_start3A_350 : memref<1x64xi32, #tpu.memory_space<vmem>> -> memref<64xi32, #tpu.memory_space<vmem>>
        %dma_start3A_352 = tpu.memref_slice %arg3[%dma_start3A_347, %add3A_346] : memref<2x320000xi32, #tpu.memory_space<hbm>> -> memref<1x64xi32, #tpu.memory_space<hbm>>
        %dma_start3A_353 = tpu.memref_squeeze %dma_start3A_352 : memref<1x64xi32, #tpu.memory_space<hbm>> -> memref<64xi32, #tpu.memory_space<hbm>>
        %dma_start3A_354 = arith.constant 0 : i32
        %dma_start3A_355 = tpu.memref_slice %arg15[%dma_start3A_348, %dma_start3A_354] : memref<2x64xi32, #tpu.memory_space<vmem>> -> memref<1x64xi32, #tpu.memory_space<vmem>>
        %dma_start3A_356 = tpu.memref_squeeze %dma_start3A_355 : memref<1x64xi32, #tpu.memory_space<vmem>> -> memref<64xi32, #tpu.memory_space<vmem>>
        %dma_start3A_357 = tpu.memref_slice %arg3[%dma_start3A_347, %add3A_346] : memref<2x320000xi32, #tpu.memory_space<hbm>> -> memref<1x64xi32, #tpu.memory_space<hbm>>
        %dma_start3A_358 = tpu.memref_squeeze %dma_start3A_357 : memref<1x64xi32, #tpu.memory_space<hbm>> -> memref<64xi32, #tpu.memory_space<hbm>>
        tpu.enqueue_dma source(%dma_start3A_358 : memref<64xi32, #tpu.memory_space<hbm>>) target(%dma_start3A_356 : memref<64xi32, #tpu.memory_space<vmem>>) target_semaphore(%arg19 : memref<!tpu.dma_semaphore, #tpu.memory_space<semaphore_mem>>)
      } else {
      }
      %add3A_288 = arith.constant 2 : i32
      %add3A_289 = arith.addi %add3A_277, %add3A_288 : i32
      %lt3A_290 = arith.cmpi slt, %add3A_289, %add3A_4 : i32
      %convert_element_type3A_291 = arith.extui %lt3A_290 : i1 to i32
      %cond3A_292 = arith.constant 0 : i32
      %cond3A_293 = arith.cmpi ne, %convert_element_type3A_291, %cond3A_292 : i32
      scf.if %cond3A_293 {
        %dma_wait3A_312 = arith.constant 0 : i32
        %dma_wait3A_313 = arith.constant 0 : i32
        %dma_wait3A_314 = tpu.memref_slice %arg3[%dma_wait3A_312, %dma_wait3A_313] : memref<2x320000xi32, #tpu.memory_space<hbm>> -> memref<1x128xi32, #tpu.memory_space<hbm>>
        %dma_wait3A_315 = tpu.memref_squeeze %dma_wait3A_314 : memref<1x128xi32, #tpu.memory_space<hbm>> -> memref<128xi32, #tpu.memory_space<hbm>>
        %dma_wait3A_316 = arith.constant 0 : i32
        %dma_wait3A_317 = tpu.memref_slice %arg3[%dma_wait3A_312, %dma_wait3A_316] : memref<2x320000xi32, #tpu.memory_space<hbm>> -> memref<1x128xi32, #tpu.memory_space<hbm>>
        %dma_wait3A_318 = tpu.memref_squeeze %dma_wait3A_317 : memref<1x128xi32, #tpu.memory_space<hbm>> -> memref<128xi32, #tpu.memory_space<hbm>>
        tpu.wait_dma2 semaphore(%arg9 : memref<!tpu.dma_semaphore, #tpu.memory_space<semaphore_mem>>) src(%dma_wait3A_318 : memref<128xi32, #tpu.memory_space<hbm>>) dst(%arg5 : memref<128xi32, #tpu.memory_space<vmem>>)
        %dma_start3A_319 = arith.constant 0 : i32
        %dma_start3A_320 = arith.constant 0 : i32
        %dma_start3A_321 = tpu.memref_slice %arg2[%dma_start3A_319, %dma_start3A_320] : memref<10000x128xf32, #tpu.memory_space<hbm>> -> memref<10000x128xf32, #tpu.memory_space<hbm>>
        tpu.enqueue_indirect_dma source(%dma_start3A_321 : memref<10000x128xf32, #tpu.memory_space<hbm>>) target(%arg21 : memref<128x128xf32, #tpu.memory_space<vmem>>) offsets(%arg5 : memref<128xi32, #tpu.memory_space<vmem>>) semaphore(%arg23 : memref<!tpu.dma_semaphore, #tpu.memory_space<semaphore_mem>>)
      } else {
      }
      %add3A_294 = arith.constant 3 : i32
      %add3A_295 = arith.addi %add3A_241, %add3A_294 : i32
      %lt3A_296 = arith.cmpi slt, %add3A_295, %add3A_4 : i32
      %convert_element_type3A_297 = arith.extui %lt3A_296 : i1 to i32
      %cond3A_298 = arith.constant 0 : i32
      %cond3A_299 = arith.cmpi ne, %convert_element_type3A_297, %cond3A_298 : i32
      scf.if %cond3A_299 {
        %dma_wait3A_312 = arith.constant 0 : i32
        %dma_wait3A_313 = arith.constant 0 : i32
        %dma_wait3A_314 = tpu.memref_slice %arg2[%dma_wait3A_312, %dma_wait3A_313] : memref<10000x128xf32, #tpu.memory_space<hbm>> -> memref<10000x128xf32, #tpu.memory_space<hbm>>
        tpu.wait_indirect_dma semaphore(%arg24 : memref<!tpu.dma_semaphore, #tpu.memory_space<semaphore_mem>>) src(%dma_wait3A_314 : memref<10000x128xf32, #tpu.memory_space<hbm>>) dst(%arg22 : memref<128x128xf32, #tpu.memory_space<vmem>>)
        %dma_wait3A_315 = arith.constant 1 : i32
        %dma_wait3A_316 = arith.constant 0 : i32
        %dma_wait3A_317 = arith.constant 0 : i32
        %dma_wait3A_318 = tpu.memref_slice %arg16[%dma_wait3A_316, %dma_wait3A_317] : memref<2x64xi32, #tpu.memory_space<vmem>> -> memref<1x64xi32, #tpu.memory_space<vmem>>
        %dma_wait3A_319 = tpu.memref_squeeze %dma_wait3A_318 : memref<1x64xi32, #tpu.memory_space<vmem>> -> memref<64xi32, #tpu.memory_space<vmem>>
        %dma_wait3A_320 = arith.constant 0 : i32
        %dma_wait3A_321 = tpu.memref_slice %arg3[%dma_wait3A_315, %dma_wait3A_320] : memref<2x320000xi32, #tpu.memory_space<hbm>> -> memref<1x64xi32, #tpu.memory_space<hbm>>
        %dma_wait3A_322 = tpu.memref_squeeze %dma_wait3A_321 : memref<1x64xi32, #tpu.memory_space<hbm>> -> memref<64xi32, #tpu.memory_space<hbm>>
        %dma_wait3A_323 = arith.constant 0 : i32
        %dma_wait3A_324 = tpu.memref_slice %arg16[%dma_wait3A_316, %dma_wait3A_323] : memref<2x64xi32, #tpu.memory_space<vmem>> -> memref<1x64xi32, #tpu.memory_space<vmem>>
        %dma_wait3A_325 = tpu.memref_squeeze %dma_wait3A_324 : memref<1x64xi32, #tpu.memory_space<vmem>> -> memref<64xi32, #tpu.memory_space<vmem>>
        %dma_wait3A_326 = arith.constant 0 : i32
        %dma_wait3A_327 = tpu.memref_slice %arg3[%dma_wait3A_315, %dma_wait3A_326] : memref<2x320000xi32, #tpu.memory_space<hbm>> -> memref<1x64xi32, #tpu.memory_space<hbm>>
        %dma_wait3A_328 = tpu.memref_squeeze %dma_wait3A_327 : memref<1x64xi32, #tpu.memory_space<hbm>> -> memref<64xi32, #tpu.memory_space<hbm>>
        tpu.wait_dma2 semaphore(%arg20 : memref<!tpu.dma_semaphore, #tpu.memory_space<semaphore_mem>>) src(%dma_wait3A_328 : memref<64xi32, #tpu.memory_space<hbm>>) dst(%dma_wait3A_325 : memref<64xi32, #tpu.memory_space<vmem>>)
        %dma_wait3A_329 = arith.constant 1 : i32
        %dma_wait3A_330 = arith.constant 1 : i32
        %dma_wait3A_331 = arith.constant 0 : i32
        %dma_wait3A_332 = tpu.memref_slice %arg16[%dma_wait3A_330, %dma_wait3A_331] : memref<2x64xi32, #tpu.memory_space<vmem>> -> memref<1x64xi32, #tpu.memory_space<vmem>>
        %dma_wait3A_333 = tpu.memref_squeeze %dma_wait3A_332 : memref<1x64xi32, #tpu.memory_space<vmem>> -> memref<64xi32, #tpu.memory_space<vmem>>
        %dma_wait3A_334 = arith.constant 0 : i32
        %dma_wait3A_335 = tpu.memref_slice %arg3[%dma_wait3A_329, %dma_wait3A_334] : memref<2x320000xi32, #tpu.memory_space<hbm>> -> memref<1x64xi32, #tpu.memory_space<hbm>>
        %dma_wait3A_336 = tpu.memref_squeeze %dma_wait3A_335 : memref<1x64xi32, #tpu.memory_space<hbm>> -> memref<64xi32, #tpu.memory_space<hbm>>
        %dma_wait3A_337 = arith.constant 0 : i32
        %dma_wait3A_338 = tpu.memref_slice %arg16[%dma_wait3A_330, %dma_wait3A_337] : memref<2x64xi32, #tpu.memory_space<vmem>> -> memref<1x64xi32, #tpu.memory_space<vmem>>
        %dma_wait3A_339 = tpu.memref_squeeze %dma_wait3A_338 : memref<1x64xi32, #tpu.memory_space<vmem>> -> memref<64xi32, #tpu.memory_space<vmem>>
        %dma_wait3A_340 = arith.constant 0 : i32
        %dma_wait3A_341 = tpu.memref_slice %arg3[%dma_wait3A_329, %dma_wait3A_340] : memref<2x320000xi32, #tpu.memory_space<hbm>> -> memref<1x64xi32, #tpu.memory_space<hbm>>
        %dma_wait3A_342 = tpu.memref_squeeze %dma_wait3A_341 : memref<1x64xi32, #tpu.memory_space<hbm>> -> memref<64xi32, #tpu.memory_space<hbm>>
        tpu.wait_dma2 semaphore(%arg20 : memref<!tpu.dma_semaphore, #tpu.memory_space<semaphore_mem>>) src(%dma_wait3A_342 : memref<64xi32, #tpu.memory_space<hbm>>) dst(%dma_wait3A_339 : memref<64xi32, #tpu.memory_space<vmem>>)
        %dma_start3A_343 = arith.constant 0 : i32
        %dma_start3A_344 = arith.constant 0 : i32
        %dma_start3A_345 = arith.constant 0 : i32
        %dma_start3A_346 = tpu.memref_slice %arg22[%dma_start3A_344, %dma_start3A_345] : memref<128x128xf32, #tpu.memory_space<vmem>> -> memref<64x128xf32, #tpu.memory_space<vmem>>
        %dma_start3A_347 = arith.constant 0 : i32
        %dma_start3A_348 = tpu.memref_slice %arg16[%dma_start3A_343, %dma_start3A_347] : memref<2x64xi32, #tpu.memory_space<vmem>> -> memref<1x64xi32, #tpu.memory_space<vmem>>
        %dma_start3A_349 = tpu.memref_squeeze %dma_start3A_348 : memref<1x64xi32, #tpu.memory_space<vmem>> -> memref<64xi32, #tpu.memory_space<vmem>>
        %dma_start3A_350 = arith.constant 0 : i32
        %dma_start3A_351 = arith.constant 0 : i32
        %dma_start3A_352 = tpu.memref_slice %arg27[%dma_start3A_350, %dma_start3A_351] : memref<10240x128xf32, #tpu.memory_space<vmem_shared>> -> memref<10240x128xf32, #tpu.memory_space<vmem_shared>>
        tpu.enqueue_indirect_dma source(%dma_start3A_346 : memref<64x128xf32, #tpu.memory_space<vmem>>) target(%dma_start3A_352 : memref<10240x128xf32, #tpu.memory_space<vmem_shared>>) offsets(%dma_start3A_349 : memref<64xi32, #tpu.memory_space<vmem>>) semaphore(%arg25 : memref<!tpu.dma_semaphore, #tpu.memory_space<semaphore_mem>>) {add = true}
        %dma_start3A_353 = arith.constant 1 : i32
        %dma_start3A_354 = arith.constant 64 : i32
        %dma_start3A_355 = arith.constant 0 : i32
        %dma_start3A_356 = tpu.memref_slice %arg22[%dma_start3A_354, %dma_start3A_355] : memref<128x128xf32, #tpu.memory_space<vmem>> -> memref<64x128xf32, #tpu.memory_space<vmem>>
        %dma_start3A_357 = arith.constant 0 : i32
        %dma_start3A_358 = tpu.memref_slice %arg16[%dma_start3A_353, %dma_start3A_357] : memref<2x64xi32, #tpu.memory_space<vmem>> -> memref<1x64xi32, #tpu.memory_space<vmem>>
        %dma_start3A_359 = tpu.memref_squeeze %dma_start3A_358 : memref<1x64xi32, #tpu.memory_space<vmem>> -> memref<64xi32, #tpu.memory_space<vmem>>
        %dma_start3A_360 = arith.constant 0 : i32
        %dma_start3A_361 = arith.constant 0 : i32
        %dma_start3A_362 = tpu.memref_slice %arg27[%dma_start3A_360, %dma_start3A_361] : memref<10240x128xf32, #tpu.memory_space<vmem_shared>> -> memref<10240x128xf32, #tpu.memory_space<vmem_shared>>
        tpu.enqueue_indirect_dma source(%dma_start3A_356 : memref<64x128xf32, #tpu.memory_space<vmem>>) target(%dma_start3A_362 : memref<10240x128xf32, #tpu.memory_space<vmem_shared>>) offsets(%dma_start3A_359 : memref<64xi32, #tpu.memory_space<vmem>>) semaphore(%arg26 : memref<!tpu.dma_semaphore, #tpu.memory_space<semaphore_mem>>) {add = true}
        %dma_wait3A_363 = arith.constant 0 : i32
        %dma_wait3A_364 = arith.constant 0 : i32
        %dma_wait3A_365 = arith.constant 0 : i32
        %dma_wait3A_366 = tpu.memref_slice %arg22[%dma_wait3A_364, %dma_wait3A_365] : memref<128x128xf32, #tpu.memory_space<vmem>> -> memref<64x128xf32, #tpu.memory_space<vmem>>
        %dma_wait3A_367 = arith.constant 0 : i32
        %dma_wait3A_368 = tpu.memref_slice %arg16[%dma_wait3A_363, %dma_wait3A_367] : memref<2x64xi32, #tpu.memory_space<vmem>> -> memref<1x64xi32, #tpu.memory_space<vmem>>
        %dma_wait3A_369 = tpu.memref_squeeze %dma_wait3A_368 : memref<1x64xi32, #tpu.memory_space<vmem>> -> memref<64xi32, #tpu.memory_space<vmem>>
        %dma_wait3A_370 = arith.constant 0 : i32
        %dma_wait3A_371 = arith.constant 0 : i32
        %dma_wait3A_372 = tpu.memref_slice %arg27[%dma_wait3A_370, %dma_wait3A_371] : memref<10240x128xf32, #tpu.memory_space<vmem_shared>> -> memref<10240x128xf32, #tpu.memory_space<vmem_shared>>
        tpu.wait_indirect_dma semaphore(%arg25 : memref<!tpu.dma_semaphore, #tpu.memory_space<semaphore_mem>>) src(%dma_wait3A_366 : memref<64x128xf32, #tpu.memory_space<vmem>>) dst(%dma_wait3A_372 : memref<10240x128xf32, #tpu.memory_space<vmem_shared>>)
        %dma_wait3A_373 = arith.constant 1 : i32
        %dma_wait3A_374 = arith.constant 64 : i32
        %dma_wait3A_375 = arith.constant 0 : i32
        %dma_wait3A_376 = tpu.memref_slice %arg22[%dma_wait3A_374, %dma_wait3A_375] : memref<128x128xf32, #tpu.memory_space<vmem>> -> memref<64x128xf32, #tpu.memory_space<vmem>>
        %dma_wait3A_377 = arith.constant 0 : i32
        %dma_wait3A_378 = tpu.memref_slice %arg16[%dma_wait3A_373, %dma_wait3A_377] : memref<2x64xi32, #tpu.memory_space<vmem>> -> memref<1x64xi32, #tpu.memory_space<vmem>>
        %dma_wait3A_379 = tpu.memref_squeeze %dma_wait3A_378 : memref<1x64xi32, #tpu.memory_space<vmem>> -> memref<64xi32, #tpu.memory_space<vmem>>
        %dma_wait3A_380 = arith.constant 0 : i32
        %dma_wait3A_381 = arith.constant 0 : i32
        %dma_wait3A_382 = tpu.memref_slice %arg27[%dma_wait3A_380, %dma_wait3A_381] : memref<10240x128xf32, #tpu.memory_space<vmem_shared>> -> memref<10240x128xf32, #tpu.memory_space<vmem_shared>>
        tpu.wait_indirect_dma semaphore(%arg26 : memref<!tpu.dma_semaphore, #tpu.memory_space<semaphore_mem>>) src(%dma_wait3A_376 : memref<64x128xf32, #tpu.memory_space<vmem>>) dst(%dma_wait3A_382 : memref<10240x128xf32, #tpu.memory_space<vmem_shared>>)
      } else {
      }
      %add3A_300 = arith.constant 4 : i32
      %add3A_301 = arith.addi %add3A_295, %add3A_300 : i32
      %lt3A_302 = arith.cmpi slt, %add3A_301, %add3A_4 : i32
      %convert_element_type3A_303 = arith.extui %lt3A_302 : i1 to i32
      %cond3A_304 = arith.constant 0 : i32
      %cond3A_305 = arith.cmpi ne, %convert_element_type3A_303, %cond3A_304 : i32
      scf.if %cond3A_305 {
        %add3A_312 = arith.constant 4 : i32
        %add3A_313 = arith.addi %add3A_295, %add3A_312 : i32
        %lt3A_314 = arith.constant 78 : i32
        %lt3A_315 = arith.cmpi slt, %add3A_313, %lt3A_314 : i32
        %mul3A_316 = arith.constant 78 : i32
        %mul3A_317 = arith.muli %add3A, %mul3A_316 : i32
        %add3A_318 = arith.addi %mul3A_317, %add3A_313 : i32
        %add3A_319 = arith.constant 2496 : i32
        %add3A_320 = arith.addi %add3A_319, %add3A : i32
        %select_n3A_321 = arith.select %lt3A_315, %add3A_318, %add3A_320 : i32
        %mul3A_322 = arith.constant 128 : i32
        %mul3A_323 = arith.muli %select_n3A_321, %mul3A_322 : i32
        %dma_start3A_324 = arith.constant 0 : i32
        %dma_start3A_325 = tpu.memref_slice %arg3[%dma_start3A_324, %mul3A_323] : memref<2x320000xi32, #tpu.memory_space<hbm>> -> memref<1x128xi32, #tpu.memory_space<hbm>>
        %dma_start3A_326 = tpu.memref_squeeze %dma_start3A_325 : memref<1x128xi32, #tpu.memory_space<hbm>> -> memref<128xi32, #tpu.memory_space<hbm>>
        %dma_start3A_327 = tpu.memref_slice %arg3[%dma_start3A_324, %mul3A_323] : memref<2x320000xi32, #tpu.memory_space<hbm>> -> memref<1x128xi32, #tpu.memory_space<hbm>>
        %dma_start3A_328 = tpu.memref_squeeze %dma_start3A_327 : memref<1x128xi32, #tpu.memory_space<hbm>> -> memref<128xi32, #tpu.memory_space<hbm>>
        tpu.enqueue_dma source(%dma_start3A_328 : memref<128xi32, #tpu.memory_space<hbm>>) target(%arg8 : memref<128xi32, #tpu.memory_space<vmem>>) target_semaphore(%arg12 : memref<!tpu.dma_semaphore, #tpu.memory_space<semaphore_mem>>)
        %mul3A_329 = arith.constant 128 : i32
        %mul3A_330 = arith.muli %select_n3A_321, %mul3A_329 : i32
        %dma_start3A_331 = arith.constant 1 : i32
        %dma_start3A_332 = arith.constant 0 : i32
        %dma_start3A_333 = arith.constant 0 : i32
        %dma_start3A_334 = tpu.memref_slice %arg16[%dma_start3A_332, %dma_start3A_333] : memref<2x64xi32, #tpu.memory_space<vmem>> -> memref<1x64xi32, #tpu.memory_space<vmem>>
        %dma_start3A_335 = tpu.memref_squeeze %dma_start3A_334 : memref<1x64xi32, #tpu.memory_space<vmem>> -> memref<64xi32, #tpu.memory_space<vmem>>
        %dma_start3A_336 = tpu.memref_slice %arg3[%dma_start3A_331, %mul3A_330] : memref<2x320000xi32, #tpu.memory_space<hbm>> -> memref<1x64xi32, #tpu.memory_space<hbm>>
        %dma_start3A_337 = tpu.memref_squeeze %dma_start3A_336 : memref<1x64xi32, #tpu.memory_space<hbm>> -> memref<64xi32, #tpu.memory_space<hbm>>
        %dma_start3A_338 = arith.constant 0 : i32
        %dma_start3A_339 = tpu.memref_slice %arg16[%dma_start3A_332, %dma_start3A_338] : memref<2x64xi32, #tpu.memory_space<vmem>> -> memref<1x64xi32, #tpu.memory_space<vmem>>
        %dma_start3A_340 = tpu.memref_squeeze %dma_start3A_339 : memref<1x64xi32, #tpu.memory_space<vmem>> -> memref<64xi32, #tpu.memory_space<vmem>>
        %dma_start3A_341 = tpu.memref_slice %arg3[%dma_start3A_331, %mul3A_330] : memref<2x320000xi32, #tpu.memory_space<hbm>> -> memref<1x64xi32, #tpu.memory_space<hbm>>
        %dma_start3A_342 = tpu.memref_squeeze %dma_start3A_341 : memref<1x64xi32, #tpu.memory_space<hbm>> -> memref<64xi32, #tpu.memory_space<hbm>>
        tpu.enqueue_dma source(%dma_start3A_342 : memref<64xi32, #tpu.memory_space<hbm>>) target(%dma_start3A_340 : memref<64xi32, #tpu.memory_space<vmem>>) target_semaphore(%arg20 : memref<!tpu.dma_semaphore, #tpu.memory_space<semaphore_mem>>)
        %mul3A_343 = arith.constant 128 : i32
        %mul3A_344 = arith.muli %select_n3A_321, %mul3A_343 : i32
        %add3A_345 = arith.constant 64 : i32
        %add3A_346 = arith.addi %mul3A_344, %add3A_345 : i32
        %dma_start3A_347 = arith.constant 1 : i32
        %dma_start3A_348 = arith.constant 1 : i32
        %dma_start3A_349 = arith.constant 0 : i32
        %dma_start3A_350 = tpu.memref_slice %arg16[%dma_start3A_348, %dma_start3A_349] : memref<2x64xi32, #tpu.memory_space<vmem>> -> memref<1x64xi32, #tpu.memory_space<vmem>>
        %dma_start3A_351 = tpu.memref_squeeze %dma_start3A_350 : memref<1x64xi32, #tpu.memory_space<vmem>> -> memref<64xi32, #tpu.memory_space<vmem>>
        %dma_start3A_352 = tpu.memref_slice %arg3[%dma_start3A_347, %add3A_346] : memref<2x320000xi32, #tpu.memory_space<hbm>> -> memref<1x64xi32, #tpu.memory_space<hbm>>
        %dma_start3A_353 = tpu.memref_squeeze %dma_start3A_352 : memref<1x64xi32, #tpu.memory_space<hbm>> -> memref<64xi32, #tpu.memory_space<hbm>>
        %dma_start3A_354 = arith.constant 0 : i32
        %dma_start3A_355 = tpu.memref_slice %arg16[%dma_start3A_348, %dma_start3A_354] : memref<2x64xi32, #tpu.memory_space<vmem>> -> memref<1x64xi32, #tpu.memory_space<vmem>>
        %dma_start3A_356 = tpu.memref_squeeze %dma_start3A_355 : memref<1x64xi32, #tpu.memory_space<vmem>> -> memref<64xi32, #tpu.memory_space<vmem>>
        %dma_start3A_357 = tpu.memref_slice %arg3[%dma_start3A_347, %add3A_346] : memref<2x320000xi32, #tpu.memory_space<hbm>> -> memref<1x64xi32, #tpu.memory_space<hbm>>
        %dma_start3A_358 = tpu.memref_squeeze %dma_start3A_357 : memref<1x64xi32, #tpu.memory_space<hbm>> -> memref<64xi32, #tpu.memory_space<hbm>>
        tpu.enqueue_dma source(%dma_start3A_358 : memref<64xi32, #tpu.memory_space<hbm>>) target(%dma_start3A_356 : memref<64xi32, #tpu.memory_space<vmem>>) target_semaphore(%arg20 : memref<!tpu.dma_semaphore, #tpu.memory_space<semaphore_mem>>)
      } else {
      }
      %add3A_306 = arith.constant 2 : i32
      %add3A_307 = arith.addi %add3A_295, %add3A_306 : i32
      %lt3A_308 = arith.cmpi slt, %add3A_307, %add3A_4 : i32
      %convert_element_type3A_309 = arith.extui %lt3A_308 : i1 to i32
      %cond3A_310 = arith.constant 0 : i32
      %cond3A_311 = arith.cmpi ne, %convert_element_type3A_309, %cond3A_310 : i32
      scf.if %cond3A_311 {
        %dma_wait3A_312 = arith.constant 0 : i32
        %dma_wait3A_313 = arith.constant 0 : i32
        %dma_wait3A_314 = tpu.memref_slice %arg3[%dma_wait3A_312, %dma_wait3A_313] : memref<2x320000xi32, #tpu.memory_space<hbm>> -> memref<1x128xi32, #tpu.memory_space<hbm>>
        %dma_wait3A_315 = tpu.memref_squeeze %dma_wait3A_314 : memref<1x128xi32, #tpu.memory_space<hbm>> -> memref<128xi32, #tpu.memory_space<hbm>>
        %dma_wait3A_316 = arith.constant 0 : i32
        %dma_wait3A_317 = tpu.memref_slice %arg3[%dma_wait3A_312, %dma_wait3A_316] : memref<2x320000xi32, #tpu.memory_space<hbm>> -> memref<1x128xi32, #tpu.memory_space<hbm>>
        %dma_wait3A_318 = tpu.memref_squeeze %dma_wait3A_317 : memref<1x128xi32, #tpu.memory_space<hbm>> -> memref<128xi32, #tpu.memory_space<hbm>>
        tpu.wait_dma2 semaphore(%arg10 : memref<!tpu.dma_semaphore, #tpu.memory_space<semaphore_mem>>) src(%dma_wait3A_318 : memref<128xi32, #tpu.memory_space<hbm>>) dst(%arg6 : memref<128xi32, #tpu.memory_space<vmem>>)
        %dma_start3A_319 = arith.constant 0 : i32
        %dma_start3A_320 = arith.constant 0 : i32
        %dma_start3A_321 = tpu.memref_slice %arg2[%dma_start3A_319, %dma_start3A_320] : memref<10000x128xf32, #tpu.memory_space<hbm>> -> memref<10000x128xf32, #tpu.memory_space<hbm>>
        tpu.enqueue_indirect_dma source(%dma_start3A_321 : memref<10000x128xf32, #tpu.memory_space<hbm>>) target(%arg22 : memref<128x128xf32, #tpu.memory_space<vmem>>) offsets(%arg6 : memref<128xi32, #tpu.memory_space<vmem>>) semaphore(%arg24 : memref<!tpu.dma_semaphore, #tpu.memory_space<semaphore_mem>>)
      } else {
      }
    }
    %scan3A_231 = arith.constant 20 : i32
    %barrier3A_232 = arith.constant 0 : index
    tpu.barrier barrier_id(%barrier3A_232)
    %mul3A_233 = arith.constant 640 : i32
    %mul3A_234 = arith.muli %arg1, %mul3A_233 : i32
    %mul3A_235 = arith.constant 640 : i32
    %mul3A_236 = arith.muli %arg1, %mul3A_235 : i32
    "tpu.region"() ({
      %run_scoped3A = tpu.sem_alloc : memref<!tpu.dma_semaphore, #tpu.memory_space<semaphore_mem>>
      %dma_start3A_237 = arith.constant 0 : i32
      %dma_start3A_238 = arith.constant 0 : i32
      %dma_start3A_239 = tpu.memref_slice %arg4[%arg0, %dma_start3A_237, %dma_start3A_238] : memref<2x10240x128xf32, #tpu.memory_space<hbm>> -> memref<1x10240x128xf32, #tpu.memory_space<hbm>>
      %dma_start3A_240 = tpu.memref_squeeze %dma_start3A_239 : memref<1x10240x128xf32, #tpu.memory_space<hbm>> -> memref<10240x128xf32, #tpu.memory_space<hbm>>
      %dma_start3A_241 = arith.constant 0 : i32
      %dma_start3A_242 = tpu.memref_slice %dma_start3A_240[%mul3A_236, %dma_start3A_241] : memref<10240x128xf32, #tpu.memory_space<hbm>> -> memref<640x128xf32, #tpu.memory_space<hbm>>
      %dma_start3A_243 = arith.constant 0 : i32
      %dma_start3A_244 = tpu.memref_slice %arg27[%mul3A_234, %dma_start3A_243] : memref<10240x128xf32, #tpu.memory_space<vmem_shared>> -> memref<640x128xf32, #tpu.memory_space<vmem_shared>>
      tpu.enqueue_dma source(%dma_start3A_244 : memref<640x128xf32, #tpu.memory_space<vmem_shared>>) target(%dma_start3A_242 : memref<640x128xf32, #tpu.memory_space<hbm>>) target_semaphore(%run_scoped3A : memref<!tpu.dma_semaphore, #tpu.memory_space<semaphore_mem>>)
      %dma_wait3A_245 = arith.constant 0 : i32
      %dma_wait3A_246 = arith.constant 0 : i32
      %dma_wait3A_247 = tpu.memref_slice %arg4[%arg0, %dma_wait3A_245, %dma_wait3A_246] : memref<2x10240x128xf32, #tpu.memory_space<hbm>> -> memref<1x10240x128xf32, #tpu.memory_space<hbm>>
      %dma_wait3A_248 = tpu.memref_squeeze %dma_wait3A_247 : memref<1x10240x128xf32, #tpu.memory_space<hbm>> -> memref<10240x128xf32, #tpu.memory_space<hbm>>
      %dma_wait3A_249 = arith.constant 0 : i32
      %dma_wait3A_250 = tpu.memref_slice %dma_wait3A_248[%mul3A_236, %dma_wait3A_249] : memref<10240x128xf32, #tpu.memory_space<hbm>> -> memref<640x128xf32, #tpu.memory_space<hbm>>
      %dma_wait3A_251 = arith.constant 0 : i32
      %dma_wait3A_252 = tpu.memref_slice %arg27[%mul3A_234, %dma_wait3A_251] : memref<10240x128xf32, #tpu.memory_space<vmem_shared>> -> memref<640x128xf32, #tpu.memory_space<vmem_shared>>
      tpu.wait_dma2 semaphore(%run_scoped3A : memref<!tpu.dma_semaphore, #tpu.memory_space<semaphore_mem>>) src(%dma_wait3A_252 : memref<640x128xf32, #tpu.memory_space<vmem_shared>>) dst(%dma_wait3A_250 : memref<640x128xf32, #tpu.memory_space<hbm>>)
      tpu.yield
    }) : () -> ()
    return
  }
}

module attributes {stable_mosaic.version = 14 : i64} {
  func.func @_postscale_body(%arg0: i32, %arg1: memref<2x1000x128xf32, #tpu.memory_space<vmem>>, %arg2: memref<1000x128xf32, #tpu.memory_space<vmem>>, %arg3: memref<1000x128xf32, #tpu.memory_space<vmem>>) attributes {dimension_semantics = [#tpu.dimension_semantics<arbitrary>], iteration_bounds = array<i64: 10>, scalar_prefetch = 0 : i64, scratch_operands = 0 : i64, tpu.core_type = #tpu.core_type<tc>, window_params = [{transform_indices = @transform_0, window_bounds = array<i64: 2, 1000, 128>}, {transform_indices = @transform_1, window_bounds = array<i64: 1000, 128>}, {transform_indices = @transform_2, window_bounds = array<i64: 1000, 128>}]} {
    %get3A = arith.constant 0 : index
    %get3A_0 = arith.constant 0 : index
    %get3A_1 = arith.constant 0 : index
    %get3A_2 = vector.load %arg1[%get3A, %get3A_0, %get3A_1] : memref<2x1000x128xf32, #tpu.memory_space<vmem>>, vector<1x1000x128xf32>
    %get3A_3 = vector.shape_cast %get3A_2 : vector<1x1000x128xf32> to vector<1000x128xf32>
    %get3A_4 = arith.constant 1 : index
    %get3A_5 = arith.constant 0 : index
    %get3A_6 = arith.constant 0 : index
    %get3A_7 = vector.load %arg1[%get3A_4, %get3A_5, %get3A_6] : memref<2x1000x128xf32, #tpu.memory_space<vmem>>, vector<1x1000x128xf32>
    %get3A_8 = vector.shape_cast %get3A_7 : vector<1x1000x128xf32> to vector<1000x128xf32>
    %add3A = arith.addf %get3A_3, %get3A_8 : vector<1000x128xf32>
    %get3A_9 = arith.constant 0 : index
    %get3A_10 = arith.constant 0 : index
    %get3A_11 = vector.load %arg2[%get3A_9, %get3A_10] : memref<1000x128xf32, #tpu.memory_space<vmem>>, vector<1000x128xf32>
    %mul3A = arith.mulf %add3A, %get3A_11 : vector<1000x128xf32>
    %swap3A = arith.constant 0 : index
    %swap3A_12 = arith.constant 0 : index
    %swap3A_13 = vector.load %arg3[%swap3A, %swap3A_12] : memref<1000x128xf32, #tpu.memory_space<vmem>>, vector<1000x128xf32>
    tpu.vector_store %arg3[%swap3A, %swap3A_12], %mul3A {strides = array<i32>} : memref<1000x128xf32, #tpu.memory_space<vmem>>, vector<1000x128xf32>,
    return
  }
  func.func @transform_0(%arg0: i32) -> (i32, i32, i32) {
    %c0_i32 = arith.constant 0 : i32
    %c0_i32_0 = arith.constant 0 : i32
    %c0_i32_1 = arith.constant 0 : i32
    return %c0_i32, %arg0, %c0_i32_0 : i32, i32, i32
  }
  func.func @transform_1(%arg0: i32) -> (i32, i32) {
    %c0_i32 = arith.constant 0 : i32
    %c0_i32_0 = arith.constant 0 : i32
    return %arg0, %c0_i32 : i32, i32
  }
  func.func @transform_2(%arg0: i32) -> (i32, i32) {
    %c0_i32 = arith.constant 0 : i32
    %c0_i32_0 = arith.constant 0 : i32
    return %arg0, %c0_i32 : i32, i32
  }
}

module attributes {stable_mosaic.version = 14 : i64} {
  func.func @_prescale_body(%arg0: i32, %arg1: memref<1000x128xf32, #tpu.memory_space<vmem>>, %arg2: memref<1000x128xf32, #tpu.memory_space<vmem>>, %arg3: memref<1000x128xf32, #tpu.memory_space<vmem>>) attributes {dimension_semantics = [#tpu.dimension_semantics<arbitrary>], iteration_bounds = array<i64: 10>, scalar_prefetch = 0 : i64, scratch_operands = 0 : i64, tpu.core_type = #tpu.core_type<tc>, window_params = [{transform_indices = @transform_0, window_bounds = array<i64: 1000, 128>}, {transform_indices = @transform_1, window_bounds = array<i64: 1000, 128>}, {transform_indices = @transform_2, window_bounds = array<i64: 1000, 128>}]} {
    %get3A = arith.constant 0 : index
    %get3A_0 = arith.constant 0 : index
    %get3A_1 = vector.load %arg1[%get3A, %get3A_0] : memref<1000x128xf32, #tpu.memory_space<vmem>>, vector<1000x128xf32>
    %get3A_2 = arith.constant 0 : index
    %get3A_3 = arith.constant 0 : index
    %get3A_4 = vector.load %arg2[%get3A_2, %get3A_3] : memref<1000x128xf32, #tpu.memory_space<vmem>>, vector<1000x128xf32>
    %mul3A = arith.mulf %get3A_1, %get3A_4 : vector<1000x128xf32>
    %swap3A = arith.constant 0 : index
    %swap3A_5 = arith.constant 0 : index
    %swap3A_6 = vector.load %arg3[%swap3A, %swap3A_5] : memref<1000x128xf32, #tpu.memory_space<vmem>>, vector<1000x128xf32>
    tpu.vector_store %arg3[%swap3A, %swap3A_5], %mul3A {strides = array<i32>} : memref<1000x128xf32, #tpu.memory_space<vmem>>, vector<1000x128xf32>,
    return
  }
  func.func @transform_0(%arg0: i32) -> (i32, i32) {
    %c0_i32 = arith.constant 0 : i32
    %c0_i32_0 = arith.constant 0 : i32
    return %arg0, %c0_i32 : i32, i32
  }
  func.func @transform_1(%arg0: i32) -> (i32, i32) {
    %c0_i32 = arith.constant 0 : i32
    %c0_i32_0 = arith.constant 0 : i32
    return %arg0, %c0_i32 : i32, i32
  }
  func.func @transform_2(%arg0: i32) -> (i32, i32) {
    %c0_i32 = arith.constant 0 : i32
    %c0_i32_0 = arith.constant 0 : i32
    return %arg0, %c0_i32 : i32, i32
  }
}

</mosaic_0001>

<sc_bundles>
// kernel: kernel.6.cloned.1.call-start
scs
__scs_entry_jumppad:
0x0: {  	(pc) =	sbr.rel $0x88, $3  }
0x1: {  	(tag) =	ssettag $0x0;
	lr =	simm.s32 $0x1  }
0x2: {  	[smem:$0x3F9F] =	sst lr;
	_ =	strace $0xD0000000  }
0x3: {  	_ = 	snop  }
0x4: {  	_ = 	snop  }
0x5: {  	_ = 	snop  }
0x6: {  	_ = 	snop  }
0x7: {  	_ = 	snop  }
__scs_overlays_trampoline_lowered:
0x8: {  	[smem:$0x3FAE] =	sst s0  }
0x9: {  	[smem:$0x3FAF] =	sst s1  }
0xa: {  	[smem:$0x3FB0] =	sst s2  }
0xb: {  	[smem:$0x3FB1] =	sst s3  }
0xc: {  	[smem:$0x3FB2] =	sst s4  }
0xd: {  	[smem:$0x3FB3] =	sst s5  }
0xe: {  	[smem:$0x3FB4] =	sst s6  }
0xf: {  	[smem:$0x3FB5] =	sst s7  }
0x10: {  	[smem:$0x3FB6] =	sst s8  }
0x11: {  	[smem:$0x3FB7] =	sst s9;
	s0 =	simm.s32 @!p0 $0x0  }
0x12: {  	s1 =	sld [smem:$0x3F9D];
	s0 =	simm.s32 @p0 $0x1  }
0x13: {  	[smem:$0x3FB8] =	sst s0;
	s0 =	simm.s32 @!p1 $0x0  }
0x14: {  	s2 =	sld [smem:$0x3F9C];
	s0 =	simm.s32 @p1 $0x1  }
0x15: {  	[smem:$0x3FB9] =	sst s0;
	s0 =	simm.s32 @!p2 $0x0  }
0x16: {  	s3 =	sld [smem:$0x3FDB];
	s0 =	simm.s32 @p2 $0x1  }
0x17: {  	s4 =	simm.s32 $0x1BF5;
	[smem:$0x3FBB] =	sst s0  }
0x18: {  	s0 =	sld [smem:$0x3F9E];
	_ =	swait.ge [sflag:s4], $0x0  }
0x19: {  	s7 =	sld [smem:$0x3F9F]  }
0x1a: {  	s8 =	sadd.s32 $0xFFFFE003, lr  }
0x1b: {  	s9 =	sadd.s32 $0xFFFFFEF7, lr;
	s5 =	simm.s32 $0xFFFFFFFF;
	p2 =	slt.u32 s8, $0xFFFFF086  }
0x1c: {  	p1 =	slt.u32 s9, $0xF7A;
	s5 =	simm.s32 @!p2 $0x0  }
0x1d: {  	s5 =	simm.s32 @p1 $0x1;
	p0 =	seq.s32 s7, s2  }
0x1e: {  	s7 =	smul.u32 @!p0 $0xF7A, s2;
	p2 =	seq.s32 @!p0 s5, $0x0  }
0x1f: {  	s9 =	smul.u32 $0xF7A, s1;
	s8 =	simm.s32 @!p0 $0x1BF5;
	p2 =	por !p2, p0  }
0x20: {  	[sflag:s8] =	ssyncset.s32 @!p0 $0xFFFFF086;
	s6 =	sadd.s32 @!p0 s3, s7;
	s7 =	simm.s32 @!p0 $0x108  }
0x21: {  	s3 =	sadd.s32 s3, s9;
	s6 =	sadd.s32 @!p0 $0x88, s6;
	s7 =	simm.s32 @p2 $0x1082  }
0x22: {  	[simem:s7], [sflag:s8] =	dma.local @!p0 [hbm:s6], $0xF7A  }
0x23: {  	s9 =	sor.u32 $0xD0000000, s2;
	s6 =	simm.s32 $0x108;
	_ =	swait.ge @!p0 [sflag:s8], $0x0  }
0x24: {  	s3 =	sadd.s32 $0x88, s3;
	s6 =	simm.s32 @!p1 $0x1082;
	[sflag:s4] =	ssyncset.s32 $0xFFFFF086  }
0x25: {  	[simem:s6], [sflag:s4] =	dma.local [hbm:s3], $0xF7A  }
0x26: {  	[smem:$0x3F9F] =	sst s1;
	(tag) =	ssettag s2;
	_ =	strace s9  }
0x27: {  	s1 =	sld [smem:$0x3FAF]  }
0x28: {  	s2 =	sld [smem:$0x3FB0]  }
0x29: {  	s4 =	sld [smem:$0x3FB2]  }
0x2a: {  	p0 =	seq.s32 s5, $0x0;
	s5 =	sld [smem:$0x3FB3]  }
0x2b: {  	s6 =	sld [smem:$0x3FB4]  }
0x2c: {  	s7 =	sld [smem:$0x3FB5]  }
0x2d: {  	s3 =	simm.s32 $0x108;
	s8 =	sld [smem:$0x3FB6]  }
0x2e: {  	s3 =	simm.s32 @!p0 $0x1082;
	s9 =	sld [smem:$0x3FB7]  }
0x2f: {  	lr =	sadd.s32 s0, s3;
	s0 =	sld [smem:$0x3FAE]  }
0x30: {  	s3 =	sld [smem:$0x3FB1]  }
0x31: {  	[smem:$0x3FBA] =	sst s10  }
0x32: {  	s10 =	sld [smem:$0x3FB8];
	_ =	sdelay $0x3  }
0x33: {  	p0 =	seq.s32 s10, $0x1;
	s10 =	sld [smem:$0x3FBA];
	_ =	sdelay $0x3  }
0x34: {  	[smem:$0x3FBA] =	sst s10  }
0x35: {  	s10 =	sld [smem:$0x3FB9];
	_ =	sdelay $0x3  }
0x36: {  	p1 =	seq.s32 s10, $0x1;
	s10 =	sld [smem:$0x3FBA];
	_ =	sdelay $0x3  }
0x37: {  	[smem:$0x3FBA] =	sst s10  }
0x38: {  	s10 =	sld [smem:$0x3FBB]  }
0x39: {  	_ = 	snop;
	(pc) =	sbr.ind lr, $3  }
0x3a: {  	_ = 	snop  }
0x3b: {  	_ = 	snop  }
0x3c: {  	p2 =	seq.s32 s10, $0x1;
	s10 =	sld [smem:$0x3FBA]  }
0x3d: {  	_ =	shalt  }
0x3e: {  	_ =	shalt  }
0x3f: {  	_ =	shalt  }
0x40: {  	_ =	shalt  }
0x41: {  	_ =	shalt  }
0x42: {  	_ =	shalt  }
0x43: {  	_ =	shalt  }
0x44: {  	_ =	shalt  }
0x45: {  	_ =	shalt  }
0x46: {  	_ =	shalt  }
0x47: {  	_ =	shalt  }
0x48: {  	_ =	shalt  }
0x49: {  	_ =	shalt  }
0x4a: {  	_ =	shalt  }
0x4b: {  	_ =	shalt  }
0x4c: {  	_ =	shalt  }
0x4d: {  	_ =	shalt  }
0x4e: {  	_ =	shalt  }
0x4f: {  	_ =	shalt  }
0x50: {  	_ =	shalt  }
0x51: {  	_ =	shalt  }
0x52: {  	_ =	shalt  }
0x53: {  	_ =	shalt  }
0x54: {  	_ =	shalt  }
0x55: {  	_ =	shalt  }
0x56: {  	_ =	shalt  }
0x57: {  	_ =	shalt  }
0x58: {  	_ =	shalt  }
0x59: {  	_ =	shalt  }
0x5a: {  	_ =	shalt  }
0x5b: {  	_ =	shalt  }
0x5c: {  	_ =	shalt  }
0x5d: {  	_ =	shalt  }
0x5e: {  	_ =	shalt  }
0x5f: {  	_ =	shalt  }
0x60: {  	_ =	shalt  }
0x61: {  	_ =	shalt  }
0x62: {  	_ =	shalt  }
0x63: {  	_ =	shalt  }
0x64: {  	_ =	shalt  }
0x65: {  	_ =	shalt  }
0x66: {  	_ =	shalt  }
0x67: {  	_ =	shalt  }
0x68: {  	_ =	shalt  }
0x69: {  	_ =	shalt  }
0x6a: {  	_ =	shalt  }
0x6b: {  	_ =	shalt  }
0x6c: {  	_ =	shalt  }
0x6d: {  	_ =	shalt  }
0x6e: {  	_ =	shalt  }
0x6f: {  	_ =	shalt  }
0x70: {  	_ =	shalt  }
0x71: {  	_ =	shalt  }
0x72: {  	_ =	shalt  }
0x73: {  	_ =	shalt  }
0x74: {  	_ =	shalt  }
0x75: {  	_ =	shalt  }
0x76: {  	_ =	shalt  }
0x77: {  	_ =	shalt  }
0x78: {  	_ =	shalt  }
0x79: {  	_ =	shalt  }
0x7a: {  	_ =	shalt  }
0x7b: {  	_ =	shalt  }
0x7c: {  	_ =	shalt  }
0x7d: {  	_ =	shalt  }
0x7e: {  	_ =	shalt  }
0x7f: {  	_ =	shalt  }
0x80: {  	_ =	shalt  }
0x81: {  	_ =	shalt  }
0x82: {  	_ =	shalt  }
0x83: {  	_ =	shalt  }
0x84: {  	_ =	shalt  }
0x85: {  	_ =	shalt  }
0x86: {  	_ =	shalt  }
0x87: {  	_ =	shalt  }
.Lfunc_end0:
.L_simem_size_0:
called_computation_lowered:
.L_overlay_start_0:
0x88: {  	s2 =	sld [smem:$0x3FD9]  }
0x89: {  	s3 =	sld [smem:$0x3FFE];
	_ =	sdelay $0x1  }
0x8a: {  	s1 =	srdreg.scid  }
0x8b: {  	s0 =	sand.u32 $0x1, s1  }
0x8c: {  	s17 =	sshll.u32 s0, $0xA;
	s2 =	sadd.s32 s3, s2  }
0x8d: {  	s2 =	sadd.s32 s2, s17  }
0x8e: {  	[smem:$0x3FC6] =	sst s2  }
0x8f: {  	_ = 	snop  }
0x90: {  	s2 =	sld [smem:$0x3FD0];
	(tm) =	ssettm $0x1  }
0x91: {  	s18 =	sld [smem:$0x3FFB];
	_ =	sdelay $0x3  }
0x92: {  	_ =	strace s18  }
0x93: {  	s3 =	sld [smem:$0x3FFC];
	_ =	sdelay $0x3  }
0x94: {  	_ =	strace s3  }
0x95: {  	s3 =	sld [smem:$0x3FFD];
	_ =	sdelay $0x3  }
0x96: {  	_ =	strace s3  }
0x97: {  	_ =	strace $0x8FFFFFFF  }
0x98: {  	s19 =	sld [smem:$0x3FDB];
	_ =	sdelay $0x1  }
0x99: {  	s4 =	simm.s32 $_scs_section_size  }
0x9a: {  	s5 =	simm.s32 $_size__tile_overlayer_lowered;
	s6 =	simm.s32 $_tile_overlayer_lowered  }
0x9b: {  	s22 =	simm.s32 $0x1BFF;
	s21 =	sshll.u32 s6, $0x1;
	s3 =	sadd.s32 s4, s19  }
0x9c: {  	s7 =	simm.s32 $0x0;
	s20 =	sshll.u32 s5, $0x1;
	s5 =	sadd.s32 s21, s3  }
0x9d: {  	[timem:s7], [sflag:s22] =	dma.local [hbm:s5], s20  }
0x9e: {  	_ =	swait.ge [sflag:s22], s20  }
0x9f: {  	s4 =	ssub.s32 $0x0, s20;
	[sflag:s22] =	ssyncset.done $0x0  }
0xa0: {  	[sflag:s22] =	ssyncadd.s32 s4;
	_ =	sdelay $0x1  }
0xa1: {  	s23 =	simm.s32 $0x1B8B  }
0xa2: {  	_ =	swait.ge [sflag:s23], $0x1  }
0xa3: {  	[sflag:s23] =	ssyncset.done $0x0  }
0xa4: {  	s25 =	simm.s32 $0x1B8E;
	s24 =	sld [smem:$0x3FFE];
	[sflag:s23] =	ssyncadd.s32 $0xFFFFFFFF  }
0xa5: {  	s26 =	simm.s32 $execute0_lowered;
	[smem:$0x3FD2] =	sst s25  }
0xa6: {  	s5 =	sshll.u32 s26, $0x1;
	_ =	strace $0x80000046;
	[dreg:$0x1] =	wrdreg $0xFFFFFFFF  }
0xa7: {  	s28 =	simm.s32 $_size_execute0_lowered;
	s3 =	sadd.s32 s3, s5;
	[dreg:$0x0] =	wrdreg $0x0  }
0xa8: {  	s5 =	sshll.u32 s28, $0x1;
	[dreg:$0x2] =	wrdreg s3  }
0xa9: {  	[dreg:$0x3] =	wrdreg s5  }
0xaa: {  	[dreg:$0x4] =	wrdreg $0xC0  }
0xab: {  	_ =	task [dreg:s7], $0x5FFFF  }
0xac: {  	[dreg:$0x1] =	wrdreg $0xFFFFFFFF  }
0xad: {  	[dreg:$0x0] =	wrdreg $0x60  }
0xae: {  	[dreg:$0x2] =	wrdreg s2  }
0xaf: {  	[dreg:$0x3] =	wrdreg s24  }
0xb0: {  	[dreg:$0x4] =	wrdreg $0xF4000  }
0xb1: {  	[dreg:$0x5] =	wrdreg $0x9  }
0xb2: {  	_ =	task.clear_ibuf [dreg:s7], $0x6FFFF;
	_ =	strace $0x90000046  }
0xb3: {  	s29 =	simm.s32 $0x9;
	_ =	strace $0x80000048  }
0xb4: {  	_ =	swait.ge [sflag:s29], $0x1  }
0xb5: {  	[sflag:s29] =	ssyncadd.s32 $0xFFFFFFFF  }
0xb6: {  	_ =	strace $0x90000048  }
0xb7: {  	_ =	sfence  }
0xb8: {  	s30 =	sld [smem:$0x0];
	_ =	sdelay $0x2  }
0xb9: {  	s31 =	sshll.u32 s1, $0xD;
	s1 =	sshrl.u32 s1, $0x2  }
0xba: {  	s3 =	sand.u32 $0x4000, s31;
	s1 =	sadd.s32 s1, s30  }
0xbb: {  	s0 =	sor.u32 s3, s0;
	s1 =	sshll.u32 s1, $0x11  }
0xbc: {  	s0 =	sor.u32 s1, s0  }
0xbd: {  	s0 =	sadd.s32 $0x8F2B, s0  }
0xbe: {  	[sflag:s0] =	ssyncadd.remote.s32 $0x1  }
0xbf: {  	_ =	sfence.sel $0xFFFF  }
0xc0: {  	[dreg:$0x0] =	wrdreg $0xFFFFFFFF;
	(pc) =	sbr.abs _section_cstart, $3  }
0xc1: {  	[dreg:$0x1] =	wrdreg $0xFFFFFFFF  }
0xc2: {  	_ =	task.clear_ibuf [dreg:s7], $0x2FFFF;
	_ =	strace $0x9FFFFFFF  }
0xc3: {  	(tm) =	ssettm $0x7FFFFFFF  }
tec
execute0_lowered:
.L_overlay_start_1:
0x0: {  	(tag) =	ssettag $0x1  }
0x1: {  	s5 =	rddreg [dreg:$0x0]  }
0x2: {  	s4 =	rddreg [dreg:$0x1];
	s0 =	srdreg.scid  }
0x3: {  	s2 =	rddreg [dreg:$0x2];
	s1 =	stileid.u32  }
0x4: {  	s3 =	simm.s32 $0x0;
	s13 =	simm.s32 $0x1;
	s14 =	simm.s32 $0x5280  }
0x5: {  	s15 =	simm.s32 $0x5400;
	s6 =	sand.u32 $0x1, s0;
	s0 =	rddreg [dreg:$0x3]  }
0x6: {  	s16 =	simm.s32 $0x0;
	s8 =	smul.u32 $0x140, s1;
	[smem:$0x7FF] =	sst s3  }
0x7: {  	s11 =	smul.u32 $0xA00, s1;
	s12 =	sadd.s32 $0x9C80, s5;
	p0 =	seq.s32 s1, $0xF  }
0x8: {  	s7 =	smul.u32 $0x1400, s6;
	s6 =	ssub.s32 $0x2, s6;
	_ =	strace $0x80000047  }
0x9: {  	s10 =	sadd.s32 @p0 $0x9600, s12;
	s9 =	sshrl.u32 s6, $0x1;
	s31 =	sshrl.u32 s11, $0x2  }
0xa: {  	s11 =	sadd.s32 @!p0 s11, s12;
	s12 =	simm.s32 $0x80;
	s7 =	sadd.s32 s8, s7  }
0xb: {  	s9 =	ssub.s32 s6, s9;
	s8 =	sshll.u32 s7, $0x4;
	s5 =	sadd.s32 s7, s2  }
0xc: {  	s7 =	smax.u32 s9, $0x1;
	s9 =	simm.s32 $0x2;
	s8 =	sadd.s32 s8, s4  }
0xd: {  	v0 =	vimm.f32 $0.0e+00;
	v1 =	vimm.f32 $1.000000000e+00;
	s4 =	sadd.s32 s31, s2;
	s6 =	sadd.s32 $0x1600, s8;
	s8 =	simm.s32 $0x5000  }
.LBB2_1:
0xe: {  	[tilespmem:$0x5000] =	vst v0  }
0xf: {  	[tilespmem:$0x5010] =	vst v0  }
0x10: {  	[tilespmem:$0x5020] =	vst v0  }
0x11: {  	[tilespmem:$0x5030] =	vst v0  }
0x12: {  	[tilespmem:$0x5040] =	vst v0  }
0x13: {  	[tilespmem:$0x5050] =	vst v0  }
0x14: {  	[tilespmem:$0x5060] =	vst v0  }
0x15: {  	[tilespmem:$0x5070] =	vst v0  }
0x16: {  	[tilespmem:$0x5080] =	vst v0  }
0x17: {  	[tilespmem:$0x5090] =	vst v0  }
0x18: {  	[tilespmem:$0x50A0] =	vst v0  }
0x19: {  	[tilespmem:$0x50B0] =	vst v0  }
0x1a: {  	[tilespmem:$0x50C0] =	vst v0  }
0x1b: {  	[tilespmem:$0x50D0] =	vst v0  }
0x1c: {  	[tilespmem:$0x50E0] =	vst v0  }
0x1d: {  	[tilespmem:$0x50F0] =	vst v0  }
0x1e: {  	[tilespmem:$0x5100] =	vst v0  }
0x1f: {  	[tilespmem:$0x5110] =	vst v0  }
0x20: {  	[tilespmem:$0x5120] =	vst v0  }
0x21: {  	[tilespmem:$0x5130] =	vst v0  }
0x22: {  	[tilespmem:$0x5140] =	vst v0  }
0x23: {  	[tilespmem:$0x5150] =	vst v0  }
0x24: {  	[tilespmem:$0x5160] =	vst v0  }
0x25: {  	[tilespmem:$0x5170] =	vst v0  }
0x26: {  	[tilespmem:$0x5180] =	vst v0  }
0x27: {  	[tilespmem:$0x5190] =	vst v0  }
0x28: {  	[tilespmem:$0x51A0] =	vst v0  }
0x29: {  	[tilespmem:$0x51B0] =	vst v0  }
0x2a: {  	[tilespmem:$0x51C0] =	vst v0  }
0x2b: {  	[tilespmem:$0x51D0] =	vst v0  }
0x2c: {  	[tilespmem:$0x51E0] =	vst v0  }
0x2d: {  	[tilespmem:$0x51F0] =	vst v0  }
0x2e: {  	[tilespmem:$0x5200] =	vst v0  }
0x2f: {  	[tilespmem:$0x5210] =	vst v0  }
0x30: {  	[tilespmem:$0x5220] =	vst v0  }
0x31: {  	[tilespmem:$0x5230] =	vst v0  }
0x32: {  	[tilespmem:$0x5240] =	vst v0  }
0x33: {  	[tilespmem:$0x5250] =	vst v0  }
0x34: {  	[tilespmem:$0x5260] =	vst v0  }
0x35: {  	[tilespmem:$0x5270] =	vst v0  }
0x36: {  	[spmem:s4] =	stream.linear.scatter [tilespmem:s8], [sflag:$0x2], $0x280, $0x38;
	[tilespmem:$0xF680] =	vst v63  }
0x37: {  	_ =	swait.ge [sflag:s9], $0x280  }
0x38: {  	[sflag:s9] =	ssyncset.done $0x0  }
0x39: {  	[sflag:s9] =	ssyncadd.s32 $0xFFFFFD80  }
0x3a: {  	[tilespmem:$0x5000] =	vst v1  }
0x3b: {  	[tilespmem:$0x5010] =	vst v1  }
0x3c: {  	[tilespmem:$0x5020] =	vst v1  }
0x3d: {  	[tilespmem:$0x5030] =	vst v1  }
0x3e: {  	[tilespmem:$0x5040] =	vst v1  }
0x3f: {  	[tilespmem:$0x5050] =	vst v1  }
0x40: {  	[tilespmem:$0x5060] =	vst v1  }
0x41: {  	s17 =	simm.s32 @p0 $0x0;
	[tilespmem:$0x5070] =	vst v1  }
0x42: {  	[tilespmem:s17], [sflag:$0x2] =	stream.linear.gather @p0 [hbm4b:s10+s17], $0x3200, $0x38;
	[tilespmem:$0xF680] =	vst v63  }
0x43: {  	s17 =	simm.s32 @p0 $0x2  }
0x44: {  	_ =	swait.ge @p0 [sflag:s17], $0x3200  }
0x45: {  	[sflag:s17] =	ssyncset.done @p0 $0x0  }
0x46: {  	[sflag:s17] =	ssyncadd.s32 @p0 $0xFFFFCE00;
	s17 =	simm.s32 @!p0 $0x0  }
0x47: {  	[tilespmem:s17], [sflag:$0x2] =	stream.linear.gather @!p0 [hbm4b:s11+s17], $0x5000, $0x38;
	[tilespmem:$0xF680] =	vst v63  }
0x48: {  	s17 =	simm.s32 @!p0 $0x10  }
0x49: {  	s17 =	simm.s32 @p0 $0xA  }
0x4a: {  	s17 =	smul.u32 $0x1400, s17;
	_ =	sdelay $0x1  }
0x4b: {  	s18 =	simm.s32 @!p0 $0x2;
	p2 =	sne.s32 s17, $0x1400  }
.Ltmp0:
0x4c: {  	_ =	swait.ge @!p0 [sflag:s18], $0x5000;
	(pc) =	sbr.rel @!p2 .LBB2_6-.Ltmp0, $4  }
0x4d: {  	[sflag:s18] =	ssyncset.done @!p0 $0x0  }
0x4e: {  	[sflag:s18] =	ssyncadd.s32 @!p0 $0xFFFFB000  }
0x4f: {  	[bflag:$0x0] =	sbarrier.arrive $0xFFFF  }
0x50: {  	p1 =	por $0x0, $0x0;
	s19 =	simm.s32 $0x0;
	s18 =	simm.s32 $0x1400  }
0x51: {  	s19 =	simm.s32 $0x0  }
0x52: {  	[spmem:s2] =	stream.indirect.scatter.add.f32 [tilespmem:s8], [sflag:$0x1], $0x1, s19, s12, $0xb8;
	[tilespmem:$0xF680] =	vst v63  }
0x53: {  	s22 =	simm.s32 $0x80  }
0x54: {  	[spmem:s2] =	stream.indirect.scatter.add.f32 [tilespmem:s8], [sflag:$0x1], $0x1, s22, s12, $0xb8;
	[tilespmem:$0xF680] =	vst v63  }
0x55: {  	s23 =	simm.s32 $0x100  }
0x56: {  	[spmem:s2] =	stream.indirect.scatter.add.f32 [tilespmem:s8], [sflag:$0x1], $0x1, s23, s12, $0xb8;
	[tilespmem:$0xF680] =	vst v63  }
0x57: {  	s24 =	simm.s32 $0x180  }
0x58: {  	[spmem:s2] =	stream.indirect.scatter.add.f32 [tilespmem:s8], [sflag:$0x1], $0x1, s24, s12, $0xb8;
	[tilespmem:$0xF680] =	vst v63  }
0x59: {  	s25 =	simm.s32 $0x200  }
0x5a: {  	[spmem:s2] =	stream.indirect.scatter.add.f32 [tilespmem:s8], [sflag:$0x1], $0x1, s25, s12, $0xb8;
	[tilespmem:$0xF680] =	vst v63  }
0x5b: {  	s26 =	simm.s32 $0x280  }
0x5c: {  	[spmem:s2] =	stream.indirect.scatter.add.f32 [tilespmem:s8], [sflag:$0x1], $0x1, s26, s12, $0xb8;
	[tilespmem:$0xF680] =	vst v63  }
0x5d: {  	s28 =	simm.s32 $0x300  }
0x5e: {  	[spmem:s2] =	stream.indirect.scatter.add.f32 [tilespmem:s8], [sflag:$0x1], $0x1, s28, s12, $0xb8;
	[tilespmem:$0xF680] =	vst v63  }
0x5f: {  	s29 =	simm.s32 $0x380  }
0x60: {  	[spmem:s2] =	stream.indirect.scatter.add.f32 [tilespmem:s8], [sflag:$0x1], $0x1, s29, s12, $0xb8;
	[tilespmem:$0xF680] =	vst v63  }
0x61: {  	s30 =	simm.s32 $0x400  }
0x62: {  	[spmem:s2] =	stream.indirect.scatter.add.f32 [tilespmem:s8], [sflag:$0x1], $0x1, s30, s12, $0xb8;
	[tilespmem:$0xF680] =	vst v63  }
0x63: {  	s31 =	simm.s32 $0x480  }
0x64: {  	[spmem:s2] =	stream.indirect.scatter.add.f32 [tilespmem:s8], [sflag:$0x1], $0x1, s31, s12, $0xb8;
	[tilespmem:$0xF680] =	vst v63  }
0x65: {  	_ =	swait.ge [sflag:s13], $0x80  }
0x66: {  	[sflag:s13] =	ssyncset.done $0x0  }
0x67: {  	[sflag:s13] =	ssyncadd.s32 $0xFFFFFF80  }
0x68: {  	_ =	swait.ge [sflag:s13], $0x80  }
0x69: {  	[sflag:s13] =	ssyncset.done $0x0  }
0x6a: {  	[sflag:s13] =	ssyncadd.s32 $0xFFFFFF80  }
0x6b: {  	_ =	swait.ge [sflag:s13], $0x80  }
0x6c: {  	[sflag:s13] =	ssyncset.done $0x0  }
0x6d: {  	[sflag:s13] =	ssyncadd.s32 $0xFFFFFF80  }
0x6e: {  	_ =	swait.ge [sflag:s13], $0x80  }
0x6f: {  	[sflag:s13] =	ssyncset.done $0x0  }
0x70: {  	[sflag:s13] =	ssyncadd.s32 $0xFFFFFF80  }
0x71: {  	_ =	swait.ge [sflag:s13], $0x80  }
0x72: {  	[sflag:s13] =	ssyncset.done $0x0  }
0x73: {  	[sflag:s13] =	ssyncadd.s32 $0xFFFFFF80  }
0x74: {  	_ =	swait.ge [sflag:s13], $0x80  }
0x75: {  	[sflag:s13] =	ssyncset.done $0x0  }
0x76: {  	[sflag:s13] =	ssyncadd.s32 $0xFFFFFF80  }
0x77: {  	_ =	swait.ge [sflag:s13], $0x80  }
0x78: {  	[sflag:s13] =	ssyncset.done $0x0  }
0x79: {  	[sflag:s13] =	ssyncadd.s32 $0xFFFFFF80  }
0x7a: {  	_ =	swait.ge [sflag:s13], $0x80  }
0x7b: {  	[sflag:s13] =	ssyncset.done $0x0  }
0x7c: {  	p2 =	sne.s32 s17, $0x2800;
	[sflag:s13] =	ssyncadd.s32 $0xFFFFFF80  }
.Ltmp1:
0x7d: {  	_ =	swait.ge [sflag:s13], $0x80;
	(pc) =	sbr.rel @!p2 .LBB2_3-.Ltmp1, $4  }
0x7e: {  	[sflag:s13] =	ssyncset.done $0x0  }
0x7f: {  	[sflag:s13] =	ssyncadd.s32 $0xFFFFFF80  }
0x80: {  	_ =	swait.ge [sflag:s13], $0x80  }
0x81: {  	p1 =	por $0x1, $0x1;
	s19 =	simm.s32 $0x2800;
	[sflag:s13] =	ssyncset.done $0x0  }
.LBB2_4:
0x82: {  	s20 =	sshra.s32 s18, $0x2  }
0x83: {  	[sflag:s13] =	ssyncadd.s32 $0xFFFFFF80;
	s18 =	smov.u32 s19;
	s19 =	sadd.s32 $0x1400, s19  }
0x84: {  	[spmem:s2] =	stream.indirect.scatter.add.f32 [tilespmem:s8], [sflag:$0x1], $0x1, s20, s12, $0xb8;
	[tilespmem:$0xF680] =	vst v63  }
0x85: {  	p2 =	sne.s32 s17, s19;
	s21 =	sadd.s32 $0x80, s20  }
0x86: {  	[spmem:s2] =	stream.indirect.scatter.add.f32 [tilespmem:s8], [sflag:$0x1], $0x1, s21, s12, $0xb8;
	[tilespmem:$0xF680] =	vst v63  }
0x87: {  	s21 =	sadd.s32 $0x100, s20  }
0x88: {  	[spmem:s2] =	stream.indirect.scatter.add.f32 [tilespmem:s8], [sflag:$0x1], $0x1, s21, s12, $0xb8;
	[tilespmem:$0xF680] =	vst v63  }
0x89: {  	s21 =	sadd.s32 $0x180, s20  }
0x8a: {  	[spmem:s2] =	stream.indirect.scatter.add.f32 [tilespmem:s8], [sflag:$0x1], $0x1, s21, s12, $0xb8;
	[tilespmem:$0xF680] =	vst v63  }
0x8b: {  	s21 =	sadd.s32 $0x200, s20  }
0x8c: {  	[spmem:s2] =	stream.indirect.scatter.add.f32 [tilespmem:s8], [sflag:$0x1], $0x1, s21, s12, $0xb8;
	[tilespmem:$0xF680] =	vst v63  }
0x8d: {  	s21 =	sadd.s32 $0x280, s20  }
0x8e: {  	[spmem:s2] =	stream.indirect.scatter.add.f32 [tilespmem:s8], [sflag:$0x1], $0x1, s21, s12, $0xb8;
	[tilespmem:$0xF680] =	vst v63  }
0x8f: {  	s21 =	sadd.s32 $0x300, s20  }
0x90: {  	[spmem:s2] =	stream.indirect.scatter.add.f32 [tilespmem:s8], [sflag:$0x1], $0x1, s21, s12, $0xb8;
	[tilespmem:$0xF680] =	vst v63  }
0x91: {  	s21 =	sadd.s32 $0x380, s20  }
0x92: {  	[spmem:s2] =	stream.indirect.scatter.add.f32 [tilespmem:s8], [sflag:$0x1], $0x1, s21, s12, $0xb8;
	[tilespmem:$0xF680] =	vst v63  }
0x93: {  	s21 =	sadd.s32 $0x400, s20  }
0x94: {  	[spmem:s2] =	stream.indirect.scatter.add.f32 [tilespmem:s8], [sflag:$0x1], $0x1, s21, s12, $0xb8;
	[tilespmem:$0xF680] =	vst v63  }
0x95: {  	s20 =	sadd.s32 $0x480, s20  }
0x96: {  	[spmem:s2] =	stream.indirect.scatter.add.f32 [tilespmem:s8], [sflag:$0x1], $0x1, s20, s12, $0xb8;
	[tilespmem:$0xF680] =	vst v63  }
0x97: {  	_ =	swait.ge [sflag:s13], $0x80  }
0x98: {  	[sflag:s13] =	ssyncset.done $0x0  }
0x99: {  	[sflag:s13] =	ssyncadd.s32 $0xFFFFFF80  }
0x9a: {  	_ =	swait.ge [sflag:s13], $0x80  }
0x9b: {  	[sflag:s13] =	ssyncset.done $0x0  }
0x9c: {  	[sflag:s13] =	ssyncadd.s32 $0xFFFFFF80  }
0x9d: {  	_ =	swait.ge [sflag:s13], $0x80  }
0x9e: {  	[sflag:s13] =	ssyncset.done $0x0  }
0x9f: {  	[sflag:s13] =	ssyncadd.s32 $0xFFFFFF80  }
0xa0: {  	_ =	swait.ge [sflag:s13], $0x80  }
0xa1: {  	[sflag:s13] =	ssyncset.done $0x0  }
0xa2: {  	[sflag:s13] =	ssyncadd.s32 $0xFFFFFF80  }
0xa3: {  	_ =	swait.ge [sflag:s13], $0x80  }
0xa4: {  	[sflag:s13] =	ssyncset.done $0x0  }
0xa5: {  	[sflag:s13] =	ssyncadd.s32 $0xFFFFFF80  }
0xa6: {  	_ =	swait.ge [sflag:s13], $0x80  }
0xa7: {  	[sflag:s13] =	ssyncset.done $0x0  }
0xa8: {  	[sflag:s13] =	ssyncadd.s32 $0xFFFFFF80  }
0xa9: {  	_ =	swait.ge [sflag:s13], $0x80  }
0xaa: {  	[sflag:s13] =	ssyncset.done $0x0  }
0xab: {  	[sflag:s13] =	ssyncadd.s32 $0xFFFFFF80  }
0xac: {  	_ =	swait.ge [sflag:s13], $0x80  }
0xad: {  	[sflag:s13] =	ssyncset.done $0x0  }
0xae: {  	[sflag:s13] =	ssyncadd.s32 $0xFFFFFF80  }
.Ltmp2:
0xaf: {  	_ =	swait.ge [sflag:s13], $0x80;
	(pc) =	sbr.rel @p2 .LBB2_4-.Ltmp2, $4  }
0xb0: {  	[sflag:s13] =	ssyncset.done $0x0  }
0xb1: {  	[sflag:s13] =	ssyncadd.s32 $0xFFFFFF80  }
0xb2: {  	_ =	swait.ge [sflag:s13], $0x80  }
0xb3: {  	[sflag:s13] =	ssyncset.done $0x0  }
0xb4: {  	s19 =	smov.u32 s18  }
.LBB2_6:
0xb5: {  	s17 =	sshra.s32 s19, $0x2;
	[sflag:s13] =	ssyncadd.s32 @p1 $0xFFFFFF80  }
0xb6: {  	[spmem:s2] =	stream.indirect.scatter.add.f32 [tilespmem:s8], [sflag:$0x1], $0x1, s17, s12, $0xb8;
	[tilespmem:$0xF680] =	vst v63  }
0xb7: {  	s18 =	sadd.s32 $0x80, s17  }
0xb8: {  	[spmem:s2] =	stream.indirect.scatter.add.f32 [tilespmem:s8], [sflag:$0x1], $0x1, s18, s12, $0xb8;
	[tilespmem:$0xF680] =	vst v63  }
0xb9: {  	s24 =	sadd.s32 $0x100, s17  }
0xba: {  	[spmem:s2] =	stream.indirect.scatter.add.f32 [tilespmem:s8], [sflag:$0x1], $0x1, s24, s12, $0xb8;
	[tilespmem:$0xF680] =	vst v63  }
0xbb: {  	s25 =	sadd.s32 $0x180, s17  }
0xbc: {  	[spmem:s2] =	stream.indirect.scatter.add.f32 [tilespmem:s8], [sflag:$0x1], $0x1, s25, s12, $0xb8;
	[tilespmem:$0xF680] =	vst v63  }
0xbd: {  	s26 =	sadd.s32 $0x200, s17  }
0xbe: {  	[spmem:s2] =	stream.indirect.scatter.add.f32 [tilespmem:s8], [sflag:$0x1], $0x1, s26, s12, $0xb8;
	[tilespmem:$0xF680] =	vst v63  }
0xbf: {  	s28 =	sadd.s32 $0x280, s17  }
0xc0: {  	[spmem:s2] =	stream.indirect.scatter.add.f32 [tilespmem:s8], [sflag:$0x1], $0x1, s28, s12, $0xb8;
	[tilespmem:$0xF680] =	vst v63  }
0xc1: {  	s29 =	sadd.s32 $0x300, s17  }
0xc2: {  	[spmem:s2] =	stream.indirect.scatter.add.f32 [tilespmem:s8], [sflag:$0x1], $0x1, s29, s12, $0xb8;
	[tilespmem:$0xF680] =	vst v63  }
0xc3: {  	s30 =	sadd.s32 $0x380, s17  }
0xc4: {  	[spmem:s2] =	stream.indirect.scatter.add.f32 [tilespmem:s8], [sflag:$0x1], $0x1, s30, s12, $0xb8;
	[tilespmem:$0xF680] =	vst v63  }
0xc5: {  	s31 =	sadd.s32 $0x400, s17  }
0xc6: {  	[spmem:s2] =	stream.indirect.scatter.add.f32 [tilespmem:s8], [sflag:$0x1], $0x1, s31, s12, $0xb8;
	[tilespmem:$0xF680] =	vst v63  }
0xc7: {  	s17 =	sadd.s32 $0x480, s17  }
0xc8: {  	[spmem:s2] =	stream.indirect.scatter.add.f32 [tilespmem:s8], [sflag:$0x1], $0x1, s17, s12, $0xb8;
	[tilespmem:$0xF680] =	vst v63  }
0xc9: {  	_ =	swait.ge [sflag:s13], $0x80  }
0xca: {  	[sflag:s13] =	ssyncset.done $0x0  }
0xcb: {  	[sflag:s13] =	ssyncadd.s32 $0xFFFFFF80  }
0xcc: {  	_ =	swait.ge [sflag:s13], $0x80  }
0xcd: {  	[sflag:s13] =	ssyncset.done $0x0  }
0xce: {  	[sflag:s13] =	ssyncadd.s32 $0xFFFFFF80  }
0xcf: {  	_ =	swait.ge [sflag:s13], $0x80  }
0xd0: {  	[sflag:s13] =	ssyncset.done $0x0  }
0xd1: {  	[sflag:s13] =	ssyncadd.s32 $0xFFFFFF80  }
0xd2: {  	_ =	swait.ge [sflag:s13], $0x80  }
0xd3: {  	[sflag:s13] =	ssyncset.done $0x0  }
0xd4: {  	[sflag:s13] =	ssyncadd.s32 $0xFFFFFF80  }
0xd5: {  	_ =	swait.ge [sflag:s13], $0x80  }
0xd6: {  	[sflag:s13] =	ssyncset.done $0x0  }
0xd7: {  	[sflag:s13] =	ssyncadd.s32 $0xFFFFFF80  }
0xd8: {  	_ =	swait.ge [sflag:s13], $0x80  }
0xd9: {  	[sflag:s13] =	ssyncset.done $0x0  }
0xda: {  	[sflag:s13] =	ssyncadd.s32 $0xFFFFFF80  }
0xdb: {  	_ =	swait.ge [sflag:s13], $0x80  }
0xdc: {  	[sflag:s13] =	ssyncset.done $0x0  }
0xdd: {  	[sflag:s13] =	ssyncadd.s32 $0xFFFFFF80  }
0xde: {  	_ =	swait.ge [sflag:s13], $0x80  }
0xdf: {  	[sflag:s13] =	ssyncset.done $0x0  }
0xe0: {  	[sflag:s13] =	ssyncadd.s32 $0xFFFFFF80  }
0xe1: {  	_ =	swait.ge [sflag:s13], $0x80  }
0xe2: {  	[sflag:s13] =	ssyncset.done $0x0  }
0xe3: {  	[sflag:s13] =	ssyncadd.s32 $0xFFFFFF80  }
0xe4: {  	_ =	swait.ge [sflag:s13], $0x80  }
0xe5: {  	[sflag:s13] =	ssyncset.done $0x0  }
0xe6: {  	[sflag:s13] =	ssyncadd.s32 $0xFFFFFF80  }
0xe7: {  	[bflag:$0x0] =	sbarrier.arrive $0xFFFF  }
0xe8: {  	[tilespmem:s14], [sflag:$0x2] =	stream.linear.gather [spmem:s5], $0x140, $0x38;
	[tilespmem:$0xF680] =	vst v63  }
0xe9: {  	_ =	swait.ge [sflag:s9], $0x140  }
0xea: {  	s19 =	simm.s32 $0x40;
	[sflag:s9] =	ssyncset.done $0x0  }
0xeb: {  	s18 =	simm.s32 $0x0;
	s17 =	simm.s32 $0x0;
	[sflag:s9] =	ssyncadd.s32 $0xFFFFFEC0  }
.LBB2_7:
0xec: {  	p1 =	sne.s32 s19, $0x4C0;
	v2 =	vld [tilespmem:s17+$0x5280];
	_ =	sdelay $0x4  }
0xed: {  	v3 =	vshra.s32 v2, $0x1;
	v4 =	vmul.f32 $5.000000000e-01, v2  }
0xee: {  	v3 =	vsub.s32 $0x5F3759DF, v3  }
0xef: {  	v5 =	vmul.f32 v3, v4;
	_ =	sdelay $0x1  }
0xf0: {  	v5 =	vmul.f32 v3, v5;
	_ =	sdelay $0x1  }
0xf1: {  	v5 =	vsub.f32 $1.500000000e+00, v5;
	_ =	sdelay $0x1  }
0xf2: {  	v3 =	vmul.f32 v3, v5;
	_ =	sdelay $0x1  }
0xf3: {  	v5 =	vmul.f32 v3, v4;
	_ =	sdelay $0x1  }
0xf4: {  	v5 =	vmul.f32 v5, v3;
	_ =	sdelay $0x1  }
0xf5: {  	v5 =	vsub.f32 $1.500000000e+00, v5;
	_ =	sdelay $0x1  }
0xf6: {  	v3 =	vmul.f32 v5, v3;
	_ =	sdelay $0x1  }
0xf7: {  	v4 =	vmul.f32 v3, v4;
	_ =	sdelay $0x1  }
0xf8: {  	v4 =	vmul.f32 v4, v3;
	_ =	sdelay $0x1  }
0xf9: {  	v4 =	vsub.f32 $1.500000000e+00, v4  }
.Ltmp3:
0xfa: {  	(pc) =	sbr.rel @p1 .LBB2_7-.Ltmp3, $4  }
0xfb: {  	v3 =	vmul.f32 v4, v3  }
0xfc: {  	vm0 =	vgt.f32 v2, $5.000000000e-01  }
0xfd: {  	v2 =	vnsel vm0, $0x0, v3  }
0xfe: {  	[tilespmem:s17+$0x5280] =	vst v2;
	s17 =	sshra.s32 s19, $0x2;
	s19 =	sadd.s32 $0x40, s19  }
0xff: {  	v2 =	vld [tilespmem:s17+$0x5280];
	_ =	sdelay $0x4  }
0x100: {  	v3 =	vshra.s32 v2, $0x1;
	v4 =	vmul.f32 $5.000000000e-01, v2  }
0x101: {  	v3 =	vsub.s32 $0x5F3759DF, v3  }
0x102: {  	v5 =	vmul.f32 v3, v4;
	_ =	sdelay $0x1  }
0x103: {  	v5 =	vmul.f32 v3, v5;
	_ =	sdelay $0x1  }
0x104: {  	v5 =	vsub.f32 $1.500000000e+00, v5;
	_ =	sdelay $0x1  }
0x105: {  	v3 =	vmul.f32 v3, v5;
	_ =	sdelay $0x1  }
0x106: {  	v5 =	vmul.f32 v3, v4;
	_ =	sdelay $0x1  }
0x107: {  	v5 =	vmul.f32 v5, v3;
	_ =	sdelay $0x1  }
0x108: {  	v5 =	vsub.f32 $1.500000000e+00, v5;
	_ =	sdelay $0x1  }
0x109: {  	v3 =	vmul.f32 v5, v3;
	_ =	sdelay $0x1  }
0x10a: {  	v4 =	vmul.f32 v3, v4;
	_ =	sdelay $0x1  }
0x10b: {  	v4 =	vmul.f32 v4, v3;
	_ =	sdelay $0x1  }
0x10c: {  	v4 =	vsub.f32 $1.500000000e+00, v4  }
0x10d: {  	v5 =	vmov s18  }
0x10e: {  	v3 =	vmul.f32 v4, v3  }
0x10f: {  	vm0 =	vgt.f32 v2, $5.000000000e-01  }
0x110: {  	v2 =	vnsel vm0, $0x0, v3  }
0x111: {  	[tilespmem:s17+$0x5280] =	vst v2  }
0x112: {  	v2 =	vld.idx.msk [tilespmem:v5+s14+$0x0], $0xffff;
	_ =	sdelay $0x3  }
0x113: {  	s17 =	simm.s32 $0x5440  }
0x114: {  	[tilespmem:s17+$0xFFFFFFC0] =	vst v2  }
0x115: {  	[tilespmem:s17+$0xFFFFFFD0] =	vst v2  }
0x116: {  	s31 =	simm.s32 $0x1;
	[tilespmem:s17+$0xFFFFFFE0] =	vst v2  }
0x117: {  	s18 =	simm.s32 $0x2;
	v3 =	vmov s31;
	[tilespmem:s17+$0xFFFFFFF0] =	vst v2  }
.LBB2_9:
0x118: {  	p1 =	sne.s32 s18, $0x13F;
	[tilespmem:s17+$0x0] =	vst v2  }
0x119: {  	[tilespmem:s17+$0x10] =	vst v2  }
0x11a: {  	[tilespmem:s17+$0x20] =	vst v2  }
0x11b: {  	[tilespmem:s17+$0x30] =	vst v2  }
0x11c: {  	v2 =	vld.idx.msk [tilespmem:v3+s14+$0x0], $0xffff;
	_ =	sdelay $0x4  }
.Ltmp4:
0x11d: {  	s17 =	sadd.s32 $0x80, s17;
	(pc) =	sbr.rel @p1 .LBB2_9-.Ltmp4, $4  }
0x11e: {  	[tilespmem:s17+$0xFFFFFFC0] =	vst v2  }
0x11f: {  	[tilespmem:s17+$0xFFFFFFD0] =	vst v2  }
0x120: {  	[tilespmem:s17+$0xFFFFFFE0] =	vst v2  }
0x121: {  	v3 =	vmov s18;
	s18 =	sadd.s32 $0x1, s18;
	[tilespmem:s17+$0xFFFFFFF0] =	vst v2  }
0x122: {  	[tilespmem:s17+$0x0] =	vst v2  }
0x123: {  	[tilespmem:s17+$0x10] =	vst v2  }
0x124: {  	[tilespmem:s17+$0x20] =	vst v2  }
0x125: {  	[tilespmem:s17+$0x30] =	vst v2  }
0x126: {  	v2 =	vld.idx.msk [tilespmem:v3+s14+$0x0], $0xffff;
	_ =	sdelay $0x3  }
0x127: {  	s31 =	sadd.s32 $0x80, s17  }
0x128: {  	[tilespmem:s31+$0xFFFFFFC0] =	vst v2  }
0x129: {  	[tilespmem:s31+$0xFFFFFFD0] =	vst v2  }
0x12a: {  	[tilespmem:s31+$0xFFFFFFE0] =	vst v2  }
0x12b: {  	[tilespmem:s31+$0xFFFFFFF0] =	vst v2  }
0x12c: {  	[tilespmem:s31+$0x0] =	vst v2  }
0x12d: {  	[tilespmem:s31+$0x10] =	vst v2  }
0x12e: {  	s16 =	sadd.s32 $0x1, s16;
	[tilespmem:s31+$0x20] =	vst v2  }
0x12f: {  	p1 =	sne.s32 s16, s7;
	[tilespmem:s31+$0x30] =	vst v2  }
0x130: {  	[hbm4b:s6+s3] =	stream.linear.scatter [tilespmem:s15], [sflag:$0x2], $0xA000, $0x38;
	[tilespmem:$0xF680] =	vst v63  }
.Ltmp5:
0x131: {  	_ = 	snop;
	(pc) =	sbr.rel @p1 .LBB2_1-.Ltmp5, $4  }
.Ltmp6:
0x132: {  	_ = 	snop;
	(pc) =	sbr.rel @!p1 .LBB2_11-.Ltmp6, $4  }
0x133: {  	_ =	swait.ge [sflag:s9], $0xA000  }
0x134: {  	[sflag:s9] =	ssyncset.done $0x0  }
0x135: {  	[sflag:s9] =	ssyncadd.s32 $0xFFFF6000  }
0x136: {  	_ = 	snop  }
.LBB2_3:
.Ltmp7:
0x137: {  	(pc) =	sbr.rel .LBB2_6-.Ltmp7, $2  }
0x138: {  	_ =	sdelay $0x2  }
0x139: {  	s19 =	simm.s32 $0x1400  }
.LBB2_11:
0x13a: {  	_ =	sfence.sel $0x180000  }
0x13b: {  	[bflag:$0x0] =	sbarrier.arrive $0xFFFF  }
0x13c: {  	p0 =	sne.s32 s1, $0x0;
	_ =	strace $0x90000047  }
0x13d: {  	s0 =	sadd.s32 @!p0 $0x100000, s0;
	[bflag:$0x2] =	sbarrier.arrive $0xFFFF  }
0x13e: {  	[sflag:s0] =	ssyncadd.tile.s32 @!p0 $0x1;
	_ =	shalt  }
.Lfunc_end2:
_tile_overlayer_lowered:
.L_overlay_start_2:
0x13f: {  	(tag) =	ssettag $0x2  }
0x140: {  	s0 =	rddreg [dreg:$0x0];
	s2 =	stileid.u32  }
0x141: {  	s1 =	rddreg [dreg:$0x1];
	p0 =	sne.s32 s2, $0x0  }
0x142: {  	s3 =	rddreg [dreg:$0x2];
	[bflag:$0x3] =	sbarrier.arrive $0xFFFF;
	s2 =	simm.s32 @!p0 $0x1C02  }
0x143: {  	[timem:s3], [sflag:s2] =	dma.local @!p0 [hbm:s0], s1  }
0x144: {  	s0 =	simm.s32 @!p0 $0x2  }
0x145: {  	_ =	swait.ge @!p0 [sflag:s0], s1  }
0x146: {  	s1 =	ssub.s32 @!p0 $0x0, s1;
	[sflag:s0] =	ssyncset.done @!p0 $0x0  }
0x147: {  	[sflag:s0] =	ssyncadd.s32 @!p0 s1  }
0x148: {  	[bflag:$0x3] =	sbarrier.arrive $0xFFFF  }
0x149: {  	_ =	shalt  }

// kernel: kernel.9.cloned.1.call-start
scs
__scs_entry_jumppad:
0x0: {  	(pc) =	sbr.rel $0x88, $3  }
0x1: {  	(tag) =	ssettag $0x0;
	lr =	simm.s32 $0x1  }
0x2: {  	[smem:$0x3F9F] =	sst lr;
	_ =	strace $0xD0000000  }
0x3: {  	_ = 	snop  }
0x4: {  	_ = 	snop  }
0x5: {  	_ = 	snop  }
0x6: {  	_ = 	snop  }
0x7: {  	_ = 	snop  }
__scs_overlays_trampoline_lowered:
0x8: {  	[smem:$0x3FAE] =	sst s0  }
0x9: {  	[smem:$0x3FAF] =	sst s1  }
0xa: {  	[smem:$0x3FB0] =	sst s2  }
0xb: {  	[smem:$0x3FB1] =	sst s3  }
0xc: {  	[smem:$0x3FB2] =	sst s4  }
0xd: {  	[smem:$0x3FB3] =	sst s5  }
0xe: {  	[smem:$0x3FB4] =	sst s6  }
0xf: {  	[smem:$0x3FB5] =	sst s7  }
0x10: {  	[smem:$0x3FB6] =	sst s8  }
0x11: {  	[smem:$0x3FB7] =	sst s9;
	s0 =	simm.s32 @!p0 $0x0  }
0x12: {  	s1 =	sld [smem:$0x3F9D];
	s0 =	simm.s32 @p0 $0x1  }
0x13: {  	[smem:$0x3FB8] =	sst s0;
	s0 =	simm.s32 @!p1 $0x0  }
0x14: {  	s2 =	sld [smem:$0x3F9C];
	s0 =	simm.s32 @p1 $0x1  }
0x15: {  	[smem:$0x3FB9] =	sst s0;
	s0 =	simm.s32 @!p2 $0x0  }
0x16: {  	s3 =	sld [smem:$0x3FDB];
	s0 =	simm.s32 @p2 $0x1  }
0x17: {  	s4 =	simm.s32 $0x1BF5;
	[smem:$0x3FBB] =	sst s0  }
0x18: {  	s0 =	sld [smem:$0x3F9E];
	_ =	swait.ge [sflag:s4], $0x0  }
0x19: {  	s7 =	sld [smem:$0x3F9F]  }
0x1a: {  	s8 =	sadd.s32 $0xFFFFE003, lr  }
0x1b: {  	s9 =	sadd.s32 $0xFFFFFEF7, lr;
	s5 =	simm.s32 $0xFFFFFFFF;
	p2 =	slt.u32 s8, $0xFFFFF086  }
0x1c: {  	p1 =	slt.u32 s9, $0xF7A;
	s5 =	simm.s32 @!p2 $0x0  }
0x1d: {  	s5 =	simm.s32 @p1 $0x1;
	p0 =	seq.s32 s7, s2  }
0x1e: {  	s7 =	smul.u32 @!p0 $0xF7A, s2;
	p2 =	seq.s32 @!p0 s5, $0x0  }
0x1f: {  	s9 =	smul.u32 $0xF7A, s1;
	s8 =	simm.s32 @!p0 $0x1BF5;
	p2 =	por !p2, p0  }
0x20: {  	[sflag:s8] =	ssyncset.s32 @!p0 $0xFFFFF086;
	s6 =	sadd.s32 @!p0 s3, s7;
	s7 =	simm.s32 @!p0 $0x108  }
0x21: {  	s3 =	sadd.s32 s3, s9;
	s6 =	sadd.s32 @!p0 $0x88, s6;
	s7 =	simm.s32 @p2 $0x1082  }
0x22: {  	[simem:s7], [sflag:s8] =	dma.local @!p0 [hbm:s6], $0xF7A  }
0x23: {  	s9 =	sor.u32 $0xD0000000, s2;
	s6 =	simm.s32 $0x108;
	_ =	swait.ge @!p0 [sflag:s8], $0x0  }
0x24: {  	s3 =	sadd.s32 $0x88, s3;
	s6 =	simm.s32 @!p1 $0x1082;
	[sflag:s4] =	ssyncset.s32 $0xFFFFF086  }
0x25: {  	[simem:s6], [sflag:s4] =	dma.local [hbm:s3], $0xF7A  }
0x26: {  	[smem:$0x3F9F] =	sst s1;
	(tag) =	ssettag s2;
	_ =	strace s9  }
0x27: {  	s1 =	sld [smem:$0x3FAF]  }
0x28: {  	s2 =	sld [smem:$0x3FB0]  }
0x29: {  	s4 =	sld [smem:$0x3FB2]  }
0x2a: {  	p0 =	seq.s32 s5, $0x0;
	s5 =	sld [smem:$0x3FB3]  }
0x2b: {  	s6 =	sld [smem:$0x3FB4]  }
0x2c: {  	s7 =	sld [smem:$0x3FB5]  }
0x2d: {  	s3 =	simm.s32 $0x108;
	s8 =	sld [smem:$0x3FB6]  }
0x2e: {  	s3 =	simm.s32 @!p0 $0x1082;
	s9 =	sld [smem:$0x3FB7]  }
0x2f: {  	lr =	sadd.s32 s0, s3;
	s0 =	sld [smem:$0x3FAE]  }
0x30: {  	s3 =	sld [smem:$0x3FB1]  }
0x31: {  	[smem:$0x3FBA] =	sst s10  }
0x32: {  	s10 =	sld [smem:$0x3FB8];
	_ =	sdelay $0x3  }
0x33: {  	p0 =	seq.s32 s10, $0x1;
	s10 =	sld [smem:$0x3FBA];
	_ =	sdelay $0x3  }
0x34: {  	[smem:$0x3FBA] =	sst s10  }
0x35: {  	s10 =	sld [smem:$0x3FB9];
	_ =	sdelay $0x3  }
0x36: {  	p1 =	seq.s32 s10, $0x1;
	s10 =	sld [smem:$0x3FBA];
	_ =	sdelay $0x3  }
0x37: {  	[smem:$0x3FBA] =	sst s10  }
0x38: {  	s10 =	sld [smem:$0x3FBB]  }
0x39: {  	_ = 	snop;
	(pc) =	sbr.ind lr, $3  }
0x3a: {  	_ = 	snop  }
0x3b: {  	_ = 	snop  }
0x3c: {  	p2 =	seq.s32 s10, $0x1;
	s10 =	sld [smem:$0x3FBA]  }
0x3d: {  	_ =	shalt  }
0x3e: {  	_ =	shalt  }
0x3f: {  	_ =	shalt  }
0x40: {  	_ =	shalt  }
0x41: {  	_ =	shalt  }
0x42: {  	_ =	shalt  }
0x43: {  	_ =	shalt  }
0x44: {  	_ =	shalt  }
0x45: {  	_ =	shalt  }
0x46: {  	_ =	shalt  }
0x47: {  	_ =	shalt  }
0x48: {  	_ =	shalt  }
0x49: {  	_ =	shalt  }
0x4a: {  	_ =	shalt  }
0x4b: {  	_ =	shalt  }
0x4c: {  	_ =	shalt  }
0x4d: {  	_ =	shalt  }
0x4e: {  	_ =	shalt  }
0x4f: {  	_ =	shalt  }
0x50: {  	_ =	shalt  }
0x51: {  	_ =	shalt  }
0x52: {  	_ =	shalt  }
0x53: {  	_ =	shalt  }
0x54: {  	_ =	shalt  }
0x55: {  	_ =	shalt  }
0x56: {  	_ =	shalt  }
0x57: {  	_ =	shalt  }
0x58: {  	_ =	shalt  }
0x59: {  	_ =	shalt  }
0x5a: {  	_ =	shalt  }
0x5b: {  	_ =	shalt  }
0x5c: {  	_ =	shalt  }
0x5d: {  	_ =	shalt  }
0x5e: {  	_ =	shalt  }
0x5f: {  	_ =	shalt  }
0x60: {  	_ =	shalt  }
0x61: {  	_ =	shalt  }
0x62: {  	_ =	shalt  }
0x63: {  	_ =	shalt  }
0x64: {  	_ =	shalt  }
0x65: {  	_ =	shalt  }
0x66: {  	_ =	shalt  }
0x67: {  	_ =	shalt  }
0x68: {  	_ =	shalt  }
0x69: {  	_ =	shalt  }
0x6a: {  	_ =	shalt  }
0x6b: {  	_ =	shalt  }
0x6c: {  	_ =	shalt  }
0x6d: {  	_ =	shalt  }
0x6e: {  	_ =	shalt  }
0x6f: {  	_ =	shalt  }
0x70: {  	_ =	shalt  }
0x71: {  	_ =	shalt  }
0x72: {  	_ =	shalt  }
0x73: {  	_ =	shalt  }
0x74: {  	_ =	shalt  }
0x75: {  	_ =	shalt  }
0x76: {  	_ =	shalt  }
0x77: {  	_ =	shalt  }
0x78: {  	_ =	shalt  }
0x79: {  	_ =	shalt  }
0x7a: {  	_ =	shalt  }
0x7b: {  	_ =	shalt  }
0x7c: {  	_ =	shalt  }
0x7d: {  	_ =	shalt  }
0x7e: {  	_ =	shalt  }
0x7f: {  	_ =	shalt  }
0x80: {  	_ =	shalt  }
0x81: {  	_ =	shalt  }
0x82: {  	_ =	shalt  }
0x83: {  	_ =	shalt  }
0x84: {  	_ =	shalt  }
0x85: {  	_ =	shalt  }
0x86: {  	_ =	shalt  }
0x87: {  	_ =	shalt  }
.Lfunc_end0:
.L_simem_size_0:
called_computation.1_lowered:
.L_overlay_start_0:
0x88: {  	s2 =	sld [smem:$0x3FD9]  }
0x89: {  	s3 =	sld [smem:$0x3FFE];
	_ =	sdelay $0x1  }
0x8a: {  	s1 =	srdreg.scid  }
0x8b: {  	s0 =	sand.u32 $0x1, s1  }
0x8c: {  	s17 =	sshll.u32 s0, $0xA;
	s2 =	sadd.s32 s3, s2  }
0x8d: {  	s2 =	sadd.s32 s2, s17  }
0x8e: {  	[smem:$0x3FC6] =	sst s2  }
0x8f: {  	_ = 	snop  }
0x90: {  	s2 =	sld [smem:$0x3FC8]  }
0x91: {  	s18 =	sld [smem:$0x3FD0];
	(tm) =	ssettm $0x1  }
0x92: {  	s4 =	sld [smem:$0x3FFB];
	_ =	sdelay $0x3  }
0x93: {  	_ =	strace s4  }
0x94: {  	s4 =	sld [smem:$0x3FFC];
	_ =	sdelay $0x3  }
0x95: {  	_ =	strace s4  }
0x96: {  	s4 =	sld [smem:$0x3FFD];
	_ =	sdelay $0x3  }
0x97: {  	_ =	strace s4  }
0x98: {  	_ =	strace $0x8FFFFFFF  }
0x99: {  	s19 =	sld [smem:$0x3FDB];
	_ =	sdelay $0x1  }
0x9a: {  	s5 =	simm.s32 $_scs_section_size  }
0x9b: {  	s6 =	simm.s32 $_size__tile_overlayer_lowered;
	s7 =	simm.s32 $_tile_overlayer_lowered  }
0x9c: {  	s22 =	simm.s32 $0x1BFF;
	s21 =	sshll.u32 s7, $0x1;
	s4 =	sadd.s32 s5, s19  }
0x9d: {  	s8 =	simm.s32 $0x0;
	s20 =	sshll.u32 s6, $0x1;
	s6 =	sadd.s32 s21, s4  }
0x9e: {  	[timem:s8], [sflag:s22] =	dma.local [hbm:s6], s20  }
0x9f: {  	_ =	swait.ge [sflag:s22], s20  }
0xa0: {  	s5 =	ssub.s32 $0x0, s20;
	[sflag:s22] =	ssyncset.done $0x0  }
0xa1: {  	[sflag:s22] =	ssyncadd.s32 s5;
	_ =	sdelay $0x1  }
0xa2: {  	s23 =	simm.s32 $0x1B8B  }
0xa3: {  	_ =	swait.ge [sflag:s23], $0x1  }
0xa4: {  	[sflag:s23] =	ssyncset.done $0x0  }
0xa5: {  	s25 =	simm.s32 $0x1B8E;
	s24 =	sld [smem:$0x3FFE];
	[sflag:s23] =	ssyncadd.s32 $0xFFFFFFFF  }
0xa6: {  	s26 =	simm.s32 $execute0_lowered;
	[smem:$0x3FD2] =	sst s25  }
0xa7: {  	s6 =	sshll.u32 s26, $0x1;
	_ =	strace $0x80000049;
	[dreg:$0x1] =	wrdreg $0xFFFFFFFF  }
0xa8: {  	s28 =	simm.s32 $_size_execute0_lowered;
	s4 =	sadd.s32 s4, s6;
	[dreg:$0x0] =	wrdreg $0x0  }
0xa9: {  	s6 =	sshll.u32 s28, $0x1;
	[dreg:$0x2] =	wrdreg s4  }
0xaa: {  	[dreg:$0x3] =	wrdreg s6  }
0xab: {  	[dreg:$0x4] =	wrdreg $0xC0  }
0xac: {  	_ =	task [dreg:s8], $0x5FFFF  }
0xad: {  	[dreg:$0x1] =	wrdreg $0xFFFFFFFF  }
0xae: {  	[dreg:$0x0] =	wrdreg $0x60  }
0xaf: {  	[dreg:$0x2] =	wrdreg s18  }
0xb0: {  	[dreg:$0x3] =	wrdreg s2  }
0xb1: {  	[dreg:$0x4] =	wrdreg s24  }
0xb2: {  	[dreg:$0x5] =	wrdreg $0x86000  }
0xb3: {  	[dreg:$0x6] =	wrdreg $0x9  }
0xb4: {  	_ =	task.clear_ibuf [dreg:s8], $0x7FFFF;
	_ =	strace $0x90000049  }
0xb5: {  	s29 =	simm.s32 $0x9;
	_ =	strace $0x8000004B  }
0xb6: {  	_ =	swait.ge [sflag:s29], $0x1  }
0xb7: {  	[sflag:s29] =	ssyncadd.s32 $0xFFFFFFFF  }
0xb8: {  	_ =	strace $0x9000004B  }
0xb9: {  	_ =	sfence  }
0xba: {  	s30 =	sld [smem:$0x0];
	_ =	sdelay $0x2  }
0xbb: {  	s31 =	sshll.u32 s1, $0xD;
	s1 =	sshrl.u32 s1, $0x2  }
0xbc: {  	s3 =	sand.u32 $0x4000, s31;
	s1 =	sadd.s32 s1, s30  }
0xbd: {  	s0 =	sor.u32 s3, s0;
	s1 =	sshll.u32 s1, $0x11  }
0xbe: {  	s0 =	sor.u32 s1, s0  }
0xbf: {  	s0 =	sadd.s32 $0x8F2B, s0  }
0xc0: {  	[sflag:s0] =	ssyncadd.remote.s32 $0x1  }
0xc1: {  	_ =	sfence.sel $0xFFFF  }
0xc2: {  	[dreg:$0x0] =	wrdreg $0xFFFFFFFF;
	(pc) =	sbr.abs _section_cstart, $3  }
0xc3: {  	[dreg:$0x1] =	wrdreg $0xFFFFFFFF  }
0xc4: {  	_ =	task.clear_ibuf [dreg:s8], $0x2FFFF;
	_ =	strace $0x9FFFFFFF  }
0xc5: {  	(tm) =	ssettm $0x7FFFFFFF  }
tec
execute0_lowered:
.L_overlay_start_1:
0x0: {  	(tag) =	ssettag $0x1  }
0x1: {  	s1 =	rddreg [dreg:$0x0]  }
0x2: {  	s2 =	rddreg [dreg:$0x1]  }
0x3: {  	s0 =	rddreg [dreg:$0x2]  }
0x4: {  	s3 =	rddreg [dreg:$0x3];
	s4 =	simm.s32 $0x0;
	s14 =	stileid.u32  }
0x5: {  	s5 =	srdreg.scid;
	s29 =	simm.s32 $0x2600;
	s9 =	smul.u32 $0x50000, s14  }
0x6: {  	s30 =	simm.s32 $0x6600;
	s5 =	sand.u32 $0x1, s5;
	s26 =	smul.u32 $0x9C, s14  }
0x7: {  	s16 =	sshll.u32 s14, $0x1;
	p0 =	slt.u32 s14, $0x2;
	s14 =	smul.u32 $0x2800, s14  }
0x8: {  	[smem:$0x7FF] =	sst s4;
	s13 =	sadd.s32 $0x10, s2;
	s6 =	smul.u32 $0x28000, s5  }
0x9: {  	s7 =	ssub.s32 $0x2, s5;
	_ =	strace $0x8000004A;
	[dreg:$0x7] =	wrdreg s29  }
0xa: {  	[dreg:$0x8] =	wrdreg s30;
	s8 =	sshrl.u32 s7, $0x1;
	s9 =	sshrl.u32 s9, $0x2  }
0xb: {  	s7 =	ssub.s32 s7, s8;
	s8 =	sor.u32 s5, s16;
	s16 =	sadd.s32 s9, s3  }
0xc: {  	s0 =	sadd.s32 s6, s0;
	s10 =	sadd.s32 $0x4000, s16;
	[dreg:$0xa] =	wrdreg s16  }
0xd: {  	s6 =	simm.s32 $0x4F;
	s18 =	sadd.s32 $0x8000, s16;
	[dreg:$0xb] =	wrdreg s10  }
0xe: {  	s17 =	smul.u32 $0x4E00, s8;
	s19 =	sadd.s32 $0xC000, s16;
	[dreg:$0xc] =	wrdreg s18  }
0xf: {  	s6 =	simm.s32 @!p0 $0x4E;
	s11 =	sadd.s32 $0x10000, s16;
	[dreg:$0xd] =	wrdreg s19  }
0x10: {  	s20 =	smul.u32 $0x9C0, s8;
	[dreg:$0xe] =	wrdreg s11;
	s24 =	sadd.s32 $0xFFFFFFFE, s6  }
0x11: {  	s0 =	sadd.s32 $0x1600, s0;
	s25 =	sadd.s32 $0xFFFFFFFD, s6;
	[dreg:$0x5] =	wrdreg s24  }
0x12: {  	s15 =	sadd.s32 $0x18, s2;
	s0 =	sadd.s32 s14, s0;
	[dreg:$0x6] =	wrdreg s25  }
0x13: {  	s9 =	sshrl.u32 s17, $0x3;
	s10 =	sadd.s32 s20, s15;
	[dreg:$0x15] =	wrdreg s0  }
0x14: {  	s22 =	sadd.s32 s20, s2;
	s21 =	sadd.s32 s9, s13;
	[dreg:$0x11] =	wrdreg s10  }
0x15: {  	s31 =	simm.s32 $0x200;
	s23 =	sadd.s32 $0x38, s22;
	[dreg:$0x10] =	wrdreg s21  }
0x16: {  	s17 =	sadd.s32 s2, s9;
	s12 =	sadd.s32 $0x40, s9;
	[dreg:$0x12] =	wrdreg s23  }
0x17: {  	s5 =	smul.u32 $0x4E, s5;
	s19 =	sadd.s32 s2, s12;
	[dreg:$0xf] =	wrdreg s17  }
0x18: {  	s9 =	sadd.s32 $0x60, s9;
	s20 =	sadd.s32 s12, s13;
	[dreg:$0x13] =	wrdreg s19  }
0x19: {  	s28 =	simm.s32 $0x4600;
	s21 =	sadd.s32 s2, s9;
	[dreg:$0x14] =	wrdreg s20  }
0x1a: {  	s18 =	sadd.s32 s5, s26;
	s22 =	sadd.s32 s9, s13;
	[dreg:$0x16] =	wrdreg s21  }
0x1b: {  	s5 =	simm.s32 $0xD;
	s23 =	smax.u32 s7, $0x1;
	[dreg:$0x17] =	wrdreg s22  }
0x1c: {  	s11 =	simm.s32 $0x300;
	s25 =	sadd.s32 $0x20, s17;
	[dreg:$0x18] =	wrdreg s23  }
0x1d: {  	s24 =	sor.u32 $0x9C0, s8;
	s26 =	sadd.s32 $0x30, s17;
	[dreg:$0x19] =	wrdreg s25  }
0x1e: {  	s8 =	simm.s32 $0x600;
	s29 =	sadd.s32 $0x58, s17;
	[dreg:$0x1a] =	wrdreg s26  }
0x1f: {  	s10 =	simm.s32 $0x280;
	s30 =	sadd.s32 $0x78, s17;
	[dreg:$0x1b] =	wrdreg s29  }
0x20: {  	s17 =	simm.s32 $0x380;
	[dreg:$0x1c] =	wrdreg s30;
	s19 =	simm.s32 $0x9  }
0x21: {  	s20 =	simm.s32 $0x5;
	s21 =	simm.s32 $0x40;
	s22 =	simm.s32 $0xB  }
0x22: {  	v0 =	vimm.f32 $0.0e+00;
	s23 =	simm.s32 $0xC;
	s25 =	simm.s32 $0xA;
	s26 =	simm.s32 $0x6  }
.LBB2_1:
0x23: {  	s7 =	simm.s32 $0x0;
	s9 =	simm.s32 $0x200  }
.LBB2_2:
0x24: {  	p0 =	sne.s32 s9, $0xFE00;
	[tilespmem:s7+$0x670] =	vst v0  }
0x25: {  	[tilespmem:s7+$0x600] =	vst v0  }
0x26: {  	[tilespmem:s7+$0x610] =	vst v0  }
.Ltmp0:
0x27: {  	[tilespmem:s7+$0x620] =	vst v0;
	(pc) =	sbr.rel @p0 .LBB2_2-.Ltmp0, $4  }
0x28: {  	[tilespmem:s7+$0x630] =	vst v0  }
0x29: {  	[tilespmem:s7+$0x640] =	vst v0  }
0x2a: {  	[tilespmem:s7+$0x650] =	vst v0  }
0x2b: {  	[tilespmem:s7+$0x660] =	vst v0;
	s7 =	sshra.s32 s9, $0x2;
	s9 =	sadd.s32 $0x200, s9  }
0x2c: {  	[tilespmem:s7+$0x670] =	vst v0  }
0x2d: {  	[tilespmem:s7+$0x600] =	vst v0  }
0x2e: {  	[tilespmem:s7+$0x610] =	vst v0  }
0x2f: {  	[tilespmem:s7+$0x620] =	vst v0  }
0x30: {  	[tilespmem:s7+$0x630] =	vst v0  }
0x31: {  	[tilespmem:s7+$0x640] =	vst v0  }
0x32: {  	[tilespmem:s7+$0x650] =	vst v0  }
0x33: {  	[dreg:$0x9] =	wrdreg s4;
	[tilespmem:s7+$0x660] =	vst v0  }
0x34: {  	[spmem:s16] =	stream.linear.scatter [tilespmem:s8], [sflag:$0xD], $0x4000, $0x38;
	[tilespmem:$0x1C600] =	vst v63  }
0x35: {  	_ =	swait.ge [sflag:s5], $0x4000  }
0x36: {  	[sflag:s5] =	ssyncset.done $0x0  }
0x37: {  	s0 =	rddreg [dreg:$0xb];
	[sflag:s5] =	ssyncadd.s32 $0xFFFFC000  }
0x38: {  	[spmem:s0] =	stream.linear.scatter [tilespmem:s8], [sflag:$0xD], $0x4000, $0x38;
	[tilespmem:$0x1C600] =	vst v63  }
0x39: {  	_ =	swait.ge [sflag:s5], $0x4000  }
0x3a: {  	[sflag:s5] =	ssyncset.done $0x0  }
0x3b: {  	s14 =	rddreg [dreg:$0xc];
	[sflag:s5] =	ssyncadd.s32 $0xFFFFC000  }
0x3c: {  	[spmem:s14] =	stream.linear.scatter [tilespmem:s8], [sflag:$0xD], $0x4000, $0x38;
	[tilespmem:$0x1C600] =	vst v63  }
0x3d: {  	_ =	swait.ge [sflag:s5], $0x4000  }
0x3e: {  	[sflag:s5] =	ssyncset.done $0x0  }
0x3f: {  	s16 =	rddreg [dreg:$0xd];
	[sflag:s5] =	ssyncadd.s32 $0xFFFFC000  }
0x40: {  	[spmem:s16] =	stream.linear.scatter [tilespmem:s8], [sflag:$0xD], $0x4000, $0x38;
	[tilespmem:$0x1C600] =	vst v63  }
0x41: {  	_ =	swait.ge [sflag:s5], $0x4000  }
0x42: {  	[sflag:s5] =	ssyncset.done $0x0  }
0x43: {  	s4 =	rddreg [dreg:$0xe];
	[sflag:s5] =	ssyncadd.s32 $0xFFFFC000  }
0x44: {  	[spmem:s4] =	stream.linear.scatter [tilespmem:s8], [sflag:$0xD], $0x4000, $0x38;
	[tilespmem:$0x1C600] =	vst v63  }
0x45: {  	_ =	swait.ge [sflag:s5], $0x4000  }
0x46: {  	[sflag:s5] =	ssyncset.done $0x0  }
0x47: {  	[sflag:s5] =	ssyncadd.s32 $0xFFFFC000  }
0x48: {  	[bflag:$0x0] =	sbarrier.arrive $0xFFFF  }
0x49: {  	s7 =	simm.s32 $0x0;
	s5 =	rddreg [dreg:$0xf]  }
0x4a: {  	[tilespmem:s7], [sflag:$0x1] =	stream.linear.gather [hbm4b:s5+s7], $0x80, $0x38;
	[tilespmem:$0x1C600] =	vst v63  }
0x4b: {  	s9 =	rddreg [dreg:$0x10]  }
0x4c: {  	[tilespmem:s31], [sflag:$0x5] =	stream.linear.gather [hbm4b:s9+s7], $0x40, $0x38;
	[tilespmem:$0x1C600] =	vst v63  }
0x4d: {  	s12 =	rddreg [dreg:$0x11]  }
0x4e: {  	[tilespmem:s10], [sflag:$0x5] =	stream.linear.gather [hbm4b:s12+s7], $0x40, $0x38;
	[tilespmem:$0x1C600] =	vst v63  }
0x4f: {  	s4 =	simm.s32 $0x80;
	s14 =	rddreg [dreg:$0x19]  }
0x50: {  	[tilespmem:s4], [sflag:$0x2] =	stream.linear.gather [hbm4b:s14+s7], $0x80, $0x38;
	[tilespmem:$0x1C600] =	vst v63  }
0x51: {  	s16 =	rddreg [dreg:$0x1a]  }
0x52: {  	[tilespmem:s11], [sflag:$0x6] =	stream.linear.gather [hbm4b:s16+s7], $0x40, $0x38;
	[tilespmem:$0x1C600] =	vst v63  }
0x53: {  	s5 =	rddreg [dreg:$0x12]  }
0x54: {  	[tilespmem:s17], [sflag:$0x6] =	stream.linear.gather [hbm4b:s5+s7], $0x40, $0x38;
	[tilespmem:$0x1C600] =	vst v63  }
0x55: {  	s9 =	rddreg [dreg:$0x13];
	s12 =	simm.s32 $0x100  }
0x56: {  	[tilespmem:s12], [sflag:$0x3] =	stream.linear.gather [hbm4b:s9+s7], $0x80, $0x38;
	[tilespmem:$0x1C600] =	vst v63  }
0x57: {  	s14 =	rddreg [dreg:$0x14];
	s16 =	simm.s32 $0x400  }
0x58: {  	[tilespmem:s16], [sflag:$0x7] =	stream.linear.gather [hbm4b:s14+s7], $0x40, $0x38;
	[tilespmem:$0x1C600] =	vst v63  }
0x59: {  	s9 =	rddreg [dreg:$0x1b];
	s12 =	simm.s32 $0x480  }
0x5a: {  	[tilespmem:s12], [sflag:$0x7] =	stream.linear.gather [hbm4b:s9+s7], $0x40, $0x38;
	[tilespmem:$0x1C600] =	vst v63  }
0x5b: {  	s14 =	rddreg [dreg:$0x16];
	s16 =	simm.s32 $0x180  }
0x5c: {  	[tilespmem:s16], [sflag:$0x4] =	stream.linear.gather [hbm4b:s14+s7], $0x80, $0x38;
	[tilespmem:$0x1C600] =	vst v63  }
0x5d: {  	s9 =	rddreg [dreg:$0x17];
	s12 =	simm.s32 $0x500  }
0x5e: {  	[tilespmem:s12], [sflag:$0x8] =	stream.linear.gather [hbm4b:s9+s7], $0x40, $0x38;
	[tilespmem:$0x1C600] =	vst v63  }
0x5f: {  	s14 =	rddreg [dreg:$0x1c];
	s16 =	simm.s32 $0x580;
	s9 =	simm.s32 $0x1  }
0x60: {  	[tilespmem:s16], [sflag:$0x8] =	stream.linear.gather [hbm4b:s14+s7], $0x40, $0x38;
	[tilespmem:$0x1C600] =	vst v63  }
0x61: {  	_ =	swait.ge [sflag:s9], $0x80  }
0x62: {  	[sflag:s9] =	ssyncset.done $0x0  }
0x63: {  	s12 =	simm.s32 $0x2;
	[sflag:s9] =	ssyncadd.s32 $0xFFFFFF80  }
0x64: {  	[tilespmem:s8], [sflag:$0x9] =	stream.indirect.gather [hbm4b:s1+s4], $0x80, s7, s4, $0xb8;
	[tilespmem:$0x1C600] =	vst v63  }
0x65: {  	_ =	swait.ge [sflag:s12], $0x80  }
0x66: {  	[sflag:s12] =	ssyncset.done $0x0  }
0x67: {  	[sflag:s12] =	ssyncadd.s32 $0xFFFFFF80  }
0x68: {  	[tilespmem:s28], [sflag:$0xA] =	stream.indirect.gather [hbm4b:s1+s4], $0x80, s4, s4, $0xb8;
	[tilespmem:$0x1C600] =	vst v63  }
0x69: {  	_ =	swait.ge [sflag:s19], $0x4000  }
0x6a: {  	[sflag:s19] =	ssyncset.done $0x0  }
0x6b: {  	[sflag:s19] =	ssyncadd.s32 $0xFFFFC000  }
0x6c: {  	_ =	swait.ge [sflag:s20], $0x40  }
0x6d: {  	[sflag:s20] =	ssyncset.done $0x0  }
0x6e: {  	[sflag:s20] =	ssyncadd.s32 $0xFFFFFFC0  }
0x6f: {  	_ =	swait.ge [sflag:s20], $0x40  }
0x70: {  	[sflag:s20] =	ssyncset.done $0x0  }
0x71: {  	p1 =	sle.u32 s6, $0x4;
	[sflag:s20] =	ssyncadd.s32 $0xFFFFFFC0  }
0x72: {  	[spmem:s3] =	stream.indirect.scatter.add.f32 [tilespmem:s8], [sflag:$0xB], $0x80, s31, s21, $0xb8;
	[tilespmem:$0x1C600] =	vst v63  }
0x73: {  	p0 =	por @!p1 $0x0, $0x0;
	s14 =	rddreg [dreg:$0x7]  }
0x74: {  	[spmem:s3] =	stream.indirect.scatter.add.f32 [tilespmem:s14], [sflag:$0xC], $0x80, s10, s21, $0xb8;
	[tilespmem:$0x1C600] =	vst v63  }
0x75: {  	p0 =	por !p0, p1;
	s7 =	sadd.s32 @!p1 $0x0, s18;
	_ =	swait.ge [sflag:s22], $0x2000  }
0x76: {  	s9 =	smov.u32 s24;
	s7 =	sadd.s32 @!p1 $0x4, s7;
	[sflag:s22] =	ssyncset.done $0x0  }
0x77: {  	s9 =	smov.u32 @p0 s7;
	[sflag:s22] =	ssyncadd.s32 $0xFFFFE000  }
0x78: {  	s7 =	sshll.u32 @!p1 s9, $0x5;
	_ =	swait.ge [sflag:s23], $0x2000  }
0x79: {  	s9 =	simm.s32 @!p1 $0x0;
	s12 =	sand.u32 @!p1 $0x1FFFFFE0, s7;
	[sflag:s23] =	ssyncset.done $0x0  }
0x7a: {  	s16 =	sadd.s32 @!p1 s2, s7;
	s14 =	rddreg [dreg:$0x5];
	[sflag:s23] =	ssyncadd.s32 $0xFFFFE000  }
0x7b: {  	[tilespmem:s9], [sflag:$0x1] =	stream.linear.gather @!p1 [hbm4b:s16+s9], $0x80, $0x38;
	[tilespmem:$0x1C600] =	vst v63  }
0x7c: {  	s7 =	sadd.s32 @!p1 s7, s13;
	p3 =	sle.u32 s14, $0x0;
	s16 =	simm.s32 @!p1 $0x200  }
0x7d: {  	[tilespmem:s16], [sflag:$0x5] =	stream.linear.gather @!p1 [hbm4b:s7+s9], $0x40, $0x38;
	[tilespmem:$0x1C600] =	vst v63  }
0x7e: {  	s14 =	simm.s32 @!p3 $0x3;
	s7 =	sadd.s32 @!p1 s12, s15;
	s12 =	simm.s32 @!p1 $0x280  }
0x7f: {  	[tilespmem:s12], [sflag:$0x5] =	stream.linear.gather @!p1 [hbm4b:s7+s9], $0x40, $0x38;
	[tilespmem:$0x1C600] =	vst v63  }
0x80: {  	_ =	swait.ge @!p3 [sflag:s14], $0x80  }
0x81: {  	s16 =	simm.s32 @!p3 $0x100;
	[sflag:s14] =	ssyncset.done @!p3 $0x0  }
0x82: {  	s12 =	simm.s32 @!p3 $0x600;
	s7 =	simm.s32 @!p3 $0x80;
	[sflag:s14] =	ssyncadd.s32 @!p3 $0xFFFFFF80  }
0x83: {  	[tilespmem:s12], [sflag:$0x9] =	stream.indirect.gather @!p3 [hbm4b:s1+s7], $0x80, s16, s7, $0xb8;
	[tilespmem:$0x1C600] =	vst v63  }
0x84: {  	_ =	swait.ge [sflag:s25], $0x4000  }
0x85: {  	[sflag:s25] =	ssyncset.done $0x0  }
0x86: {  	[sflag:s25] =	ssyncadd.s32 $0xFFFFC000  }
0x87: {  	_ =	swait.ge [sflag:s26], $0x40  }
0x88: {  	[sflag:s26] =	ssyncset.done $0x0  }
0x89: {  	[sflag:s26] =	ssyncadd.s32 $0xFFFFFFC0  }
0x8a: {  	_ =	swait.ge [sflag:s26], $0x40  }
0x8b: {  	[sflag:s26] =	ssyncset.done $0x0  }
0x8c: {  	p0 =	sle.u32 s6, $0x5;
	[sflag:s26] =	ssyncadd.s32 $0xFFFFFFC0  }
0x8d: {  	[spmem:s3] =	stream.indirect.scatter.add.f32 [tilespmem:s28], [sflag:$0xB], $0x80, s11, s21, $0xb8;
	[tilespmem:$0x1C600] =	vst v63  }
0x8e: {  	p2 =	por @!p0 $0x0, $0x0;
	s16 =	rddreg [dreg:$0x8]  }
0x8f: {  	[spmem:s3] =	stream.indirect.scatter.add.f32 [tilespmem:s16], [sflag:$0xC], $0x80, s17, s21, $0xb8;
	[tilespmem:$0x1C600] =	vst v63  }
0x90: {  	p2 =	por !p2, p0;
	s7 =	sadd.s32 @!p0 $0x0, s18;
	_ =	swait.ge [sflag:s22], $0x2000  }
0x91: {  	s14 =	smov.u32 s24;
	s7 =	sadd.s32 @!p0 $0x5, s7;
	[sflag:s22] =	ssyncset.done $0x0  }
0x92: {  	s14 =	smov.u32 @p2 s7;
	[sflag:s22] =	ssyncadd.s32 $0xFFFFE000  }
0x93: {  	s30 =	simm.s32 @!p0 $0x80;
	s7 =	sshll.u32 @!p0 s14, $0x5;
	_ =	swait.ge [sflag:s23], $0x2000  }
0x94: {  	s14 =	sadd.s32 @!p0 s2, s7;
	[sflag:s23] =	ssyncset.done $0x0;
	s28 =	rddreg [dreg:$0x6]  }
0x95: {  	s16 =	simm.s32 @!p0 $0x0;
	[sflag:s23] =	ssyncadd.s32 $0xFFFFE000;
	p2 =	sle.u32 s28, $0x0  }
0x96: {  	[tilespmem:s30], [sflag:$0x2] =	stream.linear.gather @!p0 [hbm4b:s14+s16], $0x80, $0x38;
	[tilespmem:$0x1C600] =	vst v63  }
0x97: {  	s28 =	simm.s32 @!p0 $0x300;
	s14 =	sand.u32 @!p0 $0x1FFFFFE0, s7;
	s7 =	sadd.s32 @!p0 s7, s13  }
0x98: {  	[tilespmem:s28], [sflag:$0x6] =	stream.linear.gather @!p0 [hbm4b:s7+s16], $0x40, $0x38;
	[tilespmem:$0x1C600] =	vst v63  }
0x99: {  	s7 =	sadd.s32 @!p0 s14, s15;
	s14 =	simm.s32 @!p0 $0x380;
	s28 =	simm.s32 @!p2 $0x4  }
0x9a: {  	[tilespmem:s14], [sflag:$0x6] =	stream.linear.gather @!p0 [hbm4b:s7+s16], $0x40, $0x38;
	[tilespmem:$0x1C600] =	vst v63  }
0x9b: {  	_ =	swait.ge @!p2 [sflag:s28], $0x80  }
0x9c: {  	s7 =	simm.s32 @!p2 $0x4600;
	s14 =	simm.s32 @!p2 $0x80;
	[sflag:s28] =	ssyncset.done @!p2 $0x0  }
0x9d: {  	s16 =	simm.s32 @!p2 $0x180;
	[sflag:s28] =	ssyncadd.s32 @!p2 $0xFFFFFF80;
	s28 =	simm.s32 @!p3 $0x9  }
0x9e: {  	[tilespmem:s7], [sflag:$0xA] =	stream.indirect.gather @!p2 [hbm4b:s1+s14], $0x80, s16, s14, $0xb8;
	[tilespmem:$0x1C600] =	vst v63  }
0x9f: {  	_ =	swait.ge @!p3 [sflag:s28], $0x4000  }
0xa0: {  	[sflag:s28] =	ssyncset.done @!p3 $0x0  }
0xa1: {  	s14 =	simm.s32 @!p3 $0x7;
	[sflag:s28] =	ssyncadd.s32 @!p3 $0xFFFFC000  }
0xa2: {  	_ =	swait.ge @!p3 [sflag:s14], $0x40  }
0xa3: {  	[sflag:s14] =	ssyncset.done @!p3 $0x0  }
0xa4: {  	[sflag:s14] =	ssyncadd.s32 @!p3 $0xFFFFFFC0  }
0xa5: {  	_ =	swait.ge @!p3 [sflag:s14], $0x40  }
0xa6: {  	p4 =	sle.u32 s6, $0x6;
	[sflag:s14] =	ssyncset.done @!p3 $0x0  }
0xa7: {  	s16 =	simm.s32 @!p3 $0x40;
	s28 =	simm.s32 @!p3 $0x400;
	[sflag:s14] =	ssyncadd.s32 @!p3 $0xFFFFFFC0  }
0xa8: {  	[spmem:s3] =	stream.indirect.scatter.add.f32 @!p3 [tilespmem:s12], [sflag:$0xB], $0x80, s28, s16, $0xb8;
	[tilespmem:$0x1C600] =	vst v63  }
0xa9: {  	s14 =	simm.s32 @!p3 $0x2600;
	s12 =	simm.s32 @!p3 $0x480;
	s28 =	simm.s32 @!p3 $0xB  }
0xaa: {  	[spmem:s3] =	stream.indirect.scatter.add.f32 @!p3 [tilespmem:s14], [sflag:$0xC], $0x80, s12, s16, $0xb8;
	[tilespmem:$0x1C600] =	vst v63  }
0xab: {  	p5 =	por @!p4 $0x1, $0x1;
	_ =	swait.ge @!p3 [sflag:s28], $0x2000  }
0xac: {  	p5 =	por !p5, p4;
	s14 =	sadd.s32 @!p4 $0x0, s18;
	[sflag:s28] =	ssyncset.done @!p3 $0x0  }
0xad: {  	s12 =	simm.s32 @!p3 $0xC;
	s14 =	sadd.s32 @!p4 $0x6, s14;
	[sflag:s28] =	ssyncadd.s32 @!p3 $0xFFFFE000  }
0xae: {  	s14 =	smov.u32 @p5 s24;
	_ =	swait.ge @!p3 [sflag:s12], $0x2000  }
0xaf: {  	s16 =	simm.s32 @!p4 $0x100;
	s14 =	sshll.u32 @!p4 s14, $0x5;
	[sflag:s12] =	ssyncset.done @!p3 $0x0  }
0xb0: {  	s28 =	sadd.s32 @!p4 s2, s14;
	[sflag:s12] =	ssyncadd.s32 @!p3 $0xFFFFE000;
	s12 =	simm.s32 @!p4 $0x0  }
0xb1: {  	[tilespmem:s16], [sflag:$0x3] =	stream.linear.gather @!p4 [hbm4b:s28+s12], $0x80, $0x38;
	[tilespmem:$0x1C600] =	vst v63  }
0xb2: {  	s16 =	simm.s32 @!p4 $0x400;
	s28 =	sadd.s32 @!p4 s14, s13;
	s14 =	sand.u32 @!p4 $0x1FFFFFE0, s14  }
0xb3: {  	[tilespmem:s16], [sflag:$0x7] =	stream.linear.gather @!p4 [hbm4b:s28+s12], $0x40, $0x38;
	[tilespmem:$0x1C600] =	vst v63  }
0xb4: {  	s14 =	sadd.s32 @!p4 s14, s15;
	s16 =	simm.s32 @!p4 $0x480  }
0xb5: {  	[tilespmem:s16], [sflag:$0x7] =	stream.linear.gather @!p4 [hbm4b:s14+s12], $0x40, $0x38;
	[tilespmem:$0x1C600] =	vst v63  }
0xb6: {  	s12 =	simm.s32 @!p1 $0x1  }
0xb7: {  	_ =	swait.ge @!p1 [sflag:s12], $0x80  }
0xb8: {  	s14 =	simm.s32 @!p1 $0x80;
	[sflag:s12] =	ssyncset.done @!p1 $0x0  }
0xb9: {  	s16 =	simm.s32 @!p1 $0x600;
	[sflag:s12] =	ssyncadd.s32 @!p1 $0xFFFFFF80;
	s12 =	simm.s32 @!p2 $0xA  }
0xba: {  	[tilespmem:s16], [sflag:$0x9] =	stream.indirect.gather @!p1 [hbm4b:s1+s14], $0x80, s9, s14, $0xb8;
	[tilespmem:$0x1C600] =	vst v63  }
0xbb: {  	_ =	swait.ge @!p2 [sflag:s12], $0x4000  }
0xbc: {  	[sflag:s12] =	ssyncset.done @!p2 $0x0  }
0xbd: {  	s9 =	simm.s32 @!p2 $0x8;
	[sflag:s12] =	ssyncadd.s32 @!p2 $0xFFFFC000  }
0xbe: {  	_ =	swait.ge @!p2 [sflag:s9], $0x40  }
0xbf: {  	[sflag:s9] =	ssyncset.done @!p2 $0x0  }
0xc0: {  	[sflag:s9] =	ssyncadd.s32 @!p2 $0xFFFFFFC0  }
0xc1: {  	_ =	swait.ge @!p2 [sflag:s9], $0x40  }
0xc2: {  	s29 =	simm.s32 $0x1;
	s10 =	simm.s32 $0x4600;
	[sflag:s9] =	ssyncset.done @!p2 $0x0  }
0xc3: {  	s14 =	simm.s32 @!p2 $0x500;
	s12 =	simm.s32 @!p2 $0x40;
	[sflag:s9] =	ssyncadd.s32 @!p2 $0xFFFFFFC0  }
0xc4: {  	[spmem:s3] =	stream.indirect.scatter.add.f32 @!p2 [tilespmem:s7], [sflag:$0xB], $0x80, s14, s12, $0xb8;
	[tilespmem:$0x1C600] =	vst v63  }
0xc5: {  	s11 =	simm.s32 $0x300;
	s9 =	simm.s32 @!p2 $0x6600;
	s7 =	simm.s32 @!p2 $0x580  }
0xc6: {  	[spmem:s3] =	stream.indirect.scatter.add.f32 @!p2 [tilespmem:s9], [sflag:$0xC], $0x80, s7, s12, $0xb8;
	[tilespmem:$0x1C600] =	vst v63  }
0xc7: {  	s17 =	simm.s32 $0x380;
	p3 =	sle.u32 s6, $0x7;
	s9 =	simm.s32 @!p2 $0xB  }
0xc8: {  	s28 =	simm.s32 $0x4;
	p1 =	por @!p3 $0x1, $0x1;
	_ =	swait.ge @!p2 [sflag:s9], $0x2000  }
0xc9: {  	p4 =	por !p1, p3;
	s14 =	simm.s32 @!p2 $0xC;
	[sflag:s9] =	ssyncset.done @!p2 $0x0  }
0xca: {  	s7 =	simm.s32 @!p3 $0x0;
	[sflag:s9] =	ssyncadd.s32 @!p2 $0xFFFFE000;
	s9 =	sadd.s32 @!p3 $0x0, s18  }
.LBB2_4:
0xcb: {  	_ =	swait.ge @!p2 [sflag:s14], $0x2000;
	s16 =	sadd.s32 @!p3 $0x7, s9  }
0xcc: {  	[sflag:s14] =	ssyncset.done @!p2 $0x0;
	s16 =	smov.u32 @p4 s24  }
0xcd: {  	[sflag:s14] =	ssyncadd.s32 @!p2 $0xFFFFE000;
	s14 =	sshll.u32 @!p3 s16, $0x5  }
0xce: {  	s4 =	simm.s32 @!p3 $0x180;
	s0 =	sadd.s32 @!p3 s2, s14  }
0xcf: {  	[tilespmem:s4], [sflag:$0x4] =	stream.linear.gather @!p3 [hbm4b:s0+s7], $0x80, $0x38;
	[tilespmem:$0x1C600] =	vst v63  }
0xd0: {  	s16 =	simm.s32 @!p3 $0x500;
	s5 =	sadd.s32 @!p3 s14, s13;
	s14 =	sand.u32 @!p3 $0x1FFFFFE0, s14  }
0xd1: {  	[tilespmem:s16], [sflag:$0x8] =	stream.linear.gather @!p3 [hbm4b:s5+s7], $0x40, $0x38;
	[tilespmem:$0x1C600] =	vst v63  }
0xd2: {  	s0 =	sadd.s32 @!p3 s14, s15;
	s4 =	simm.s32 @!p3 $0x580;
	s5 =	simm.s32 @!p0 $0x2  }
0xd3: {  	[tilespmem:s4], [sflag:$0x8] =	stream.linear.gather @!p3 [hbm4b:s0+s7], $0x40, $0x38;
	[tilespmem:$0x1C600] =	vst v63  }
0xd4: {  	_ =	swait.ge @!p0 [sflag:s5], $0x80  }
0xd5: {  	[sflag:s5] =	ssyncset.done @!p0 $0x0  }
0xd6: {  	s0 =	simm.s32 @!p0 $0x4600;
	[sflag:s5] =	ssyncadd.s32 @!p0 $0xFFFFFF80  }
0xd7: {  	[tilespmem:s0], [sflag:$0xA] =	stream.indirect.gather @!p0 [hbm4b:s1+s30], $0x80, s30, s30, $0xb8;
	[tilespmem:$0x1C600] =	vst v63  }
0xd8: {  	_ =	swait.ge [sflag:s19], $0x4000  }
0xd9: {  	[sflag:s19] =	ssyncset.done $0x0  }
0xda: {  	[sflag:s19] =	ssyncadd.s32 $0xFFFFC000  }
0xdb: {  	_ =	swait.ge [sflag:s20], $0x40  }
0xdc: {  	[sflag:s20] =	ssyncset.done $0x0  }
0xdd: {  	[sflag:s20] =	ssyncadd.s32 $0xFFFFFFC0  }
0xde: {  	_ =	swait.ge [sflag:s20], $0x40  }
0xdf: {  	s12 =	smov.u32 s28;
	[sflag:s20] =	ssyncset.done $0x0  }
0xe0: {  	s28 =	sadd.s32 $0x4, s28;
	s14 =	simm.s32 $0x280;
	[sflag:s20] =	ssyncadd.s32 $0xFFFFFFC0  }
0xe1: {  	[spmem:s3] =	stream.indirect.scatter.add.f32 [tilespmem:s8], [sflag:$0xB], $0x80, s31, s21, $0xb8;
	[tilespmem:$0x1C600] =	vst v63  }
0xe2: {  	p3 =	sge.u32 s28, s6;
	s4 =	smov.u32 s24;
	s16 =	rddreg [dreg:$0x7]  }
0xe3: {  	[spmem:s3] =	stream.indirect.scatter.add.f32 [tilespmem:s16], [sflag:$0xC], $0x80, s14, s21, $0xb8;
	[tilespmem:$0x1C600] =	vst v63  }
0xe4: {  	p0 =	seq.s32 @!p3 s12, $0x4C;
	s0 =	sadd.s32 @!p3 s12, s18;
	_ =	swait.ge [sflag:s22], $0x2000  }
0xe5: {  	s0 =	sadd.s32 @!p3 $0x4, s0;
	p0 =	por !p0, p3;
	[sflag:s22] =	ssyncset.done $0x0  }
0xe6: {  	s4 =	smov.u32 @p0 s0;
	[sflag:s22] =	ssyncadd.s32 $0xFFFFE000  }
0xe7: {  	s0 =	sshll.u32 @!p3 s4, $0x5;
	_ =	swait.ge [sflag:s23], $0x2000  }
0xe8: {  	s5 =	sand.u32 @!p3 $0x1FFFFFE0, s0;
	s7 =	sadd.s32 @!p3 s2, s0;
	[sflag:s23] =	ssyncset.done $0x0  }
0xe9: {  	s14 =	simm.s32 @!p3 $0x0;
	s16 =	rddreg [dreg:$0x5];
	[sflag:s23] =	ssyncadd.s32 $0xFFFFE000  }
0xea: {  	[tilespmem:s14], [sflag:$0x1] =	stream.linear.gather @!p3 [hbm4b:s7+s14], $0x80, $0x38;
	[tilespmem:$0x1C600] =	vst v63  }
0xeb: {  	s0 =	sadd.s32 @!p3 s0, s13;
	p4 =	sge.u32 s12, s16;
	s7 =	simm.s32 @!p3 $0x200  }
0xec: {  	[tilespmem:s7], [sflag:$0x5] =	stream.linear.gather @!p3 [hbm4b:s0+s14], $0x40, $0x38;
	[tilespmem:$0x1C600] =	vst v63  }
0xed: {  	s4 =	sadd.s32 @!p3 s5, s15;
	s5 =	simm.s32 @!p4 $0x3;
	s0 =	simm.s32 @!p3 $0x280  }
0xee: {  	[tilespmem:s0], [sflag:$0x5] =	stream.linear.gather @!p3 [hbm4b:s4+s14], $0x40, $0x38;
	[tilespmem:$0x1C600] =	vst v63  }
0xef: {  	_ =	swait.ge @!p4 [sflag:s5], $0x80  }
0xf0: {  	s7 =	simm.s32 @!p4 $0x600;
	[sflag:s5] =	ssyncset.done @!p4 $0x0  }
0xf1: {  	s0 =	simm.s32 @!p4 $0x80;
	s4 =	simm.s32 @!p4 $0x100;
	[sflag:s5] =	ssyncadd.s32 @!p4 $0xFFFFFF80  }
0xf2: {  	[tilespmem:s7], [sflag:$0x9] =	stream.indirect.gather @!p4 [hbm4b:s1+s0], $0x80, s4, s0, $0xb8;
	[tilespmem:$0x1C600] =	vst v63  }
0xf3: {  	_ =	swait.ge [sflag:s25], $0x4000  }
0xf4: {  	[sflag:s25] =	ssyncset.done $0x0  }
0xf5: {  	[sflag:s25] =	ssyncadd.s32 $0xFFFFC000  }
0xf6: {  	_ =	swait.ge [sflag:s26], $0x40  }
0xf7: {  	[sflag:s26] =	ssyncset.done $0x0  }
0xf8: {  	[sflag:s26] =	ssyncadd.s32 $0xFFFFFFC0  }
0xf9: {  	_ =	swait.ge [sflag:s26], $0x40  }
0xfa: {  	s5 =	sadd.s32 $0x5, s12;
	[sflag:s26] =	ssyncset.done $0x0  }
0xfb: {  	p0 =	sge.u32 s5, s6;
	s4 =	smov.u32 s24;
	[sflag:s26] =	ssyncadd.s32 $0xFFFFFFC0  }
0xfc: {  	[spmem:s3] =	stream.indirect.scatter.add.f32 [tilespmem:s10], [sflag:$0xB], $0x80, s11, s21, $0xb8;
	[tilespmem:$0x1C600] =	vst v63  }
0xfd: {  	p2 =	seq.s32 @!p0 s12, $0x4C;
	s0 =	sadd.s32 @!p0 s12, s18;
	s8 =	rddreg [dreg:$0x8]  }
0xfe: {  	[spmem:s3] =	stream.indirect.scatter.add.f32 [tilespmem:s8], [sflag:$0xC], $0x80, s17, s21, $0xb8;
	[tilespmem:$0x1C600] =	vst v63  }
0xff: {  	s0 =	sadd.s32 @!p0 $0x5, s0;
	p2 =	por !p2, p0;
	_ =	swait.ge [sflag:s22], $0x2000  }
0x100: {  	s4 =	smov.u32 @p2 s0;
	[sflag:s22] =	ssyncset.done $0x0  }
0x101: {  	s4 =	sshll.u32 @!p0 s4, $0x5;
	[sflag:s22] =	ssyncadd.s32 $0xFFFFE000  }
0x102: {  	s30 =	simm.s32 @!p0 $0x80;
	s16 =	sand.u32 @!p0 $0x1FFFFFE0, s4;
	_ =	swait.ge [sflag:s23], $0x2000  }
0x103: {  	s5 =	sadd.s32 @!p0 s2, s4;
	s0 =	sadd.s32 @!p0 s16, s15;
	[sflag:s23] =	ssyncset.done $0x0  }
0x104: {  	s16 =	simm.s32 @!p0 $0x0;
	s8 =	rddreg [dreg:$0x6];
	[sflag:s23] =	ssyncadd.s32 $0xFFFFE000  }
0x105: {  	[tilespmem:s30], [sflag:$0x2] =	stream.linear.gather @!p0 [hbm4b:s5+s16], $0x80, $0x38;
	[tilespmem:$0x1C600] =	vst v63  }
0x106: {  	s4 =	sadd.s32 @!p0 s4, s13;
	p2 =	sge.u32 s12, s8;
	s5 =	simm.s32 @!p0 $0x300  }
0x107: {  	[tilespmem:s5], [sflag:$0x6] =	stream.linear.gather @!p0 [hbm4b:s4+s16], $0x40, $0x38;
	[tilespmem:$0x1C600] =	vst v63  }
0x108: {  	s4 =	simm.s32 @!p0 $0x380;
	s5 =	simm.s32 @!p2 $0x4  }
0x109: {  	[tilespmem:s4], [sflag:$0x6] =	stream.linear.gather @!p0 [hbm4b:s0+s16], $0x40, $0x38;
	[tilespmem:$0x1C600] =	vst v63  }
0x10a: {  	_ =	swait.ge @!p2 [sflag:s5], $0x80  }
0x10b: {  	s16 =	simm.s32 @!p2 $0x4600;
	s0 =	simm.s32 @!p2 $0x80;
	[sflag:s5] =	ssyncset.done @!p2 $0x0  }
0x10c: {  	s4 =	simm.s32 @!p2 $0x180;
	[sflag:s5] =	ssyncadd.s32 @!p2 $0xFFFFFF80;
	s5 =	simm.s32 @!p4 $0x9  }
0x10d: {  	[tilespmem:s16], [sflag:$0xA] =	stream.indirect.gather @!p2 [hbm4b:s1+s0], $0x80, s4, s0, $0xb8;
	[tilespmem:$0x1C600] =	vst v63  }
0x10e: {  	_ =	swait.ge @!p4 [sflag:s5], $0x4000  }
0x10f: {  	[sflag:s5] =	ssyncset.done @!p4 $0x0  }
0x110: {  	s0 =	simm.s32 @!p4 $0x7;
	[sflag:s5] =	ssyncadd.s32 @!p4 $0xFFFFC000  }
0x111: {  	_ =	swait.ge @!p4 [sflag:s0], $0x40  }
0x112: {  	[sflag:s0] =	ssyncset.done @!p4 $0x0  }
0x113: {  	[sflag:s0] =	ssyncadd.s32 @!p4 $0xFFFFFFC0  }
0x114: {  	_ =	swait.ge @!p4 [sflag:s0], $0x40  }
0x115: {  	[sflag:s0] =	ssyncset.done @!p4 $0x0  }
0x116: {  	s4 =	simm.s32 @!p4 $0x40;
	s5 =	simm.s32 @!p4 $0x400;
	[sflag:s0] =	ssyncadd.s32 @!p4 $0xFFFFFFC0  }
0x117: {  	[spmem:s3] =	stream.indirect.scatter.add.f32 @!p4 [tilespmem:s7], [sflag:$0xB], $0x80, s5, s4, $0xb8;
	[tilespmem:$0x1C600] =	vst v63  }
0x118: {  	s8 =	simm.s32 @!p4 $0x2600;
	s0 =	simm.s32 @!p4 $0x480;
	s5 =	simm.s32 @!p4 $0xB  }
0x119: {  	[spmem:s3] =	stream.indirect.scatter.add.f32 @!p4 [tilespmem:s8], [sflag:$0xC], $0x80, s0, s4, $0xb8;
	[tilespmem:$0x1C600] =	vst v63  }
0x11a: {  	s7 =	sadd.s32 $0x6, s12;
	_ =	swait.ge @!p4 [sflag:s5], $0x2000  }
0x11b: {  	p5 =	sge.u32 s7, s6;
	s0 =	simm.s32 @!p4 $0xC;
	[sflag:s5] =	ssyncset.done @!p4 $0x0  }
0x11c: {  	p6 =	slt.u32 @!p5 s29, $0x12;
	s4 =	sadd.s32 @!p5 s12, s18;
	[sflag:s5] =	ssyncadd.s32 @!p4 $0xFFFFE000  }
0x11d: {  	p6 =	por !p6, p5;
	s4 =	sadd.s32 @!p5 $0x6, s4;
	_ =	swait.ge @!p4 [sflag:s0], $0x2000  }
0x11e: {  	s4 =	smov.u32 @p6 s24;
	[sflag:s0] =	ssyncset.done @!p4 $0x0  }
0x11f: {  	[sflag:s0] =	ssyncadd.s32 @!p4 $0xFFFFE000;
	s0 =	sshll.u32 @!p5 s4, $0x5  }
0x120: {  	s7 =	simm.s32 @!p5 $0x100;
	s4 =	simm.s32 @!p5 $0x0;
	s8 =	sadd.s32 @!p5 s2, s0  }
0x121: {  	[tilespmem:s7], [sflag:$0x3] =	stream.linear.gather @!p5 [hbm4b:s8+s4], $0x80, $0x38;
	[tilespmem:$0x1C600] =	vst v63  }
0x122: {  	s5 =	simm.s32 @!p5 $0x400;
	s31 =	sadd.s32 @!p5 s0, s13;
	s0 =	sand.u32 @!p5 $0x1FFFFFE0, s0  }
0x123: {  	[tilespmem:s5], [sflag:$0x7] =	stream.linear.gather @!p5 [hbm4b:s31+s4], $0x40, $0x38;
	[tilespmem:$0x1C600] =	vst v63  }
0x124: {  	s0 =	sadd.s32 @!p5 s0, s15;
	s7 =	simm.s32 @!p5 $0x480;
	s5 =	simm.s32 @!p3 $0x1  }
0x125: {  	[tilespmem:s7], [sflag:$0x7] =	stream.linear.gather @!p5 [hbm4b:s0+s4], $0x40, $0x38;
	[tilespmem:$0x1C600] =	vst v63  }
0x126: {  	_ =	swait.ge @!p3 [sflag:s5], $0x80  }
0x127: {  	s0 =	simm.s32 @!p3 $0x80;
	[sflag:s5] =	ssyncset.done @!p3 $0x0  }
0x128: {  	s4 =	simm.s32 @!p3 $0x600;
	s7 =	simm.s32 @!p2 $0xA;
	[sflag:s5] =	ssyncadd.s32 @!p3 $0xFFFFFF80  }
0x129: {  	[tilespmem:s4], [sflag:$0x9] =	stream.indirect.gather @!p3 [hbm4b:s1+s0], $0x80, s14, s0, $0xb8;
	[tilespmem:$0x1C600] =	vst v63  }
0x12a: {  	_ =	swait.ge @!p2 [sflag:s7], $0x4000  }
0x12b: {  	[sflag:s7] =	ssyncset.done @!p2 $0x0  }
0x12c: {  	s0 =	simm.s32 @!p2 $0x8;
	[sflag:s7] =	ssyncadd.s32 @!p2 $0xFFFFC000  }
0x12d: {  	_ =	swait.ge @!p2 [sflag:s0], $0x40  }
0x12e: {  	s9 =	smov.u32 s29;
	[sflag:s0] =	ssyncset.done @!p2 $0x0  }
0x12f: {  	p1 =	sne.s32 s28, $0x50;
	s29 =	sadd.s32 $0x1, s29;
	[sflag:s0] =	ssyncadd.s32 @!p2 $0xFFFFFFC0  }
0x130: {  	s8 =	simm.s32 @!p2 $0x6600;
	s31 =	simm.s32 $0x200;
	_ =	swait.ge @!p2 [sflag:s0], $0x40  }
0x131: {  	s5 =	simm.s32 @!p2 $0x500;
	s4 =	simm.s32 @!p2 $0x40;
	[sflag:s0] =	ssyncset.done @!p2 $0x0  }
0x132: {  	s14 =	simm.s32 @!p2 $0xC;
	s7 =	simm.s32 @!p2 $0x580;
	[sflag:s0] =	ssyncadd.s32 @!p2 $0xFFFFFFC0  }
0x133: {  	[spmem:s3] =	stream.indirect.scatter.add.f32 @!p2 [tilespmem:s16], [sflag:$0xB], $0x80, s5, s4, $0xb8;
	[tilespmem:$0x1C600] =	vst v63  }
.Ltmp1:
0x134: {  	s0 =	simm.s32 @!p2 $0xB;
	s16 =	sadd.s32 $0x7, s12;
	(pc) =	sbr.rel @p1 .LBB2_4-.Ltmp1, $4  }
0x135: {  	[spmem:s3] =	stream.indirect.scatter.add.f32 @!p2 [tilespmem:s8], [sflag:$0xC], $0x80, s7, s4, $0xb8;
	[tilespmem:$0x1C600] =	vst v63  }
0x136: {  	p3 =	sge.u32 s16, s6;
	s8 =	simm.s32 $0x600;
	_ =	swait.ge @!p2 [sflag:s0], $0x2000  }
0x137: {  	p4 =	slt.u32 @!p3 s9, $0x12;
	s7 =	simm.s32 @!p3 $0x0;
	[sflag:s0] =	ssyncset.done @!p2 $0x0  }
0x138: {  	s9 =	sadd.s32 @!p3 s12, s18;
	p4 =	por !p4, p3;
	[sflag:s0] =	ssyncadd.s32 @!p2 $0xFFFFE000  }
0x139: {  	s0 =	sadd.s32 @!p3 $0x7, s9  }
0x13a: {  	_ =	swait.ge @!p2 [sflag:s14], $0x2000;
	s0 =	smov.u32 @p4 s24  }
0x13b: {  	[sflag:s14] =	ssyncset.done @!p2 $0x0;
	s0 =	sshll.u32 @!p3 s0, $0x5  }
0x13c: {  	s4 =	simm.s32 @!p3 $0x180;
	[sflag:s14] =	ssyncadd.s32 @!p2 $0xFFFFE000;
	s5 =	sadd.s32 @!p3 s2, s0  }
0x13d: {  	[tilespmem:s4], [sflag:$0x4] =	stream.linear.gather @!p3 [hbm4b:s5+s7], $0x80, $0x38;
	[tilespmem:$0x1C600] =	vst v63  }
0x13e: {  	s4 =	simm.s32 @!p3 $0x500;
	s5 =	sadd.s32 @!p3 s0, s13;
	s0 =	sand.u32 @!p3 $0x1FFFFFE0, s0  }
0x13f: {  	[tilespmem:s4], [sflag:$0x8] =	stream.linear.gather @!p3 [hbm4b:s5+s7], $0x40, $0x38;
	[tilespmem:$0x1C600] =	vst v63  }
0x140: {  	s0 =	sadd.s32 @!p3 s0, s15;
	s4 =	simm.s32 @!p3 $0x580;
	s5 =	simm.s32 @!p0 $0x2  }
0x141: {  	[tilespmem:s4], [sflag:$0x8] =	stream.linear.gather @!p3 [hbm4b:s0+s7], $0x40, $0x38;
	[tilespmem:$0x1C600] =	vst v63  }
0x142: {  	_ =	swait.ge @!p0 [sflag:s5], $0x80  }
0x143: {  	[sflag:s5] =	ssyncset.done @!p0 $0x0  }
0x144: {  	s0 =	simm.s32 @!p0 $0x4600;
	[sflag:s5] =	ssyncadd.s32 @!p0 $0xFFFFFF80  }
0x145: {  	[tilespmem:s0], [sflag:$0xA] =	stream.indirect.gather @!p0 [hbm4b:s1+s30], $0x80, s30, s30, $0xb8;
	[tilespmem:$0x1C600] =	vst v63  }
0x146: {  	s12 =	stileid.u32;
	[bflag:$0x0] =	sbarrier.arrive $0xFFFF  }
0x147: {  	s5 =	simm.s32 $0xD;
	s0 =	sshll.u32 s12, $0x6;
	s16 =	rddreg [dreg:$0xa]  }
0x148: {  	s0 =	sor.u32 $0x1C0D, s0;
	s17 =	rddreg [dreg:$0x15];
	s14 =	sshrl.u32 s16, $0x3  }
0x149: {  	[hbm:s17], [sflag:s0] =	dma.local [spmem:s14], $0x2800  }
0x14a: {  	_ =	swait.ge [sflag:s5], $0x2800  }
0x14b: {  	s29 =	rddreg [dreg:$0x9]  }
0x14c: {  	s30 =	rddreg [dreg:$0x18];
	s4 =	sadd.s32 $0x1, s29  }
0x14d: {  	p0 =	sne.s32 s4, s30  }
.Ltmp2:
0x14e: {  	_ = 	snop;
	(pc) =	sbr.rel @p0 .LBB2_1-.Ltmp2, $3  }
0x14f: {  	_ =	sdelay $0x1  }
0x150: {  	s10 =	simm.s32 $0x280;
	s11 =	simm.s32 $0x300;
	[sflag:s5] =	ssyncset.done $0x0  }
0x151: {  	s28 =	simm.s32 $0x4600;
	s17 =	simm.s32 $0x380;
	[sflag:s5] =	ssyncadd.s32 $0xFFFFD800  }
0x152: {  	_ =	sfence.sel $0x180000  }
0x153: {  	[bflag:$0x0] =	sbarrier.arrive $0xFFFF  }
0x154: {  	_ =	strace $0x9000004A  }
0x155: {  	s0 =	stileid.u32;
	[bflag:$0x2] =	sbarrier.arrive $0xFFFF  }
0x156: {  	p0 =	sne.s32 s0, $0x0;
	s0 =	rddreg [dreg:$0x4]  }
0x157: {  	s0 =	sadd.s32 @!p0 $0x100000, s0  }
0x158: {  	[sflag:s0] =	ssyncadd.tile.s32 @!p0 $0x1;
	_ =	shalt  }
.Lfunc_end2:
_tile_overlayer_lowered:
.L_overlay_start_2:
0x159: {  	(tag) =	ssettag $0x2  }
0x15a: {  	s0 =	rddreg [dreg:$0x0];
	s2 =	stileid.u32  }
0x15b: {  	s1 =	rddreg [dreg:$0x1];
	p0 =	sne.s32 s2, $0x0  }
0x15c: {  	s3 =	rddreg [dreg:$0x2];
	[bflag:$0x3] =	sbarrier.arrive $0xFFFF;
	s2 =	simm.s32 @!p0 $0x1C0D  }
0x15d: {  	[timem:s3], [sflag:s2] =	dma.local @!p0 [hbm:s0], s1  }
0x15e: {  	s0 =	simm.s32 @!p0 $0xD  }
0x15f: {  	_ =	swait.ge @!p0 [sflag:s0], s1  }
0x160: {  	s1 =	ssub.s32 @!p0 $0x0, s1;
	[sflag:s0] =	ssyncset.done @!p0 $0x0  }
0x161: {  	[sflag:s0] =	ssyncadd.s32 @!p0 s1  }
0x162: {  	[bflag:$0x3] =	sbarrier.arrive $0xFFFF  }
0x163: {  	_ =	shalt  }

</sc_bundles>
